<compile_context>
chip_gen: v7x
topology: tpu7x:2x2x1
jax: 0.10.2.dev20260603
libtpu: 0.0.44.dev20260713+nightly
codegen_flags: <defaults>
</compile_context>

<pallas_src>
import functools

import jax
import jax.numpy as jnp
import numpy as np
from jax import lax
from jax.experimental import pallas as pl
from jax.experimental.pallas import tpu as pltpu
from jax.experimental.pallas import tpu_sc as plsc

_N = 10000
_C = 128
_E = 320000

_NC = 2
_NS = 16
_EPC = _E // _NC
_EPT = _EPC // _NS
_CH = 80
_NCHUNK = _EPT // _CH
_NPAD = 10240
_RPT = _NPAD // _NS

_NB = 2000
_NBLK = _N // _NB



def _pre_body(x_ref, pos_ref, hw1, hb1, hw2, hb2, fwp, fwx, fb,
              u_ref, v_ref):
    x = x_ref[...]
    pos = pos_ref[...]
    t = jnp.maximum(x @ hw1[...] + hb1[...], 0.0)
    delta = jnp.tanh(t @ hw2[...] + hb2[...])
    pfw = pos @ fwp[...]
    u_ref[...] = x @ fwx[...] + pfw
    v_ref[...] = (delta @ fwp[...] - pfw) + fb[...]


def _pre_call(x, pos8, hw1, hb1, hw2, hb2, fwp, fwx, fb):
    full = lambda shape: pl.BlockSpec(shape, lambda i: (0, 0))
    return pl.pallas_call(
        _pre_body,
        grid=(_NBLK,),
        in_specs=[
            pl.BlockSpec((_NB, _C), lambda i: (i, 0)),
            pl.BlockSpec((_NB, 8), lambda i: (i, 0)),
            full((_C, _C)), full((1, _C)),
            full((_C, 8)), full((1, 8)),
            full((8, _C)), full((_C, _C)), full((1, _C)),
        ],
        out_specs=[
            pl.BlockSpec((_NB, _C), lambda i: (i, 0)),
            pl.BlockSpec((_NB, _C), lambda i: (i, 0)),
        ],
        out_shape=[
            jax.ShapeDtypeStruct((_N, _C), jnp.float32),
            jax.ShapeDtypeStruct((_N, _C), jnp.float32),
        ],
    )(x, pos8, hw1, hb1, hw2, hb2, fwp, fwx, fb)


def _edge_body(u_hbm, v_hbm, src_hbm, dst_hbm, out_hbm,
               sidx, didx, urows, vrows, accum,
               gsem0, gsem1, isem0, isem1):
    cid = lax.axis_index("c")
    sid = lax.axis_index("s")
    gsem = (gsem0, gsem1)
    isem = (isem0, isem1)

    tile_base = cid * _EPC + sid * _EPT

    def fire_idx(c, b):
        base = tile_base + c * _CH
        pltpu.async_copy(src_hbm.at[pl.ds(base, _CH)], sidx.at[b], isem[b])
        pltpu.async_copy(dst_hbm.at[pl.ds(base, _CH)], didx.at[b], isem[b])

    def wait_idx(b):
        pltpu.make_async_copy(src_hbm.at[pl.ds(0, _CH)], sidx.at[b],
                              isem[b]).wait()
        pltpu.make_async_copy(dst_hbm.at[pl.ds(0, _CH)], didx.at[b],
                              isem[b]).wait()

    def fire_gather(b):
        pltpu.async_copy(u_hbm.at[sidx.at[b]], urows.at[b], gsem[b])
        pltpu.async_copy(v_hbm.at[didx.at[b]], vrows.at[b], gsem[b])

    def wait_gather(b):
        pltpu.make_async_copy(u_hbm.at[sidx.at[b]], urows.at[b],
                              gsem[b]).wait()
        pltpu.make_async_copy(v_hbm.at[didx.at[b]], vrows.at[b],
                              gsem[b]).wait()

    def step(b, *, last=False):
        if not last:
            wait_idx(1 - b)
            fire_gather(1 - b)
        wait_gather(b)

        def _rbody(r, carry):
            for g in range(_C // 16):
                s = pl.ds(g * 16, 16)
                urows[b, r, s] = jnp.maximum(
                    urows[b, r, s] + vrows[b, r, s], 0.0)
            return carry

        lax.fori_loop(0, _CH, _rbody, 0)
        pltpu.sync_copy(urows.at[b], accum.at[didx.at[b]], add=True)

    zero16 = jnp.zeros((16,), jnp.float32)

    def _zb(r, carry):
        for g in range(_C // 16):
            vrows[0, r, pl.ds(g * 16, 16)] = zero16
        return carry

    lax.fori_loop(0, _CH, _zb, 0)
    for k in range(_RPT // _CH):
        pltpu.sync_copy(vrows.at[0],
                        accum.at[pl.ds(sid * _RPT + k * _CH, _CH)])
    plsc.subcore_barrier()

    pltpu.sync_copy(src_hbm.at[pl.ds(tile_base, _CH)], sidx.at[0])
    pltpu.sync_copy(dst_hbm.at[pl.ds(tile_base, _CH)], didx.at[0])
    fire_gather(0)
    fire_idx(1, 1)

    step(0)
    fire_idx(2, 0)

    @pl.loop(0, (_NCHUNK - 3) // 2)
    def _pair(t):
        step(1)
        fire_idx(2 * t + 3, 1)
        step(0)
        fire_idx(2 * t + 4, 0)

    step(1)
    step(0, last=True)

    plsc.subcore_barrier()
    pltpu.sync_copy(accum.at[pl.ds(sid * _RPT, _RPT)],
                    out_hbm.at[pl.ds(cid * _NPAD + sid * _RPT, _RPT)])


_edge_call = functools.partial(
    pl.kernel,
    mesh=plsc.VectorSubcoreMesh(core_axis_name="c", subcore_axis_name="s"),
    out_type=jax.ShapeDtypeStruct((_NC * _NPAD, _C), jnp.float32),
    scratch_types=[
        pltpu.VMEM((2, _CH), jnp.int32),
        pltpu.VMEM((2, _CH), jnp.int32),
        pltpu.VMEM((2, _CH, _C), jnp.float32),
        pltpu.VMEM((2, _CH, _C), jnp.float32),
        pltpu.VMEM_SHARED((_NPAD, _C), jnp.float32),
        pltpu.SemaphoreType.DMA,
        pltpu.SemaphoreType.DMA,
        pltpu.SemaphoreType.DMA,
        pltpu.SemaphoreType.DMA,
    ],
)(_edge_body)


def _post_body(x_ref, p0_ref, p1_ref, gw1, gb1, gw2, gb2, o_ref):
    aggr = p0_ref[0] + p1_ref[0]
    t = jnp.maximum(aggr @ gw1[...] + gb1[...], 0.0)
    o_ref[...] = x_ref[...] + (t @ gw2[...] + gb2[...])


def _post_call(x, parts, gw1, gb1, gw2, gb2):
    full = lambda shape: pl.BlockSpec(shape, lambda i: (0, 0))
    return pl.pallas_call(
        _post_body,
        grid=(_NBLK,),
        in_specs=[
            pl.BlockSpec((_NB, _C), lambda i: (i, 0)),
            pl.BlockSpec((1, _NB, _C), lambda i: (0, i, 0)),
            pl.BlockSpec((1, _NB, _C), lambda i: (1, i, 0)),
            full((_C, _C)), full((1, _C)),
            full((_C, _C)), full((1, _C)),
        ],
        out_specs=pl.BlockSpec((_NB, _C), lambda i: (i, 0)),
        out_shape=jax.ShapeDtypeStruct((_N, _C), jnp.float32),
    )(x, parts, parts, gw1, gb1, gw2, gb2)


def kernel(x, pos, edge_index,
           h_w1, h_b1, h_w2, h_b2, f_w, f_b, g_w1, g_b1, g_w2, g_b2):
    src = edge_index[0].astype(jnp.int32)
    dst = edge_index[1].astype(jnp.int32)

    fwp = jnp.pad(f_w[:3], ((0, 5), (0, 0)))
    fwx = f_w[3:]
    pos8 = jnp.pad(pos, ((0, 0), (0, 5)))
    hw2 = jnp.pad(h_w2, ((0, 0), (0, 5)))
    hb2 = jnp.pad(h_b2, (0, 5)).reshape(1, 8)

    u, v = _pre_call(x, pos8, h_w1, h_b1.reshape(1, _C), hw2, hb2,
                     fwp, fwx, f_b.reshape(1, _C))
    parts = _edge_call(u, v, src, dst).reshape(_NC, _NPAD, _C)
    return _post_call(x, parts, g_w1, g_b1.reshape(1, _C),
                      g_w2, g_b2.reshape(1, _C))

# --- scband reference (transcript-rebuilt; emitter-appended) ---
"""Pipeline reference for scband-gnnconv-31774168056050 (READ-ONLY COPY).

The authoritative reference and input builder live on the scoring server;
editing this copy changes nothing except your own understanding.
"""

import jax, jax.numpy as jnp
import numpy as np

N = 10000
E = 320000
C = 128

def setup_inputs(seed: int = 0) -> dict:
    key = jax.random.key(seed)
    ks = jax.random.split(key, 16)
    x = jax.random.normal(ks[0], (N, C), dtype=jnp.float32)
    pos = jax.random.normal(ks[1], (N, 3), dtype=jnp.float32)
    edge_index = jax.random.randint(ks[2], (2, E), 0, N, dtype=jnp.int64)
    s = 0.05
    h_w1 = jax.random.normal(ks[3], (C, C), dtype=jnp.float32) * s
    h_b1 = jnp.zeros((C,), dtype=jnp.float32)
    h_w2 = jax.random.normal(ks[4], (C, 3), dtype=jnp.float32) * s
    h_b2 = jnp.zeros((3,), dtype=jnp.float32)
    f_w = jax.random.normal(ks[5], (C + 3, C), dtype=jnp.float32) * s
    f_b = jnp.zeros((C,), dtype=jnp.float32)
    g_w1 = jax.random.normal(ks[6], (C, C), dtype=jnp.float32) * s
    g_b1 = jnp.zeros((C,), dtype=jnp.float32)
    g_w2 = jax.random.normal(ks[7], (C, C), dtype=jnp.float32) * s
    g_b2 = jnp.zeros((C,), dtype=jnp.float32)
    return {"x": x, "pos": pos, "edge_index": edge_index,
            "h_w1": h_w1, "h_b1": h_b1, "h_w2": h_w2, "h_b2": h_b2,
            "f_w": f_w, "f_b": f_b,
            "g_w1": g_w1, "g_b1": g_b1, "g_w2": g_w2, "g_b2": g_b2}

def reference(x, pos, edge_index, h_w1, h_b1, h_w2, h_b2, f_w, f_b, g_w1, g_b1, g_w2, g_b2):
    # PointGNNConv (PyG semantics, flow source_to_target):
    #   message(j->i): delta_i = mlp_h(x_i); e = mlp_f([pos_j - pos_i + delta_i, x_j])
    #   aggr: sum over incoming edges at i
    #   out: x + mlp_g(aggr)
    src = edge_index[0]  # j
    dst = edge_index[1]  # i
    x_i = jnp.take(x, dst, axis=0)
    x_j = jnp.take(x, src, axis=0)
    pos_i = jnp.take(pos, dst, axis=0)
    pos_j = jnp.take(pos, src, axis=0)
    # mlp_h: Linear -> ReLU -> Linear -> Tanh
    delta = jnp.tanh(jnp.maximum(x_i @ h_w1 + h_b1, 0.0) @ h_w2 + h_b2)
    e = jnp.concatenate([pos_j - pos_i + delta, x_j], axis=-1)
    # mlp_f: Linear -> ReLU
    msg = jnp.maximum(e @ f_w + f_b, 0.0)
    aggr = jax.ops.segment_sum(msg, dst, num_segments=x.shape[0])
    # mlp_g: Linear -> ReLU -> Linear
    out = jnp.maximum(aggr @ g_w1 + g_b1, 0.0) @ g_w2 + g_b2
    return x + out

if __name__ == "__main__":
    import jax
    _d = setup_inputs()
    print(jax.jit(kernel)(*tuple(_d.values())))

</pallas_src>

<mosaic_0001>
#map = affine_map<(d0, d1) -> (0, 0)>
#map1 = affine_map<(d0, d1) -> (0)>
module attributes {stable_mosaic.version = 14 : i64} {
  func.func @_edge_body(%arg0: i32, %arg1: i32, %arg2: memref<10000x128xf32, #tpu.memory_space<hbm>>, %arg3: memref<10000x128xf32, #tpu.memory_space<hbm>>, %arg4: memref<320000xi32, #tpu.memory_space<hbm>>, %arg5: memref<320000xi32, #tpu.memory_space<hbm>>, %arg6: memref<20480x128xf32, #tpu.memory_space<hbm>>, %arg7: memref<2x80xi32, #tpu.memory_space<vmem>>, %arg8: memref<2x80xi32, #tpu.memory_space<vmem>>, %arg9: memref<2x80x128xf32, #tpu.memory_space<vmem>>, %arg10: memref<2x80x128xf32, #tpu.memory_space<vmem>>, %arg11: memref<10240x128xf32, #tpu.memory_space<vmem_shared>>, %arg12: memref<!tpu.dma_semaphore, #tpu.memory_space<semaphore_mem>>, %arg13: memref<!tpu.dma_semaphore, #tpu.memory_space<semaphore_mem>>, %arg14: memref<!tpu.dma_semaphore, #tpu.memory_space<semaphore_mem>>, %arg15: memref<!tpu.dma_semaphore, #tpu.memory_space<semaphore_mem>>) attributes {dimension_semantics = [#tpu.dimension_semantics<core_parallel>, #tpu.dimension_semantics<subcore_parallel>], iteration_bounds = array<i64: 2, 16>, scalar_prefetch = 0 : i64, scratch_operands = 9 : i64, tpu.core_type = #tpu.core_type<sc_vector_subcore>, window_params = [{transform_indices = #map}, {transform_indices = #map}, {transform_indices = #map1}, {transform_indices = #map1}, {transform_indices = #map}]} {
    %mul3A = arith.constant 160000 : i32
    %mul3A_0 = arith.muli %arg0, %mul3A : i32
    %mul3A_1 = arith.constant 10000 : i32
    %mul3A_2 = arith.muli %arg1, %mul3A_1 : i32
    %add3A = arith.addi %mul3A_0, %mul3A_2 : i32
    %broadcast_in_dim3A = arith.constant 0.000000e+00 : f32
    %broadcast_in_dim3A_3 = vector.broadcast %broadcast_in_dim3A : f32 to vector<16xf32>
    %scan3A = arith.constant 0 : i32
    %scan3A_4 = arith.constant 0 : i32
    %scan3A_5 = arith.constant 80 : i32
    %scan3A_6 = arith.addi %scan3A_4, %scan3A_5 : i32
    %scan3A_7 = arith.constant 1 : i32
    scf.for %scan3A_313 = %scan3A_4 to %scan3A_6 step %scan3A_7  : i32 {
      %swap3A = arith.constant 0 : i32
      %swap3A_314 = arith.index_cast %swap3A : i32 to index
      %swap3A_315 = arith.index_cast %scan3A_313 : i32 to index
      %swap3A_316 = arith.constant 0 : index
      %swap3A_317 = tpu.vector_load %arg10[%swap3A_314, %swap3A_315, %swap3A_316] {strides = array<i32>} : memref<2x80x128xf32, #tpu.memory_space<vmem>>, vector<1x1x16xf32>,
      %swap3A_318 = vector.shape_cast %swap3A_317 : vector<1x1x16xf32> to vector<16xf32>
      %swap3A_319 = vector.shape_cast %broadcast_in_dim3A_3 : vector<16xf32> to vector<1x1x16xf32>
      tpu.vector_store %arg10[%swap3A_314, %swap3A_315, %swap3A_316], %swap3A_319 {strides = array<i32>} : memref<2x80x128xf32, #tpu.memory_space<vmem>>, vector<1x1x16xf32>,
      %swap3A_320 = arith.constant 0 : i32
      %swap3A_321 = arith.index_cast %swap3A_320 : i32 to index
      %swap3A_322 = arith.index_cast %scan3A_313 : i32 to index
      %swap3A_323 = arith.constant 16 : index
      %swap3A_324 = tpu.vector_load %arg10[%swap3A_321, %swap3A_322, %swap3A_323] {strides = array<i32>} : memref<2x80x128xf32, #tpu.memory_space<vmem>>, vector<1x1x16xf32>,
      %swap3A_325 = vector.shape_cast %swap3A_324 : vector<1x1x16xf32> to vector<16xf32>
      %swap3A_326 = vector.shape_cast %broadcast_in_dim3A_3 : vector<16xf32> to vector<1x1x16xf32>
      tpu.vector_store %arg10[%swap3A_321, %swap3A_322, %swap3A_323], %swap3A_326 {strides = array<i32>} : memref<2x80x128xf32, #tpu.memory_space<vmem>>, vector<1x1x16xf32>,
      %swap3A_327 = arith.constant 0 : i32
      %swap3A_328 = arith.index_cast %swap3A_327 : i32 to index
      %swap3A_329 = arith.index_cast %scan3A_313 : i32 to index
      %swap3A_330 = arith.constant 32 : index
      %swap3A_331 = tpu.vector_load %arg10[%swap3A_328, %swap3A_329, %swap3A_330] {strides = array<i32>} : memref<2x80x128xf32, #tpu.memory_space<vmem>>, vector<1x1x16xf32>,
      %swap3A_332 = vector.shape_cast %swap3A_331 : vector<1x1x16xf32> to vector<16xf32>
      %swap3A_333 = vector.shape_cast %broadcast_in_dim3A_3 : vector<16xf32> to vector<1x1x16xf32>
      tpu.vector_store %arg10[%swap3A_328, %swap3A_329, %swap3A_330], %swap3A_333 {strides = array<i32>} : memref<2x80x128xf32, #tpu.memory_space<vmem>>, vector<1x1x16xf32>,
      %swap3A_334 = arith.constant 0 : i32
      %swap3A_335 = arith.index_cast %swap3A_334 : i32 to index
      %swap3A_336 = arith.index_cast %scan3A_313 : i32 to index
      %swap3A_337 = arith.constant 48 : index
      %swap3A_338 = tpu.vector_load %arg10[%swap3A_335, %swap3A_336, %swap3A_337] {strides = array<i32>} : memref<2x80x128xf32, #tpu.memory_space<vmem>>, vector<1x1x16xf32>,
      %swap3A_339 = vector.shape_cast %swap3A_338 : vector<1x1x16xf32> to vector<16xf32>
      %swap3A_340 = vector.shape_cast %broadcast_in_dim3A_3 : vector<16xf32> to vector<1x1x16xf32>
      tpu.vector_store %arg10[%swap3A_335, %swap3A_336, %swap3A_337], %swap3A_340 {strides = array<i32>} : memref<2x80x128xf32, #tpu.memory_space<vmem>>, vector<1x1x16xf32>,
      %swap3A_341 = arith.constant 0 : i32
      %swap3A_342 = arith.index_cast %swap3A_341 : i32 to index
      %swap3A_343 = arith.index_cast %scan3A_313 : i32 to index
      %swap3A_344 = arith.constant 64 : index
      %swap3A_345 = tpu.vector_load %arg10[%swap3A_342, %swap3A_343, %swap3A_344] {strides = array<i32>} : memref<2x80x128xf32, #tpu.memory_space<vmem>>, vector<1x1x16xf32>,
      %swap3A_346 = vector.shape_cast %swap3A_345 : vector<1x1x16xf32> to vector<16xf32>
      %swap3A_347 = vector.shape_cast %broadcast_in_dim3A_3 : vector<16xf32> to vector<1x1x16xf32>
      tpu.vector_store %arg10[%swap3A_342, %swap3A_343, %swap3A_344], %swap3A_347 {strides = array<i32>} : memref<2x80x128xf32, #tpu.memory_space<vmem>>, vector<1x1x16xf32>,
      %swap3A_348 = arith.constant 0 : i32
      %swap3A_349 = arith.index_cast %swap3A_348 : i32 to index
      %swap3A_350 = arith.index_cast %scan3A_313 : i32 to index
      %swap3A_351 = arith.constant 80 : index
      %swap3A_352 = tpu.vector_load %arg10[%swap3A_349, %swap3A_350, %swap3A_351] {strides = array<i32>} : memref<2x80x128xf32, #tpu.memory_space<vmem>>, vector<1x1x16xf32>,
      %swap3A_353 = vector.shape_cast %swap3A_352 : vector<1x1x16xf32> to vector<16xf32>
      %swap3A_354 = vector.shape_cast %broadcast_in_dim3A_3 : vector<16xf32> to vector<1x1x16xf32>
      tpu.vector_store %arg10[%swap3A_349, %swap3A_350, %swap3A_351], %swap3A_354 {strides = array<i32>} : memref<2x80x128xf32, #tpu.memory_space<vmem>>, vector<1x1x16xf32>,
      %swap3A_355 = arith.constant 0 : i32
      %swap3A_356 = arith.index_cast %swap3A_355 : i32 to index
      %swap3A_357 = arith.index_cast %scan3A_313 : i32 to index
      %swap3A_358 = arith.constant 96 : index
      %swap3A_359 = tpu.vector_load %arg10[%swap3A_356, %swap3A_357, %swap3A_358] {strides = array<i32>} : memref<2x80x128xf32, #tpu.memory_space<vmem>>, vector<1x1x16xf32>,
      %swap3A_360 = vector.shape_cast %swap3A_359 : vector<1x1x16xf32> to vector<16xf32>
      %swap3A_361 = vector.shape_cast %broadcast_in_dim3A_3 : vector<16xf32> to vector<1x1x16xf32>
      tpu.vector_store %arg10[%swap3A_356, %swap3A_357, %swap3A_358], %swap3A_361 {strides = array<i32>} : memref<2x80x128xf32, #tpu.memory_space<vmem>>, vector<1x1x16xf32>,
      %swap3A_362 = arith.constant 0 : i32
      %swap3A_363 = arith.index_cast %swap3A_362 : i32 to index
      %swap3A_364 = arith.index_cast %scan3A_313 : i32 to index
      %swap3A_365 = arith.constant 112 : index
      %swap3A_366 = tpu.vector_load %arg10[%swap3A_363, %swap3A_364, %swap3A_365] {strides = array<i32>} : memref<2x80x128xf32, #tpu.memory_space<vmem>>, vector<1x1x16xf32>,
      %swap3A_367 = vector.shape_cast %swap3A_366 : vector<1x1x16xf32> to vector<16xf32>
      %swap3A_368 = vector.shape_cast %broadcast_in_dim3A_3 : vector<16xf32> to vector<1x1x16xf32>
      tpu.vector_store %arg10[%swap3A_363, %swap3A_364, %swap3A_365], %swap3A_368 {strides = array<i32>} : memref<2x80x128xf32, #tpu.memory_space<vmem>>, vector<1x1x16xf32>,
    }
    %scan3A_8 = arith.constant 80 : i32
    %mul3A_9 = arith.constant 640 : i32
    %mul3A_10 = arith.muli %arg1, %mul3A_9 : i32
    %add3A_11 = arith.constant 0 : i32
    %add3A_12 = arith.addi %mul3A_10, %add3A_11 : i32
    %run_scoped3A = arith.constant 0 : i32
    "tpu.region"() ({
      %run_scoped3A_313 = tpu.sem_alloc : memref<!tpu.dma_semaphore, #tpu.memory_space<semaphore_mem>>
      %dma_start3A_314 = arith.constant 0 : i32
      %dma_start3A_315 = arith.constant 0 : i32
      %dma_start3A_316 = tpu.memref_slice %arg10[%run_scoped3A, %dma_start3A_314, %dma_start3A_315] : memref<2x80x128xf32, #tpu.memory_space<vmem>> -> memref<1x80x128xf32, #tpu.memory_space<vmem>>
      %dma_start3A_317 = tpu.memref_squeeze %dma_start3A_316 : memref<1x80x128xf32, #tpu.memory_space<vmem>> -> memref<80x128xf32, #tpu.memory_space<vmem>>
      %dma_start3A_318 = arith.constant 0 : i32
      %dma_start3A_319 = tpu.memref_slice %arg11[%add3A_12, %dma_start3A_318] : memref<10240x128xf32, #tpu.memory_space<vmem_shared>> -> memref<80x128xf32, #tpu.memory_space<vmem_shared>>
      %dma_start3A_320 = arith.constant 0 : i32
      %dma_start3A_321 = tpu.memref_slice %arg11[%add3A_12, %dma_start3A_320] : memref<10240x128xf32, #tpu.memory_space<vmem_shared>> -> memref<80x128xf32, #tpu.memory_space<vmem_shared>>
      %dma_start3A_322 = arith.constant 0 : i32
      %dma_start3A_323 = arith.constant 0 : i32
      %dma_start3A_324 = tpu.memref_slice %arg10[%run_scoped3A, %dma_start3A_322, %dma_start3A_323] : memref<2x80x128xf32, #tpu.memory_space<vmem>> -> memref<1x80x128xf32, #tpu.memory_space<vmem>>
      %dma_start3A_325 = tpu.memref_squeeze %dma_start3A_324 : memref<1x80x128xf32, #tpu.memory_space<vmem>> -> memref<80x128xf32, #tpu.memory_space<vmem>>
      tpu.enqueue_dma source(%dma_start3A_325 : memref<80x128xf32, #tpu.memory_space<vmem>>) target(%dma_start3A_321 : memref<80x128xf32, #tpu.memory_space<vmem_shared>>) target_semaphore(%run_scoped3A_313 : memref<!tpu.dma_semaphore, #tpu.memory_space<semaphore_mem>>)
      %dma_wait3A_326 = arith.constant 0 : i32
      %dma_wait3A_327 = arith.constant 0 : i32
      %dma_wait3A_328 = tpu.memref_slice %arg10[%run_scoped3A, %dma_wait3A_326, %dma_wait3A_327] : memref<2x80x128xf32, #tpu.memory_space<vmem>> -> memref<1x80x128xf32, #tpu.memory_space<vmem>>
      %dma_wait3A_329 = tpu.memref_squeeze %dma_wait3A_328 : memref<1x80x128xf32, #tpu.memory_space<vmem>> -> memref<80x128xf32, #tpu.memory_space<vmem>>
      %dma_wait3A_330 = arith.constant 0 : i32
      %dma_wait3A_331 = tpu.memref_slice %arg11[%add3A_12, %dma_wait3A_330] : memref<10240x128xf32, #tpu.memory_space<vmem_shared>> -> memref<80x128xf32, #tpu.memory_space<vmem_shared>>
      %dma_wait3A_332 = arith.constant 0 : i32
      %dma_wait3A_333 = tpu.memref_slice %arg11[%add3A_12, %dma_wait3A_332] : memref<10240x128xf32, #tpu.memory_space<vmem_shared>> -> memref<80x128xf32, #tpu.memory_space<vmem_shared>>
      %dma_wait3A_334 = arith.constant 0 : i32
      %dma_wait3A_335 = arith.constant 0 : i32
      %dma_wait3A_336 = tpu.memref_slice %arg10[%run_scoped3A, %dma_wait3A_334, %dma_wait3A_335] : memref<2x80x128xf32, #tpu.memory_space<vmem>> -> memref<1x80x128xf32, #tpu.memory_space<vmem>>
      %dma_wait3A_337 = tpu.memref_squeeze %dma_wait3A_336 : memref<1x80x128xf32, #tpu.memory_space<vmem>> -> memref<80x128xf32, #tpu.memory_space<vmem>>
      tpu.wait_dma2 semaphore(%run_scoped3A_313 : memref<!tpu.dma_semaphore, #tpu.memory_space<semaphore_mem>>) src(%dma_wait3A_337 : memref<80x128xf32, #tpu.memory_space<vmem>>) dst(%dma_wait3A_333 : memref<80x128xf32, #tpu.memory_space<vmem_shared>>)
      tpu.yield
    }) : () -> ()
    %mul3A_13 = arith.constant 640 : i32
    %mul3A_14 = arith.muli %arg1, %mul3A_13 : i32
    %add3A_15 = arith.constant 80 : i32
    %add3A_16 = arith.addi %mul3A_14, %add3A_15 : i32
    %run_scoped3A_17 = arith.constant 0 : i32
    "tpu.region"() ({
      %run_scoped3A_313 = tpu.sem_alloc : memref<!tpu.dma_semaphore, #tpu.memory_space<semaphore_mem>>
      %dma_start3A_314 = arith.constant 0 : i32
      %dma_start3A_315 = arith.constant 0 : i32
      %dma_start3A_316 = tpu.memref_slice %arg10[%run_scoped3A_17, %dma_start3A_314, %dma_start3A_315] : memref<2x80x128xf32, #tpu.memory_space<vmem>> -> memref<1x80x128xf32, #tpu.memory_space<vmem>>
      %dma_start3A_317 = tpu.memref_squeeze %dma_start3A_316 : memref<1x80x128xf32, #tpu.memory_space<vmem>> -> memref<80x128xf32, #tpu.memory_space<vmem>>
      %dma_start3A_318 = arith.constant 0 : i32
      %dma_start3A_319 = tpu.memref_slice %arg11[%add3A_16, %dma_start3A_318] : memref<10240x128xf32, #tpu.memory_space<vmem_shared>> -> memref<80x128xf32, #tpu.memory_space<vmem_shared>>
      %dma_start3A_320 = arith.constant 0 : i32
      %dma_start3A_321 = tpu.memref_slice %arg11[%add3A_16, %dma_start3A_320] : memref<10240x128xf32, #tpu.memory_space<vmem_shared>> -> memref<80x128xf32, #tpu.memory_space<vmem_shared>>
      %dma_start3A_322 = arith.constant 0 : i32
      %dma_start3A_323 = arith.constant 0 : i32
      %dma_start3A_324 = tpu.memref_slice %arg10[%run_scoped3A_17, %dma_start3A_322, %dma_start3A_323] : memref<2x80x128xf32, #tpu.memory_space<vmem>> -> memref<1x80x128xf32, #tpu.memory_space<vmem>>
      %dma_start3A_325 = tpu.memref_squeeze %dma_start3A_324 : memref<1x80x128xf32, #tpu.memory_space<vmem>> -> memref<80x128xf32, #tpu.memory_space<vmem>>
      tpu.enqueue_dma source(%dma_start3A_325 : memref<80x128xf32, #tpu.memory_space<vmem>>) target(%dma_start3A_321 : memref<80x128xf32, #tpu.memory_space<vmem_shared>>) target_semaphore(%run_scoped3A_313 : memref<!tpu.dma_semaphore, #tpu.memory_space<semaphore_mem>>)
      %dma_wait3A_326 = arith.constant 0 : i32
      %dma_wait3A_327 = arith.constant 0 : i32
      %dma_wait3A_328 = tpu.memref_slice %arg10[%run_scoped3A_17, %dma_wait3A_326, %dma_wait3A_327] : memref<2x80x128xf32, #tpu.memory_space<vmem>> -> memref<1x80x128xf32, #tpu.memory_space<vmem>>
      %dma_wait3A_329 = tpu.memref_squeeze %dma_wait3A_328 : memref<1x80x128xf32, #tpu.memory_space<vmem>> -> memref<80x128xf32, #tpu.memory_space<vmem>>
      %dma_wait3A_330 = arith.constant 0 : i32
      %dma_wait3A_331 = tpu.memref_slice %arg11[%add3A_16, %dma_wait3A_330] : memref<10240x128xf32, #tpu.memory_space<vmem_shared>> -> memref<80x128xf32, #tpu.memory_space<vmem_shared>>
      %dma_wait3A_332 = arith.constant 0 : i32
      %dma_wait3A_333 = tpu.memref_slice %arg11[%add3A_16, %dma_wait3A_332] : memref<10240x128xf32, #tpu.memory_space<vmem_shared>> -> memref<80x128xf32, #tpu.memory_space<vmem_shared>>
      %dma_wait3A_334 = arith.constant 0 : i32
      %dma_wait3A_335 = arith.constant 0 : i32
      %dma_wait3A_336 = tpu.memref_slice %arg10[%run_scoped3A_17, %dma_wait3A_334, %dma_wait3A_335] : memref<2x80x128xf32, #tpu.memory_space<vmem>> -> memref<1x80x128xf32, #tpu.memory_space<vmem>>
      %dma_wait3A_337 = tpu.memref_squeeze %dma_wait3A_336 : memref<1x80x128xf32, #tpu.memory_space<vmem>> -> memref<80x128xf32, #tpu.memory_space<vmem>>
      tpu.wait_dma2 semaphore(%run_scoped3A_313 : memref<!tpu.dma_semaphore, #tpu.memory_space<semaphore_mem>>) src(%dma_wait3A_337 : memref<80x128xf32, #tpu.memory_space<vmem>>) dst(%dma_wait3A_333 : memref<80x128xf32, #tpu.memory_space<vmem_shared>>)
      tpu.yield
    }) : () -> ()
    %mul3A_18 = arith.constant 640 : i32
    %mul3A_19 = arith.muli %arg1, %mul3A_18 : i32
    %add3A_20 = arith.constant 160 : i32
    %add3A_21 = arith.addi %mul3A_19, %add3A_20 : i32
    %run_scoped3A_22 = arith.constant 0 : i32
    "tpu.region"() ({
      %run_scoped3A_313 = tpu.sem_alloc : memref<!tpu.dma_semaphore, #tpu.memory_space<semaphore_mem>>
      %dma_start3A_314 = arith.constant 0 : i32
      %dma_start3A_315 = arith.constant 0 : i32
      %dma_start3A_316 = tpu.memref_slice %arg10[%run_scoped3A_22, %dma_start3A_314, %dma_start3A_315] : memref<2x80x128xf32, #tpu.memory_space<vmem>> -> memref<1x80x128xf32, #tpu.memory_space<vmem>>
      %dma_start3A_317 = tpu.memref_squeeze %dma_start3A_316 : memref<1x80x128xf32, #tpu.memory_space<vmem>> -> memref<80x128xf32, #tpu.memory_space<vmem>>
      %dma_start3A_318 = arith.constant 0 : i32
      %dma_start3A_319 = tpu.memref_slice %arg11[%add3A_21, %dma_start3A_318] : memref<10240x128xf32, #tpu.memory_space<vmem_shared>> -> memref<80x128xf32, #tpu.memory_space<vmem_shared>>
      %dma_start3A_320 = arith.constant 0 : i32
      %dma_start3A_321 = tpu.memref_slice %arg11[%add3A_21, %dma_start3A_320] : memref<10240x128xf32, #tpu.memory_space<vmem_shared>> -> memref<80x128xf32, #tpu.memory_space<vmem_shared>>
      %dma_start3A_322 = arith.constant 0 : i32
      %dma_start3A_323 = arith.constant 0 : i32
      %dma_start3A_324 = tpu.memref_slice %arg10[%run_scoped3A_22, %dma_start3A_322, %dma_start3A_323] : memref<2x80x128xf32, #tpu.memory_space<vmem>> -> memref<1x80x128xf32, #tpu.memory_space<vmem>>
      %dma_start3A_325 = tpu.memref_squeeze %dma_start3A_324 : memref<1x80x128xf32, #tpu.memory_space<vmem>> -> memref<80x128xf32, #tpu.memory_space<vmem>>
      tpu.enqueue_dma source(%dma_start3A_325 : memref<80x128xf32, #tpu.memory_space<vmem>>) target(%dma_start3A_321 : memref<80x128xf32, #tpu.memory_space<vmem_shared>>) target_semaphore(%run_scoped3A_313 : memref<!tpu.dma_semaphore, #tpu.memory_space<semaphore_mem>>)
      %dma_wait3A_326 = arith.constant 0 : i32
      %dma_wait3A_327 = arith.constant 0 : i32
      %dma_wait3A_328 = tpu.memref_slice %arg10[%run_scoped3A_22, %dma_wait3A_326, %dma_wait3A_327] : memref<2x80x128xf32, #tpu.memory_space<vmem>> -> memref<1x80x128xf32, #tpu.memory_space<vmem>>
      %dma_wait3A_329 = tpu.memref_squeeze %dma_wait3A_328 : memref<1x80x128xf32, #tpu.memory_space<vmem>> -> memref<80x128xf32, #tpu.memory_space<vmem>>
      %dma_wait3A_330 = arith.constant 0 : i32
      %dma_wait3A_331 = tpu.memref_slice %arg11[%add3A_21, %dma_wait3A_330] : memref<10240x128xf32, #tpu.memory_space<vmem_shared>> -> memref<80x128xf32, #tpu.memory_space<vmem_shared>>
      %dma_wait3A_332 = arith.constant 0 : i32
      %dma_wait3A_333 = tpu.memref_slice %arg11[%add3A_21, %dma_wait3A_332] : memref<10240x128xf32, #tpu.memory_space<vmem_shared>> -> memref<80x128xf32, #tpu.memory_space<vmem_shared>>
      %dma_wait3A_334 = arith.constant 0 : i32
      %dma_wait3A_335 = arith.constant 0 : i32
      %dma_wait3A_336 = tpu.memref_slice %arg10[%run_scoped3A_22, %dma_wait3A_334, %dma_wait3A_335] : memref<2x80x128xf32, #tpu.memory_space<vmem>> -> memref<1x80x128xf32, #tpu.memory_space<vmem>>
      %dma_wait3A_337 = tpu.memref_squeeze %dma_wait3A_336 : memref<1x80x128xf32, #tpu.memory_space<vmem>> -> memref<80x128xf32, #tpu.memory_space<vmem>>
      tpu.wait_dma2 semaphore(%run_scoped3A_313 : memref<!tpu.dma_semaphore, #tpu.memory_space<semaphore_mem>>) src(%dma_wait3A_337 : memref<80x128xf32, #tpu.memory_space<vmem>>) dst(%dma_wait3A_333 : memref<80x128xf32, #tpu.memory_space<vmem_shared>>)
      tpu.yield
    }) : () -> ()
    %mul3A_23 = arith.constant 640 : i32
    %mul3A_24 = arith.muli %arg1, %mul3A_23 : i32
    %add3A_25 = arith.constant 240 : i32
    %add3A_26 = arith.addi %mul3A_24, %add3A_25 : i32
    %run_scoped3A_27 = arith.constant 0 : i32
    "tpu.region"() ({
      %run_scoped3A_313 = tpu.sem_alloc : memref<!tpu.dma_semaphore, #tpu.memory_space<semaphore_mem>>
      %dma_start3A_314 = arith.constant 0 : i32
      %dma_start3A_315 = arith.constant 0 : i32
      %dma_start3A_316 = tpu.memref_slice %arg10[%run_scoped3A_27, %dma_start3A_314, %dma_start3A_315] : memref<2x80x128xf32, #tpu.memory_space<vmem>> -> memref<1x80x128xf32, #tpu.memory_space<vmem>>
      %dma_start3A_317 = tpu.memref_squeeze %dma_start3A_316 : memref<1x80x128xf32, #tpu.memory_space<vmem>> -> memref<80x128xf32, #tpu.memory_space<vmem>>
      %dma_start3A_318 = arith.constant 0 : i32
      %dma_start3A_319 = tpu.memref_slice %arg11[%add3A_26, %dma_start3A_318] : memref<10240x128xf32, #tpu.memory_space<vmem_shared>> -> memref<80x128xf32, #tpu.memory_space<vmem_shared>>
      %dma_start3A_320 = arith.constant 0 : i32
      %dma_start3A_321 = tpu.memref_slice %arg11[%add3A_26, %dma_start3A_320] : memref<10240x128xf32, #tpu.memory_space<vmem_shared>> -> memref<80x128xf32, #tpu.memory_space<vmem_shared>>
      %dma_start3A_322 = arith.constant 0 : i32
      %dma_start3A_323 = arith.constant 0 : i32
      %dma_start3A_324 = tpu.memref_slice %arg10[%run_scoped3A_27, %dma_start3A_322, %dma_start3A_323] : memref<2x80x128xf32, #tpu.memory_space<vmem>> -> memref<1x80x128xf32, #tpu.memory_space<vmem>>
      %dma_start3A_325 = tpu.memref_squeeze %dma_start3A_324 : memref<1x80x128xf32, #tpu.memory_space<vmem>> -> memref<80x128xf32, #tpu.memory_space<vmem>>
      tpu.enqueue_dma source(%dma_start3A_325 : memref<80x128xf32, #tpu.memory_space<vmem>>) target(%dma_start3A_321 : memref<80x128xf32, #tpu.memory_space<vmem_shared>>) target_semaphore(%run_scoped3A_313 : memref<!tpu.dma_semaphore, #tpu.memory_space<semaphore_mem>>)
      %dma_wait3A_326 = arith.constant 0 : i32
      %dma_wait3A_327 = arith.constant 0 : i32
      %dma_wait3A_328 = tpu.memref_slice %arg10[%run_scoped3A_27, %dma_wait3A_326, %dma_wait3A_327] : memref<2x80x128xf32, #tpu.memory_space<vmem>> -> memref<1x80x128xf32, #tpu.memory_space<vmem>>
      %dma_wait3A_329 = tpu.memref_squeeze %dma_wait3A_328 : memref<1x80x128xf32, #tpu.memory_space<vmem>> -> memref<80x128xf32, #tpu.memory_space<vmem>>
      %dma_wait3A_330 = arith.constant 0 : i32
      %dma_wait3A_331 = tpu.memref_slice %arg11[%add3A_26, %dma_wait3A_330] : memref<10240x128xf32, #tpu.memory_space<vmem_shared>> -> memref<80x128xf32, #tpu.memory_space<vmem_shared>>
      %dma_wait3A_332 = arith.constant 0 : i32
      %dma_wait3A_333 = tpu.memref_slice %arg11[%add3A_26, %dma_wait3A_332] : memref<10240x128xf32, #tpu.memory_space<vmem_shared>> -> memref<80x128xf32, #tpu.memory_space<vmem_shared>>
      %dma_wait3A_334 = arith.constant 0 : i32
      %dma_wait3A_335 = arith.constant 0 : i32
      %dma_wait3A_336 = tpu.memref_slice %arg10[%run_scoped3A_27, %dma_wait3A_334, %dma_wait3A_335] : memref<2x80x128xf32, #tpu.memory_space<vmem>> -> memref<1x80x128xf32, #tpu.memory_space<vmem>>
      %dma_wait3A_337 = tpu.memref_squeeze %dma_wait3A_336 : memref<1x80x128xf32, #tpu.memory_space<vmem>> -> memref<80x128xf32, #tpu.memory_space<vmem>>
      tpu.wait_dma2 semaphore(%run_scoped3A_313 : memref<!tpu.dma_semaphore, #tpu.memory_space<semaphore_mem>>) src(%dma_wait3A_337 : memref<80x128xf32, #tpu.memory_space<vmem>>) dst(%dma_wait3A_333 : memref<80x128xf32, #tpu.memory_space<vmem_shared>>)
      tpu.yield
    }) : () -> ()
    %mul3A_28 = arith.constant 640 : i32
    %mul3A_29 = arith.muli %arg1, %mul3A_28 : i32
    %add3A_30 = arith.constant 320 : i32
    %add3A_31 = arith.addi %mul3A_29, %add3A_30 : i32
    %run_scoped3A_32 = arith.constant 0 : i32
    "tpu.region"() ({
      %run_scoped3A_313 = tpu.sem_alloc : memref<!tpu.dma_semaphore, #tpu.memory_space<semaphore_mem>>
      %dma_start3A_314 = arith.constant 0 : i32
      %dma_start3A_315 = arith.constant 0 : i32
      %dma_start3A_316 = tpu.memref_slice %arg10[%run_scoped3A_32, %dma_start3A_314, %dma_start3A_315] : memref<2x80x128xf32, #tpu.memory_space<vmem>> -> memref<1x80x128xf32, #tpu.memory_space<vmem>>
      %dma_start3A_317 = tpu.memref_squeeze %dma_start3A_316 : memref<1x80x128xf32, #tpu.memory_space<vmem>> -> memref<80x128xf32, #tpu.memory_space<vmem>>
      %dma_start3A_318 = arith.constant 0 : i32
      %dma_start3A_319 = tpu.memref_slice %arg11[%add3A_31, %dma_start3A_318] : memref<10240x128xf32, #tpu.memory_space<vmem_shared>> -> memref<80x128xf32, #tpu.memory_space<vmem_shared>>
      %dma_start3A_320 = arith.constant 0 : i32
      %dma_start3A_321 = tpu.memref_slice %arg11[%add3A_31, %dma_start3A_320] : memref<10240x128xf32, #tpu.memory_space<vmem_shared>> -> memref<80x128xf32, #tpu.memory_space<vmem_shared>>
      %dma_start3A_322 = arith.constant 0 : i32
      %dma_start3A_323 = arith.constant 0 : i32
      %dma_start3A_324 = tpu.memref_slice %arg10[%run_scoped3A_32, %dma_start3A_322, %dma_start3A_323] : memref<2x80x128xf32, #tpu.memory_space<vmem>> -> memref<1x80x128xf32, #tpu.memory_space<vmem>>
      %dma_start3A_325 = tpu.memref_squeeze %dma_start3A_324 : memref<1x80x128xf32, #tpu.memory_space<vmem>> -> memref<80x128xf32, #tpu.memory_space<vmem>>
      tpu.enqueue_dma source(%dma_start3A_325 : memref<80x128xf32, #tpu.memory_space<vmem>>) target(%dma_start3A_321 : memref<80x128xf32, #tpu.memory_space<vmem_shared>>) target_semaphore(%run_scoped3A_313 : memref<!tpu.dma_semaphore, #tpu.memory_space<semaphore_mem>>)
      %dma_wait3A_326 = arith.constant 0 : i32
      %dma_wait3A_327 = arith.constant 0 : i32
      %dma_wait3A_328 = tpu.memref_slice %arg10[%run_scoped3A_32, %dma_wait3A_326, %dma_wait3A_327] : memref<2x80x128xf32, #tpu.memory_space<vmem>> -> memref<1x80x128xf32, #tpu.memory_space<vmem>>
      %dma_wait3A_329 = tpu.memref_squeeze %dma_wait3A_328 : memref<1x80x128xf32, #tpu.memory_space<vmem>> -> memref<80x128xf32, #tpu.memory_space<vmem>>
      %dma_wait3A_330 = arith.constant 0 : i32
      %dma_wait3A_331 = tpu.memref_slice %arg11[%add3A_31, %dma_wait3A_330] : memref<10240x128xf32, #tpu.memory_space<vmem_shared>> -> memref<80x128xf32, #tpu.memory_space<vmem_shared>>
      %dma_wait3A_332 = arith.constant 0 : i32
      %dma_wait3A_333 = tpu.memref_slice %arg11[%add3A_31, %dma_wait3A_332] : memref<10240x128xf32, #tpu.memory_space<vmem_shared>> -> memref<80x128xf32, #tpu.memory_space<vmem_shared>>
      %dma_wait3A_334 = arith.constant 0 : i32
      %dma_wait3A_335 = arith.constant 0 : i32
      %dma_wait3A_336 = tpu.memref_slice %arg10[%run_scoped3A_32, %dma_wait3A_334, %dma_wait3A_335] : memref<2x80x128xf32, #tpu.memory_space<vmem>> -> memref<1x80x128xf32, #tpu.memory_space<vmem>>
      %dma_wait3A_337 = tpu.memref_squeeze %dma_wait3A_336 : memref<1x80x128xf32, #tpu.memory_space<vmem>> -> memref<80x128xf32, #tpu.memory_space<vmem>>
      tpu.wait_dma2 semaphore(%run_scoped3A_313 : memref<!tpu.dma_semaphore, #tpu.memory_space<semaphore_mem>>) src(%dma_wait3A_337 : memref<80x128xf32, #tpu.memory_space<vmem>>) dst(%dma_wait3A_333 : memref<80x128xf32, #tpu.memory_space<vmem_shared>>)
      tpu.yield
    }) : () -> ()
    %mul3A_33 = arith.constant 640 : i32
    %mul3A_34 = arith.muli %arg1, %mul3A_33 : i32
    %add3A_35 = arith.constant 400 : i32
    %add3A_36 = arith.addi %mul3A_34, %add3A_35 : i32
    %run_scoped3A_37 = arith.constant 0 : i32
    "tpu.region"() ({
      %run_scoped3A_313 = tpu.sem_alloc : memref<!tpu.dma_semaphore, #tpu.memory_space<semaphore_mem>>
      %dma_start3A_314 = arith.constant 0 : i32
      %dma_start3A_315 = arith.constant 0 : i32
      %dma_start3A_316 = tpu.memref_slice %arg10[%run_scoped3A_37, %dma_start3A_314, %dma_start3A_315] : memref<2x80x128xf32, #tpu.memory_space<vmem>> -> memref<1x80x128xf32, #tpu.memory_space<vmem>>
      %dma_start3A_317 = tpu.memref_squeeze %dma_start3A_316 : memref<1x80x128xf32, #tpu.memory_space<vmem>> -> memref<80x128xf32, #tpu.memory_space<vmem>>
      %dma_start3A_318 = arith.constant 0 : i32
      %dma_start3A_319 = tpu.memref_slice %arg11[%add3A_36, %dma_start3A_318] : memref<10240x128xf32, #tpu.memory_space<vmem_shared>> -> memref<80x128xf32, #tpu.memory_space<vmem_shared>>
      %dma_start3A_320 = arith.constant 0 : i32
      %dma_start3A_321 = tpu.memref_slice %arg11[%add3A_36, %dma_start3A_320] : memref<10240x128xf32, #tpu.memory_space<vmem_shared>> -> memref<80x128xf32, #tpu.memory_space<vmem_shared>>
      %dma_start3A_322 = arith.constant 0 : i32
      %dma_start3A_323 = arith.constant 0 : i32
      %dma_start3A_324 = tpu.memref_slice %arg10[%run_scoped3A_37, %dma_start3A_322, %dma_start3A_323] : memref<2x80x128xf32, #tpu.memory_space<vmem>> -> memref<1x80x128xf32, #tpu.memory_space<vmem>>
      %dma_start3A_325 = tpu.memref_squeeze %dma_start3A_324 : memref<1x80x128xf32, #tpu.memory_space<vmem>> -> memref<80x128xf32, #tpu.memory_space<vmem>>
      tpu.enqueue_dma source(%dma_start3A_325 : memref<80x128xf32, #tpu.memory_space<vmem>>) target(%dma_start3A_321 : memref<80x128xf32, #tpu.memory_space<vmem_shared>>) target_semaphore(%run_scoped3A_313 : memref<!tpu.dma_semaphore, #tpu.memory_space<semaphore_mem>>)
      %dma_wait3A_326 = arith.constant 0 : i32
      %dma_wait3A_327 = arith.constant 0 : i32
      %dma_wait3A_328 = tpu.memref_slice %arg10[%run_scoped3A_37, %dma_wait3A_326, %dma_wait3A_327] : memref<2x80x128xf32, #tpu.memory_space<vmem>> -> memref<1x80x128xf32, #tpu.memory_space<vmem>>
      %dma_wait3A_329 = tpu.memref_squeeze %dma_wait3A_328 : memref<1x80x128xf32, #tpu.memory_space<vmem>> -> memref<80x128xf32, #tpu.memory_space<vmem>>
      %dma_wait3A_330 = arith.constant 0 : i32
      %dma_wait3A_331 = tpu.memref_slice %arg11[%add3A_36, %dma_wait3A_330] : memref<10240x128xf32, #tpu.memory_space<vmem_shared>> -> memref<80x128xf32, #tpu.memory_space<vmem_shared>>
      %dma_wait3A_332 = arith.constant 0 : i32
      %dma_wait3A_333 = tpu.memref_slice %arg11[%add3A_36, %dma_wait3A_332] : memref<10240x128xf32, #tpu.memory_space<vmem_shared>> -> memref<80x128xf32, #tpu.memory_space<vmem_shared>>
      %dma_wait3A_334 = arith.constant 0 : i32
      %dma_wait3A_335 = arith.constant 0 : i32
      %dma_wait3A_336 = tpu.memref_slice %arg10[%run_scoped3A_37, %dma_wait3A_334, %dma_wait3A_335] : memref<2x80x128xf32, #tpu.memory_space<vmem>> -> memref<1x80x128xf32, #tpu.memory_space<vmem>>
      %dma_wait3A_337 = tpu.memref_squeeze %dma_wait3A_336 : memref<1x80x128xf32, #tpu.memory_space<vmem>> -> memref<80x128xf32, #tpu.memory_space<vmem>>
      tpu.wait_dma2 semaphore(%run_scoped3A_313 : memref<!tpu.dma_semaphore, #tpu.memory_space<semaphore_mem>>) src(%dma_wait3A_337 : memref<80x128xf32, #tpu.memory_space<vmem>>) dst(%dma_wait3A_333 : memref<80x128xf32, #tpu.memory_space<vmem_shared>>)
      tpu.yield
    }) : () -> ()
    %mul3A_38 = arith.constant 640 : i32
    %mul3A_39 = arith.muli %arg1, %mul3A_38 : i32
    %add3A_40 = arith.constant 480 : i32
    %add3A_41 = arith.addi %mul3A_39, %add3A_40 : i32
    %run_scoped3A_42 = arith.constant 0 : i32
    "tpu.region"() ({
      %run_scoped3A_313 = tpu.sem_alloc : memref<!tpu.dma_semaphore, #tpu.memory_space<semaphore_mem>>
      %dma_start3A_314 = arith.constant 0 : i32
      %dma_start3A_315 = arith.constant 0 : i32
      %dma_start3A_316 = tpu.memref_slice %arg10[%run_scoped3A_42, %dma_start3A_314, %dma_start3A_315] : memref<2x80x128xf32, #tpu.memory_space<vmem>> -> memref<1x80x128xf32, #tpu.memory_space<vmem>>
      %dma_start3A_317 = tpu.memref_squeeze %dma_start3A_316 : memref<1x80x128xf32, #tpu.memory_space<vmem>> -> memref<80x128xf32, #tpu.memory_space<vmem>>
      %dma_start3A_318 = arith.constant 0 : i32
      %dma_start3A_319 = tpu.memref_slice %arg11[%add3A_41, %dma_start3A_318] : memref<10240x128xf32, #tpu.memory_space<vmem_shared>> -> memref<80x128xf32, #tpu.memory_space<vmem_shared>>
      %dma_start3A_320 = arith.constant 0 : i32
      %dma_start3A_321 = tpu.memref_slice %arg11[%add3A_41, %dma_start3A_320] : memref<10240x128xf32, #tpu.memory_space<vmem_shared>> -> memref<80x128xf32, #tpu.memory_space<vmem_shared>>
      %dma_start3A_322 = arith.constant 0 : i32
      %dma_start3A_323 = arith.constant 0 : i32
      %dma_start3A_324 = tpu.memref_slice %arg10[%run_scoped3A_42, %dma_start3A_322, %dma_start3A_323] : memref<2x80x128xf32, #tpu.memory_space<vmem>> -> memref<1x80x128xf32, #tpu.memory_space<vmem>>
      %dma_start3A_325 = tpu.memref_squeeze %dma_start3A_324 : memref<1x80x128xf32, #tpu.memory_space<vmem>> -> memref<80x128xf32, #tpu.memory_space<vmem>>
      tpu.enqueue_dma source(%dma_start3A_325 : memref<80x128xf32, #tpu.memory_space<vmem>>) target(%dma_start3A_321 : memref<80x128xf32, #tpu.memory_space<vmem_shared>>) target_semaphore(%run_scoped3A_313 : memref<!tpu.dma_semaphore, #tpu.memory_space<semaphore_mem>>)
      %dma_wait3A_326 = arith.constant 0 : i32
      %dma_wait3A_327 = arith.constant 0 : i32
      %dma_wait3A_328 = tpu.memref_slice %arg10[%run_scoped3A_42, %dma_wait3A_326, %dma_wait3A_327] : memref<2x80x128xf32, #tpu.memory_space<vmem>> -> memref<1x80x128xf32, #tpu.memory_space<vmem>>
      %dma_wait3A_329 = tpu.memref_squeeze %dma_wait3A_328 : memref<1x80x128xf32, #tpu.memory_space<vmem>> -> memref<80x128xf32, #tpu.memory_space<vmem>>
      %dma_wait3A_330 = arith.constant 0 : i32
      %dma_wait3A_331 = tpu.memref_slice %arg11[%add3A_41, %dma_wait3A_330] : memref<10240x128xf32, #tpu.memory_space<vmem_shared>> -> memref<80x128xf32, #tpu.memory_space<vmem_shared>>
      %dma_wait3A_332 = arith.constant 0 : i32
      %dma_wait3A_333 = tpu.memref_slice %arg11[%add3A_41, %dma_wait3A_332] : memref<10240x128xf32, #tpu.memory_space<vmem_shared>> -> memref<80x128xf32, #tpu.memory_space<vmem_shared>>
      %dma_wait3A_334 = arith.constant 0 : i32
      %dma_wait3A_335 = arith.constant 0 : i32
      %dma_wait3A_336 = tpu.memref_slice %arg10[%run_scoped3A_42, %dma_wait3A_334, %dma_wait3A_335] : memref<2x80x128xf32, #tpu.memory_space<vmem>> -> memref<1x80x128xf32, #tpu.memory_space<vmem>>
      %dma_wait3A_337 = tpu.memref_squeeze %dma_wait3A_336 : memref<1x80x128xf32, #tpu.memory_space<vmem>> -> memref<80x128xf32, #tpu.memory_space<vmem>>
      tpu.wait_dma2 semaphore(%run_scoped3A_313 : memref<!tpu.dma_semaphore, #tpu.memory_space<semaphore_mem>>) src(%dma_wait3A_337 : memref<80x128xf32, #tpu.memory_space<vmem>>) dst(%dma_wait3A_333 : memref<80x128xf32, #tpu.memory_space<vmem_shared>>)
      tpu.yield
    }) : () -> ()
    %mul3A_43 = arith.constant 640 : i32
    %mul3A_44 = arith.muli %arg1, %mul3A_43 : i32
    %add3A_45 = arith.constant 560 : i32
    %add3A_46 = arith.addi %mul3A_44, %add3A_45 : i32
    %run_scoped3A_47 = arith.constant 0 : i32
    "tpu.region"() ({
      %run_scoped3A_313 = tpu.sem_alloc : memref<!tpu.dma_semaphore, #tpu.memory_space<semaphore_mem>>
      %dma_start3A_314 = arith.constant 0 : i32
      %dma_start3A_315 = arith.constant 0 : i32
      %dma_start3A_316 = tpu.memref_slice %arg10[%run_scoped3A_47, %dma_start3A_314, %dma_start3A_315] : memref<2x80x128xf32, #tpu.memory_space<vmem>> -> memref<1x80x128xf32, #tpu.memory_space<vmem>>
      %dma_start3A_317 = tpu.memref_squeeze %dma_start3A_316 : memref<1x80x128xf32, #tpu.memory_space<vmem>> -> memref<80x128xf32, #tpu.memory_space<vmem>>
      %dma_start3A_318 = arith.constant 0 : i32
      %dma_start3A_319 = tpu.memref_slice %arg11[%add3A_46, %dma_start3A_318] : memref<10240x128xf32, #tpu.memory_space<vmem_shared>> -> memref<80x128xf32, #tpu.memory_space<vmem_shared>>
      %dma_start3A_320 = arith.constant 0 : i32
      %dma_start3A_321 = tpu.memref_slice %arg11[%add3A_46, %dma_start3A_320] : memref<10240x128xf32, #tpu.memory_space<vmem_shared>> -> memref<80x128xf32, #tpu.memory_space<vmem_shared>>
      %dma_start3A_322 = arith.constant 0 : i32
      %dma_start3A_323 = arith.constant 0 : i32
      %dma_start3A_324 = tpu.memref_slice %arg10[%run_scoped3A_47, %dma_start3A_322, %dma_start3A_323] : memref<2x80x128xf32, #tpu.memory_space<vmem>> -> memref<1x80x128xf32, #tpu.memory_space<vmem>>
      %dma_start3A_325 = tpu.memref_squeeze %dma_start3A_324 : memref<1x80x128xf32, #tpu.memory_space<vmem>> -> memref<80x128xf32, #tpu.memory_space<vmem>>
      tpu.enqueue_dma source(%dma_start3A_325 : memref<80x128xf32, #tpu.memory_space<vmem>>) target(%dma_start3A_321 : memref<80x128xf32, #tpu.memory_space<vmem_shared>>) target_semaphore(%run_scoped3A_313 : memref<!tpu.dma_semaphore, #tpu.memory_space<semaphore_mem>>)
      %dma_wait3A_326 = arith.constant 0 : i32
      %dma_wait3A_327 = arith.constant 0 : i32
      %dma_wait3A_328 = tpu.memref_slice %arg10[%run_scoped3A_47, %dma_wait3A_326, %dma_wait3A_327] : memref<2x80x128xf32, #tpu.memory_space<vmem>> -> memref<1x80x128xf32, #tpu.memory_space<vmem>>
      %dma_wait3A_329 = tpu.memref_squeeze %dma_wait3A_328 : memref<1x80x128xf32, #tpu.memory_space<vmem>> -> memref<80x128xf32, #tpu.memory_space<vmem>>
      %dma_wait3A_330 = arith.constant 0 : i32
      %dma_wait3A_331 = tpu.memref_slice %arg11[%add3A_46, %dma_wait3A_330] : memref<10240x128xf32, #tpu.memory_space<vmem_shared>> -> memref<80x128xf32, #tpu.memory_space<vmem_shared>>
      %dma_wait3A_332 = arith.constant 0 : i32
      %dma_wait3A_333 = tpu.memref_slice %arg11[%add3A_46, %dma_wait3A_332] : memref<10240x128xf32, #tpu.memory_space<vmem_shared>> -> memref<80x128xf32, #tpu.memory_space<vmem_shared>>
      %dma_wait3A_334 = arith.constant 0 : i32
      %dma_wait3A_335 = arith.constant 0 : i32
      %dma_wait3A_336 = tpu.memref_slice %arg10[%run_scoped3A_47, %dma_wait3A_334, %dma_wait3A_335] : memref<2x80x128xf32, #tpu.memory_space<vmem>> -> memref<1x80x128xf32, #tpu.memory_space<vmem>>
      %dma_wait3A_337 = tpu.memref_squeeze %dma_wait3A_336 : memref<1x80x128xf32, #tpu.memory_space<vmem>> -> memref<80x128xf32, #tpu.memory_space<vmem>>
      tpu.wait_dma2 semaphore(%run_scoped3A_313 : memref<!tpu.dma_semaphore, #tpu.memory_space<semaphore_mem>>) src(%dma_wait3A_337 : memref<80x128xf32, #tpu.memory_space<vmem>>) dst(%dma_wait3A_333 : memref<80x128xf32, #tpu.memory_space<vmem_shared>>)
      tpu.yield
    }) : () -> ()
    %barrier3A = arith.constant 0 : index
    tpu.barrier barrier_id(%barrier3A)
    %run_scoped3A_48 = arith.constant 0 : i32
    "tpu.region"() ({
      %run_scoped3A_313 = tpu.sem_alloc : memref<!tpu.dma_semaphore, #tpu.memory_space<semaphore_mem>>
      %dma_start3A_314 = arith.constant 0 : i32
      %dma_start3A_315 = tpu.memref_slice %arg7[%run_scoped3A_48, %dma_start3A_314] : memref<2x80xi32, #tpu.memory_space<vmem>> -> memref<1x80xi32, #tpu.memory_space<vmem>>
      %dma_start3A_316 = tpu.memref_squeeze %dma_start3A_315 : memref<1x80xi32, #tpu.memory_space<vmem>> -> memref<80xi32, #tpu.memory_space<vmem>>
      %dma_start3A_317 = tpu.memref_slice %arg4[%add3A] : memref<320000xi32, #tpu.memory_space<hbm>> -> memref<80xi32, #tpu.memory_space<hbm>>
      %dma_start3A_318 = arith.constant 0 : i32
      %dma_start3A_319 = tpu.memref_slice %arg7[%run_scoped3A_48, %dma_start3A_318] : memref<2x80xi32, #tpu.memory_space<vmem>> -> memref<1x80xi32, #tpu.memory_space<vmem>>
      %dma_start3A_320 = tpu.memref_squeeze %dma_start3A_319 : memref<1x80xi32, #tpu.memory_space<vmem>> -> memref<80xi32, #tpu.memory_space<vmem>>
      %dma_start3A_321 = tpu.memref_slice %arg4[%add3A] : memref<320000xi32, #tpu.memory_space<hbm>> -> memref<80xi32, #tpu.memory_space<hbm>>
      tpu.enqueue_dma source(%dma_start3A_321 : memref<80xi32, #tpu.memory_space<hbm>>) target(%dma_start3A_320 : memref<80xi32, #tpu.memory_space<vmem>>) target_semaphore(%run_scoped3A_313 : memref<!tpu.dma_semaphore, #tpu.memory_space<semaphore_mem>>)
      %dma_wait3A_322 = arith.constant 0 : i32
      %dma_wait3A_323 = tpu.memref_slice %arg7[%run_scoped3A_48, %dma_wait3A_322] : memref<2x80xi32, #tpu.memory_space<vmem>> -> memref<1x80xi32, #tpu.memory_space<vmem>>
      %dma_wait3A_324 = tpu.memref_squeeze %dma_wait3A_323 : memref<1x80xi32, #tpu.memory_space<vmem>> -> memref<80xi32, #tpu.memory_space<vmem>>
      %dma_wait3A_325 = tpu.memref_slice %arg4[%add3A] : memref<320000xi32, #tpu.memory_space<hbm>> -> memref<80xi32, #tpu.memory_space<hbm>>
      %dma_wait3A_326 = arith.constant 0 : i32
      %dma_wait3A_327 = tpu.memref_slice %arg7[%run_scoped3A_48, %dma_wait3A_326] : memref<2x80xi32, #tpu.memory_space<vmem>> -> memref<1x80xi32, #tpu.memory_space<vmem>>
      %dma_wait3A_328 = tpu.memref_squeeze %dma_wait3A_327 : memref<1x80xi32, #tpu.memory_space<vmem>> -> memref<80xi32, #tpu.memory_space<vmem>>
      %dma_wait3A_329 = tpu.memref_slice %arg4[%add3A] : memref<320000xi32, #tpu.memory_space<hbm>> -> memref<80xi32, #tpu.memory_space<hbm>>
      tpu.wait_dma2 semaphore(%run_scoped3A_313 : memref<!tpu.dma_semaphore, #tpu.memory_space<semaphore_mem>>) src(%dma_wait3A_329 : memref<80xi32, #tpu.memory_space<hbm>>) dst(%dma_wait3A_328 : memref<80xi32, #tpu.memory_space<vmem>>)
      tpu.yield
    }) : () -> ()
    %run_scoped3A_49 = arith.constant 0 : i32
    "tpu.region"() ({
      %run_scoped3A_313 = tpu.sem_alloc : memref<!tpu.dma_semaphore, #tpu.memory_space<semaphore_mem>>
      %dma_start3A_314 = arith.constant 0 : i32
      %dma_start3A_315 = tpu.memref_slice %arg8[%run_scoped3A_49, %dma_start3A_314] : memref<2x80xi32, #tpu.memory_space<vmem>> -> memref<1x80xi32, #tpu.memory_space<vmem>>
      %dma_start3A_316 = tpu.memref_squeeze %dma_start3A_315 : memref<1x80xi32, #tpu.memory_space<vmem>> -> memref<80xi32, #tpu.memory_space<vmem>>
      %dma_start3A_317 = tpu.memref_slice %arg5[%add3A] : memref<320000xi32, #tpu.memory_space<hbm>> -> memref<80xi32, #tpu.memory_space<hbm>>
      %dma_start3A_318 = arith.constant 0 : i32
      %dma_start3A_319 = tpu.memref_slice %arg8[%run_scoped3A_49, %dma_start3A_318] : memref<2x80xi32, #tpu.memory_space<vmem>> -> memref<1x80xi32, #tpu.memory_space<vmem>>
      %dma_start3A_320 = tpu.memref_squeeze %dma_start3A_319 : memref<1x80xi32, #tpu.memory_space<vmem>> -> memref<80xi32, #tpu.memory_space<vmem>>
      %dma_start3A_321 = tpu.memref_slice %arg5[%add3A] : memref<320000xi32, #tpu.memory_space<hbm>> -> memref<80xi32, #tpu.memory_space<hbm>>
      tpu.enqueue_dma source(%dma_start3A_321 : memref<80xi32, #tpu.memory_space<hbm>>) target(%dma_start3A_320 : memref<80xi32, #tpu.memory_space<vmem>>) target_semaphore(%run_scoped3A_313 : memref<!tpu.dma_semaphore, #tpu.memory_space<semaphore_mem>>)
      %dma_wait3A_322 = arith.constant 0 : i32
      %dma_wait3A_323 = tpu.memref_slice %arg8[%run_scoped3A_49, %dma_wait3A_322] : memref<2x80xi32, #tpu.memory_space<vmem>> -> memref<1x80xi32, #tpu.memory_space<vmem>>
      %dma_wait3A_324 = tpu.memref_squeeze %dma_wait3A_323 : memref<1x80xi32, #tpu.memory_space<vmem>> -> memref<80xi32, #tpu.memory_space<vmem>>
      %dma_wait3A_325 = tpu.memref_slice %arg5[%add3A] : memref<320000xi32, #tpu.memory_space<hbm>> -> memref<80xi32, #tpu.memory_space<hbm>>
      %dma_wait3A_326 = arith.constant 0 : i32
      %dma_wait3A_327 = tpu.memref_slice %arg8[%run_scoped3A_49, %dma_wait3A_326] : memref<2x80xi32, #tpu.memory_space<vmem>> -> memref<1x80xi32, #tpu.memory_space<vmem>>
      %dma_wait3A_328 = tpu.memref_squeeze %dma_wait3A_327 : memref<1x80xi32, #tpu.memory_space<vmem>> -> memref<80xi32, #tpu.memory_space<vmem>>
      %dma_wait3A_329 = tpu.memref_slice %arg5[%add3A] : memref<320000xi32, #tpu.memory_space<hbm>> -> memref<80xi32, #tpu.memory_space<hbm>>
      tpu.wait_dma2 semaphore(%run_scoped3A_313 : memref<!tpu.dma_semaphore, #tpu.memory_space<semaphore_mem>>) src(%dma_wait3A_329 : memref<80xi32, #tpu.memory_space<hbm>>) dst(%dma_wait3A_328 : memref<80xi32, #tpu.memory_space<vmem>>)
      tpu.yield
    }) : () -> ()
    %dma_start3A = arith.constant 0 : i32
    %dma_start3A_50 = arith.constant 0 : i32
    %dma_start3A_51 = arith.constant 0 : i32
    %dma_start3A_52 = arith.constant 0 : i32
    %dma_start3A_53 = tpu.memref_slice %arg9[%dma_start3A_50, %dma_start3A_51, %dma_start3A_52] : memref<2x80x128xf32, #tpu.memory_space<vmem>> -> memref<1x80x128xf32, #tpu.memory_space<vmem>>
    %dma_start3A_54 = tpu.memref_squeeze %dma_start3A_53 : memref<1x80x128xf32, #tpu.memory_space<vmem>> -> memref<80x128xf32, #tpu.memory_space<vmem>>
    %dma_start3A_55 = arith.constant 0 : i32
    %dma_start3A_56 = tpu.memref_slice %arg7[%dma_start3A, %dma_start3A_55] : memref<2x80xi32, #tpu.memory_space<vmem>> -> memref<1x80xi32, #tpu.memory_space<vmem>>
    %dma_start3A_57 = tpu.memref_squeeze %dma_start3A_56 : memref<1x80xi32, #tpu.memory_space<vmem>> -> memref<80xi32, #tpu.memory_space<vmem>>
    %dma_start3A_58 = arith.constant 0 : i32
    %dma_start3A_59 = arith.constant 0 : i32
    %dma_start3A_60 = tpu.memref_slice %arg2[%dma_start3A_58, %dma_start3A_59] : memref<10000x128xf32, #tpu.memory_space<hbm>> -> memref<10000x128xf32, #tpu.memory_space<hbm>>
    tpu.enqueue_indirect_dma source(%dma_start3A_60 : memref<10000x128xf32, #tpu.memory_space<hbm>>) target(%dma_start3A_54 : memref<80x128xf32, #tpu.memory_space<vmem>>) offsets(%dma_start3A_57 : memref<80xi32, #tpu.memory_space<vmem>>) semaphore(%arg12 : memref<!tpu.dma_semaphore, #tpu.memory_space<semaphore_mem>>)
    %dma_start3A_61 = arith.constant 0 : i32
    %dma_start3A_62 = arith.constant 0 : i32
    %dma_start3A_63 = arith.constant 0 : i32
    %dma_start3A_64 = arith.constant 0 : i32
    %dma_start3A_65 = tpu.memref_slice %arg10[%dma_start3A_62, %dma_start3A_63, %dma_start3A_64] : memref<2x80x128xf32, #tpu.memory_space<vmem>> -> memref<1x80x128xf32, #tpu.memory_space<vmem>>
    %dma_start3A_66 = tpu.memref_squeeze %dma_start3A_65 : memref<1x80x128xf32, #tpu.memory_space<vmem>> -> memref<80x128xf32, #tpu.memory_space<vmem>>
    %dma_start3A_67 = arith.constant 0 : i32
    %dma_start3A_68 = tpu.memref_slice %arg8[%dma_start3A_61, %dma_start3A_67] : memref<2x80xi32, #tpu.memory_space<vmem>> -> memref<1x80xi32, #tpu.memory_space<vmem>>
    %dma_start3A_69 = tpu.memref_squeeze %dma_start3A_68 : memref<1x80xi32, #tpu.memory_space<vmem>> -> memref<80xi32, #tpu.memory_space<vmem>>
    %dma_start3A_70 = arith.constant 0 : i32
    %dma_start3A_71 = arith.constant 0 : i32
    %dma_start3A_72 = tpu.memref_slice %arg3[%dma_start3A_70, %dma_start3A_71] : memref<10000x128xf32, #tpu.memory_space<hbm>> -> memref<10000x128xf32, #tpu.memory_space<hbm>>
    tpu.enqueue_indirect_dma source(%dma_start3A_72 : memref<10000x128xf32, #tpu.memory_space<hbm>>) target(%dma_start3A_66 : memref<80x128xf32, #tpu.memory_space<vmem>>) offsets(%dma_start3A_69 : memref<80xi32, #tpu.memory_space<vmem>>) semaphore(%arg12 : memref<!tpu.dma_semaphore, #tpu.memory_space<semaphore_mem>>)
    %add3A_73 = arith.constant 80 : i32
    %add3A_74 = arith.addi %add3A, %add3A_73 : i32
    %dma_start3A_75 = arith.constant 1 : i32
    %dma_start3A_76 = arith.constant 0 : i32
    %dma_start3A_77 = tpu.memref_slice %arg7[%dma_start3A_75, %dma_start3A_76] : memref<2x80xi32, #tpu.memory_space<vmem>> -> memref<1x80xi32, #tpu.memory_space<vmem>>
    %dma_start3A_78 = tpu.memref_squeeze %dma_start3A_77 : memref<1x80xi32, #tpu.memory_space<vmem>> -> memref<80xi32, #tpu.memory_space<vmem>>
    %dma_start3A_79 = tpu.memref_slice %arg4[%add3A_74] : memref<320000xi32, #tpu.memory_space<hbm>> -> memref<80xi32, #tpu.memory_space<hbm>>
    %dma_start3A_80 = arith.constant 0 : i32
    %dma_start3A_81 = tpu.memref_slice %arg7[%dma_start3A_75, %dma_start3A_80] : memref<2x80xi32, #tpu.memory_space<vmem>> -> memref<1x80xi32, #tpu.memory_space<vmem>>
    %dma_start3A_82 = tpu.memref_squeeze %dma_start3A_81 : memref<1x80xi32, #tpu.memory_space<vmem>> -> memref<80xi32, #tpu.memory_space<vmem>>
    %dma_start3A_83 = tpu.memref_slice %arg4[%add3A_74] : memref<320000xi32, #tpu.memory_space<hbm>> -> memref<80xi32, #tpu.memory_space<hbm>>
    tpu.enqueue_dma source(%dma_start3A_83 : memref<80xi32, #tpu.memory_space<hbm>>) target(%dma_start3A_82 : memref<80xi32, #tpu.memory_space<vmem>>) target_semaphore(%arg15 : memref<!tpu.dma_semaphore, #tpu.memory_space<semaphore_mem>>)
    %dma_start3A_84 = arith.constant 1 : i32
    %dma_start3A_85 = arith.constant 0 : i32
    %dma_start3A_86 = tpu.memref_slice %arg8[%dma_start3A_84, %dma_start3A_85] : memref<2x80xi32, #tpu.memory_space<vmem>> -> memref<1x80xi32, #tpu.memory_space<vmem>>
    %dma_start3A_87 = tpu.memref_squeeze %dma_start3A_86 : memref<1x80xi32, #tpu.memory_space<vmem>> -> memref<80xi32, #tpu.memory_space<vmem>>
    %dma_start3A_88 = tpu.memref_slice %arg5[%add3A_74] : memref<320000xi32, #tpu.memory_space<hbm>> -> memref<80xi32, #tpu.memory_space<hbm>>
    %dma_start3A_89 = arith.constant 0 : i32
    %dma_start3A_90 = tpu.memref_slice %arg8[%dma_start3A_84, %dma_start3A_89] : memref<2x80xi32, #tpu.memory_space<vmem>> -> memref<1x80xi32, #tpu.memory_space<vmem>>
    %dma_start3A_91 = tpu.memref_squeeze %dma_start3A_90 : memref<1x80xi32, #tpu.memory_space<vmem>> -> memref<80xi32, #tpu.memory_space<vmem>>
    %dma_start3A_92 = tpu.memref_slice %arg5[%add3A_74] : memref<320000xi32, #tpu.memory_space<hbm>> -> memref<80xi32, #tpu.memory_space<hbm>>
    tpu.enqueue_dma source(%dma_start3A_92 : memref<80xi32, #tpu.memory_space<hbm>>) target(%dma_start3A_91 : memref<80xi32, #tpu.memory_space<vmem>>) target_semaphore(%arg15 : memref<!tpu.dma_semaphore, #tpu.memory_space<semaphore_mem>>)
    %dma_wait3A = arith.constant 1 : i32
    %dma_wait3A_93 = arith.constant 0 : i32
    %dma_wait3A_94 = tpu.memref_slice %arg7[%dma_wait3A, %dma_wait3A_93] : memref<2x80xi32, #tpu.memory_space<vmem>> -> memref<1x80xi32, #tpu.memory_space<vmem>>
    %dma_wait3A_95 = tpu.memref_squeeze %dma_wait3A_94 : memref<1x80xi32, #tpu.memory_space<vmem>> -> memref<80xi32, #tpu.memory_space<vmem>>
    %dma_wait3A_96 = arith.constant 0 : i32
    %dma_wait3A_97 = tpu.memref_slice %arg4[%dma_wait3A_96] : memref<320000xi32, #tpu.memory_space<hbm>> -> memref<80xi32, #tpu.memory_space<hbm>>
    %dma_wait3A_98 = arith.constant 0 : i32
    %dma_wait3A_99 = tpu.memref_slice %arg7[%dma_wait3A, %dma_wait3A_98] : memref<2x80xi32, #tpu.memory_space<vmem>> -> memref<1x80xi32, #tpu.memory_space<vmem>>
    %dma_wait3A_100 = tpu.memref_squeeze %dma_wait3A_99 : memref<1x80xi32, #tpu.memory_space<vmem>> -> memref<80xi32, #tpu.memory_space<vmem>>
    %dma_wait3A_101 = arith.constant 0 : i32
    %dma_wait3A_102 = tpu.memref_slice %arg4[%dma_wait3A_101] : memref<320000xi32, #tpu.memory_space<hbm>> -> memref<80xi32, #tpu.memory_space<hbm>>
    tpu.wait_dma2 semaphore(%arg15 : memref<!tpu.dma_semaphore, #tpu.memory_space<semaphore_mem>>) src(%dma_wait3A_102 : memref<80xi32, #tpu.memory_space<hbm>>) dst(%dma_wait3A_100 : memref<80xi32, #tpu.memory_space<vmem>>)
    %dma_wait3A_103 = arith.constant 1 : i32
    %dma_wait3A_104 = arith.constant 0 : i32
    %dma_wait3A_105 = tpu.memref_slice %arg8[%dma_wait3A_103, %dma_wait3A_104] : memref<2x80xi32, #tpu.memory_space<vmem>> -> memref<1x80xi32, #tpu.memory_space<vmem>>
    %dma_wait3A_106 = tpu.memref_squeeze %dma_wait3A_105 : memref<1x80xi32, #tpu.memory_space<vmem>> -> memref<80xi32, #tpu.memory_space<vmem>>
    %dma_wait3A_107 = arith.constant 0 : i32
    %dma_wait3A_108 = tpu.memref_slice %arg5[%dma_wait3A_107] : memref<320000xi32, #tpu.memory_space<hbm>> -> memref<80xi32, #tpu.memory_space<hbm>>
    %dma_wait3A_109 = arith.constant 0 : i32
    %dma_wait3A_110 = tpu.memref_slice %arg8[%dma_wait3A_103, %dma_wait3A_109] : memref<2x80xi32, #tpu.memory_space<vmem>> -> memref<1x80xi32, #tpu.memory_space<vmem>>
    %dma_wait3A_111 = tpu.memref_squeeze %dma_wait3A_110 : memref<1x80xi32, #tpu.memory_space<vmem>> -> memref<80xi32, #tpu.memory_space<vmem>>
    %dma_wait3A_112 = arith.constant 0 : i32
    %dma_wait3A_113 = tpu.memref_slice %arg5[%dma_wait3A_112] : memref<320000xi32, #tpu.memory_space<hbm>> -> memref<80xi32, #tpu.memory_space<hbm>>
    tpu.wait_dma2 semaphore(%arg15 : memref<!tpu.dma_semaphore, #tpu.memory_space<semaphore_mem>>) src(%dma_wait3A_113 : memref<80xi32, #tpu.memory_space<hbm>>) dst(%dma_wait3A_111 : memref<80xi32, #tpu.memory_space<vmem>>)
    %dma_start3A_114 = arith.constant 1 : i32
    %dma_start3A_115 = arith.constant 1 : i32
    %dma_start3A_116 = arith.constant 0 : i32
    %dma_start3A_117 = arith.constant 0 : i32
    %dma_start3A_118 = tpu.memref_slice %arg9[%dma_start3A_115, %dma_start3A_116, %dma_start3A_117] : memref<2x80x128xf32, #tpu.memory_space<vmem>> -> memref<1x80x128xf32, #tpu.memory_space<vmem>>
    %dma_start3A_119 = tpu.memref_squeeze %dma_start3A_118 : memref<1x80x128xf32, #tpu.memory_space<vmem>> -> memref<80x128xf32, #tpu.memory_space<vmem>>
    %dma_start3A_120 = arith.constant 0 : i32
    %dma_start3A_121 = tpu.memref_slice %arg7[%dma_start3A_114, %dma_start3A_120] : memref<2x80xi32, #tpu.memory_space<vmem>> -> memref<1x80xi32, #tpu.memory_space<vmem>>
    %dma_start3A_122 = tpu.memref_squeeze %dma_start3A_121 : memref<1x80xi32, #tpu.memory_space<vmem>> -> memref<80xi32, #tpu.memory_space<vmem>>
    %dma_start3A_123 = arith.constant 0 : i32
    %dma_start3A_124 = arith.constant 0 : i32
    %dma_start3A_125 = tpu.memref_slice %arg2[%dma_start3A_123, %dma_start3A_124] : memref<10000x128xf32, #tpu.memory_space<hbm>> -> memref<10000x128xf32, #tpu.memory_space<hbm>>
    tpu.enqueue_indirect_dma source(%dma_start3A_125 : memref<10000x128xf32, #tpu.memory_space<hbm>>) target(%dma_start3A_119 : memref<80x128xf32, #tpu.memory_space<vmem>>) offsets(%dma_start3A_122 : memref<80xi32, #tpu.memory_space<vmem>>) semaphore(%arg13 : memref<!tpu.dma_semaphore, #tpu.memory_space<semaphore_mem>>)
    %dma_start3A_126 = arith.constant 1 : i32
    %dma_start3A_127 = arith.constant 1 : i32
    %dma_start3A_128 = arith.constant 0 : i32
    %dma_start3A_129 = arith.constant 0 : i32
    %dma_start3A_130 = tpu.memref_slice %arg10[%dma_start3A_127, %dma_start3A_128, %dma_start3A_129] : memref<2x80x128xf32, #tpu.memory_space<vmem>> -> memref<1x80x128xf32, #tpu.memory_space<vmem>>
    %dma_start3A_131 = tpu.memref_squeeze %dma_start3A_130 : memref<1x80x128xf32, #tpu.memory_space<vmem>> -> memref<80x128xf32, #tpu.memory_space<vmem>>
    %dma_start3A_132 = arith.constant 0 : i32
    %dma_start3A_133 = tpu.memref_slice %arg8[%dma_start3A_126, %dma_start3A_132] : memref<2x80xi32, #tpu.memory_space<vmem>> -> memref<1x80xi32, #tpu.memory_space<vmem>>
    %dma_start3A_134 = tpu.memref_squeeze %dma_start3A_133 : memref<1x80xi32, #tpu.memory_space<vmem>> -> memref<80xi32, #tpu.memory_space<vmem>>
    %dma_start3A_135 = arith.constant 0 : i32
    %dma_start3A_136 = arith.constant 0 : i32
    %dma_start3A_137 = tpu.memref_slice %arg3[%dma_start3A_135, %dma_start3A_136] : memref<10000x128xf32, #tpu.memory_space<hbm>> -> memref<10000x128xf32, #tpu.memory_space<hbm>>
    tpu.enqueue_indirect_dma source(%dma_start3A_137 : memref<10000x128xf32, #tpu.memory_space<hbm>>) target(%dma_start3A_131 : memref<80x128xf32, #tpu.memory_space<vmem>>) offsets(%dma_start3A_134 : memref<80xi32, #tpu.memory_space<vmem>>) semaphore(%arg13 : memref<!tpu.dma_semaphore, #tpu.memory_space<semaphore_mem>>)
    %dma_wait3A_138 = arith.constant 0 : i32
    %dma_wait3A_139 = arith.constant 0 : i32
    %dma_wait3A_140 = arith.constant 0 : i32
    %dma_wait3A_141 = arith.constant 0 : i32
    %dma_wait3A_142 = tpu.memref_slice %arg9[%dma_wait3A_139, %dma_wait3A_140, %dma_wait3A_141] : memref<2x80x128xf32, #tpu.memory_space<vmem>> -> memref<1x80x128xf32, #tpu.memory_space<vmem>>
    %dma_wait3A_143 = tpu.memref_squeeze %dma_wait3A_142 : memref<1x80x128xf32, #tpu.memory_space<vmem>> -> memref<80x128xf32, #tpu.memory_space<vmem>>
    %dma_wait3A_144 = arith.constant 0 : i32
    %dma_wait3A_145 = tpu.memref_slice %arg7[%dma_wait3A_138, %dma_wait3A_144] : memref<2x80xi32, #tpu.memory_space<vmem>> -> memref<1x80xi32, #tpu.memory_space<vmem>>
    %dma_wait3A_146 = tpu.memref_squeeze %dma_wait3A_145 : memref<1x80xi32, #tpu.memory_space<vmem>> -> memref<80xi32, #tpu.memory_space<vmem>>
    %dma_wait3A_147 = arith.constant 0 : i32
    %dma_wait3A_148 = arith.constant 0 : i32
    %dma_wait3A_149 = tpu.memref_slice %arg2[%dma_wait3A_147, %dma_wait3A_148] : memref<10000x128xf32, #tpu.memory_space<hbm>> -> memref<10000x128xf32, #tpu.memory_space<hbm>>
    tpu.wait_indirect_dma semaphore(%arg12 : memref<!tpu.dma_semaphore, #tpu.memory_space<semaphore_mem>>) src(%dma_wait3A_149 : memref<10000x128xf32, #tpu.memory_space<hbm>>) dst(%dma_wait3A_143 : memref<80x128xf32, #tpu.memory_space<vmem>>)
    %dma_wait3A_150 = arith.constant 0 : i32
    %dma_wait3A_151 = arith.constant 0 : i32
    %dma_wait3A_152 = arith.constant 0 : i32
    %dma_wait3A_153 = arith.constant 0 : i32
    %dma_wait3A_154 = tpu.memref_slice %arg10[%dma_wait3A_151, %dma_wait3A_152, %dma_wait3A_153] : memref<2x80x128xf32, #tpu.memory_space<vmem>> -> memref<1x80x128xf32, #tpu.memory_space<vmem>>
    %dma_wait3A_155 = tpu.memref_squeeze %dma_wait3A_154 : memref<1x80x128xf32, #tpu.memory_space<vmem>> -> memref<80x128xf32, #tpu.memory_space<vmem>>
    %dma_wait3A_156 = arith.constant 0 : i32
    %dma_wait3A_157 = tpu.memref_slice %arg8[%dma_wait3A_150, %dma_wait3A_156] : memref<2x80xi32, #tpu.memory_space<vmem>> -> memref<1x80xi32, #tpu.memory_space<vmem>>
    %dma_wait3A_158 = tpu.memref_squeeze %dma_wait3A_157 : memref<1x80xi32, #tpu.memory_space<vmem>> -> memref<80xi32, #tpu.memory_space<vmem>>
    %dma_wait3A_159 = arith.constant 0 : i32
    %dma_wait3A_160 = arith.constant 0 : i32
    %dma_wait3A_161 = tpu.memref_slice %arg3[%dma_wait3A_159, %dma_wait3A_160] : memref<10000x128xf32, #tpu.memory_space<hbm>> -> memref<10000x128xf32, #tpu.memory_space<hbm>>
    tpu.wait_indirect_dma semaphore(%arg12 : memref<!tpu.dma_semaphore, #tpu.memory_space<semaphore_mem>>) src(%dma_wait3A_161 : memref<10000x128xf32, #tpu.memory_space<hbm>>) dst(%dma_wait3A_155 : memref<80x128xf32, #tpu.memory_space<vmem>>)
    %scan3A_162 = arith.constant 0 : i32
    %scan3A_163 = arith.constant 0 : i32
    %scan3A_164 = arith.constant 80 : i32
    %scan3A_165 = arith.addi %scan3A_163, %scan3A_164 : i32
    %scan3A_166 = arith.constant 1 : i32
    scf.for %scan3A_313 = %scan3A_163 to %scan3A_165 step %scan3A_166  : i32 {
      %get3A = arith.constant 0 : i32
      %get3A_314 = arith.index_cast %get3A : i32 to index
      %get3A_315 = arith.index_cast %scan3A_313 : i32 to index
      %get3A_316 = arith.constant 0 : index
      %get3A_317 = tpu.vector_load %arg9[%get3A_314, %get3A_315, %get3A_316] {strides = array<i32>} : memref<2x80x128xf32, #tpu.memory_space<vmem>>, vector<1x1x16xf32>,
      %get3A_318 = vector.shape_cast %get3A_317 : vector<1x1x16xf32> to vector<16xf32>
      %get3A_319 = arith.constant 0 : i32
      %get3A_320 = arith.index_cast %get3A_319 : i32 to index
      %get3A_321 = arith.index_cast %scan3A_313 : i32 to index
      %get3A_322 = arith.constant 0 : index
      %get3A_323 = tpu.vector_load %arg10[%get3A_320, %get3A_321, %get3A_322] {strides = array<i32>} : memref<2x80x128xf32, #tpu.memory_space<vmem>>, vector<1x1x16xf32>,
      %get3A_324 = vector.shape_cast %get3A_323 : vector<1x1x16xf32> to vector<16xf32>
      %add3A_325 = arith.addf %get3A_318, %get3A_324 : vector<16xf32>
      %max3A = arith.constant 0.000000e+00 : f32
      %max3A_326 = vector.broadcast %max3A : f32 to vector<16xf32>
      %max3A_327 = arith.maximumf %add3A_325, %max3A_326 : vector<16xf32>
      %swap3A = arith.constant 0 : i32
      %swap3A_328 = arith.index_cast %swap3A : i32 to index
      %swap3A_329 = arith.index_cast %scan3A_313 : i32 to index
      %swap3A_330 = arith.constant 0 : index
      %swap3A_331 = tpu.vector_load %arg9[%swap3A_328, %swap3A_329, %swap3A_330] {strides = array<i32>} : memref<2x80x128xf32, #tpu.memory_space<vmem>>, vector<1x1x16xf32>,
      %swap3A_332 = vector.shape_cast %swap3A_331 : vector<1x1x16xf32> to vector<16xf32>
      %swap3A_333 = vector.shape_cast %max3A_327 : vector<16xf32> to vector<1x1x16xf32>
      tpu.vector_store %arg9[%swap3A_328, %swap3A_329, %swap3A_330], %swap3A_333 {strides = array<i32>} : memref<2x80x128xf32, #tpu.memory_space<vmem>>, vector<1x1x16xf32>,
      %get3A_334 = arith.constant 0 : i32
      %get3A_335 = arith.index_cast %get3A_334 : i32 to index
      %get3A_336 = arith.index_cast %scan3A_313 : i32 to index
      %get3A_337 = arith.constant 16 : index
      %get3A_338 = tpu.vector_load %arg9[%get3A_335, %get3A_336, %get3A_337] {strides = array<i32>} : memref<2x80x128xf32, #tpu.memory_space<vmem>>, vector<1x1x16xf32>,
      %get3A_339 = vector.shape_cast %get3A_338 : vector<1x1x16xf32> to vector<16xf32>
      %get3A_340 = arith.constant 0 : i32
      %get3A_341 = arith.index_cast %get3A_340 : i32 to index
      %get3A_342 = arith.index_cast %scan3A_313 : i32 to index
      %get3A_343 = arith.constant 16 : index
      %get3A_344 = tpu.vector_load %arg10[%get3A_341, %get3A_342, %get3A_343] {strides = array<i32>} : memref<2x80x128xf32, #tpu.memory_space<vmem>>, vector<1x1x16xf32>,
      %get3A_345 = vector.shape_cast %get3A_344 : vector<1x1x16xf32> to vector<16xf32>
      %add3A_346 = arith.addf %get3A_339, %get3A_345 : vector<16xf32>
      %max3A_347 = arith.constant 0.000000e+00 : f32
      %max3A_348 = vector.broadcast %max3A_347 : f32 to vector<16xf32>
      %max3A_349 = arith.maximumf %add3A_346, %max3A_348 : vector<16xf32>
      %swap3A_350 = arith.constant 0 : i32
      %swap3A_351 = arith.index_cast %swap3A_350 : i32 to index
      %swap3A_352 = arith.index_cast %scan3A_313 : i32 to index
      %swap3A_353 = arith.constant 16 : index
      %swap3A_354 = tpu.vector_load %arg9[%swap3A_351, %swap3A_352, %swap3A_353] {strides = array<i32>} : memref<2x80x128xf32, #tpu.memory_space<vmem>>, vector<1x1x16xf32>,
      %swap3A_355 = vector.shape_cast %swap3A_354 : vector<1x1x16xf32> to vector<16xf32>
      %swap3A_356 = vector.shape_cast %max3A_349 : vector<16xf32> to vector<1x1x16xf32>
      tpu.vector_store %arg9[%swap3A_351, %swap3A_352, %swap3A_353], %swap3A_356 {strides = array<i32>} : memref<2x80x128xf32, #tpu.memory_space<vmem>>, vector<1x1x16xf32>,
      %get3A_357 = arith.constant 0 : i32
      %get3A_358 = arith.index_cast %get3A_357 : i32 to index
      %get3A_359 = arith.index_cast %scan3A_313 : i32 to index
      %get3A_360 = arith.constant 32 : index
      %get3A_361 = tpu.vector_load %arg9[%get3A_358, %get3A_359, %get3A_360] {strides = array<i32>} : memref<2x80x128xf32, #tpu.memory_space<vmem>>, vector<1x1x16xf32>,
      %get3A_362 = vector.shape_cast %get3A_361 : vector<1x1x16xf32> to vector<16xf32>
      %get3A_363 = arith.constant 0 : i32
      %get3A_364 = arith.index_cast %get3A_363 : i32 to index
      %get3A_365 = arith.index_cast %scan3A_313 : i32 to index
      %get3A_366 = arith.constant 32 : index
      %get3A_367 = tpu.vector_load %arg10[%get3A_364, %get3A_365, %get3A_366] {strides = array<i32>} : memref<2x80x128xf32, #tpu.memory_space<vmem>>, vector<1x1x16xf32>,
      %get3A_368 = vector.shape_cast %get3A_367 : vector<1x1x16xf32> to vector<16xf32>
      %add3A_369 = arith.addf %get3A_362, %get3A_368 : vector<16xf32>
      %max3A_370 = arith.constant 0.000000e+00 : f32
      %max3A_371 = vector.broadcast %max3A_370 : f32 to vector<16xf32>
      %max3A_372 = arith.maximumf %add3A_369, %max3A_371 : vector<16xf32>
      %swap3A_373 = arith.constant 0 : i32
      %swap3A_374 = arith.index_cast %swap3A_373 : i32 to index
      %swap3A_375 = arith.index_cast %scan3A_313 : i32 to index
      %swap3A_376 = arith.constant 32 : index
      %swap3A_377 = tpu.vector_load %arg9[%swap3A_374, %swap3A_375, %swap3A_376] {strides = array<i32>} : memref<2x80x128xf32, #tpu.memory_space<vmem>>, vector<1x1x16xf32>,
      %swap3A_378 = vector.shape_cast %swap3A_377 : vector<1x1x16xf32> to vector<16xf32>
      %swap3A_379 = vector.shape_cast %max3A_372 : vector<16xf32> to vector<1x1x16xf32>
      tpu.vector_store %arg9[%swap3A_374, %swap3A_375, %swap3A_376], %swap3A_379 {strides = array<i32>} : memref<2x80x128xf32, #tpu.memory_space<vmem>>, vector<1x1x16xf32>,
      %get3A_380 = arith.constant 0 : i32
      %get3A_381 = arith.index_cast %get3A_380 : i32 to index
      %get3A_382 = arith.index_cast %scan3A_313 : i32 to index
      %get3A_383 = arith.constant 48 : index
      %get3A_384 = tpu.vector_load %arg9[%get3A_381, %get3A_382, %get3A_383] {strides = array<i32>} : memref<2x80x128xf32, #tpu.memory_space<vmem>>, vector<1x1x16xf32>,
      %get3A_385 = vector.shape_cast %get3A_384 : vector<1x1x16xf32> to vector<16xf32>
      %get3A_386 = arith.constant 0 : i32
      %get3A_387 = arith.index_cast %get3A_386 : i32 to index
      %get3A_388 = arith.index_cast %scan3A_313 : i32 to index
      %get3A_389 = arith.constant 48 : index
      %get3A_390 = tpu.vector_load %arg10[%get3A_387, %get3A_388, %get3A_389] {strides = array<i32>} : memref<2x80x128xf32, #tpu.memory_space<vmem>>, vector<1x1x16xf32>,
      %get3A_391 = vector.shape_cast %get3A_390 : vector<1x1x16xf32> to vector<16xf32>
      %add3A_392 = arith.addf %get3A_385, %get3A_391 : vector<16xf32>
      %max3A_393 = arith.constant 0.000000e+00 : f32
      %max3A_394 = vector.broadcast %max3A_393 : f32 to vector<16xf32>
      %max3A_395 = arith.maximumf %add3A_392, %max3A_394 : vector<16xf32>
      %swap3A_396 = arith.constant 0 : i32
      %swap3A_397 = arith.index_cast %swap3A_396 : i32 to index
      %swap3A_398 = arith.index_cast %scan3A_313 : i32 to index
      %swap3A_399 = arith.constant 48 : index
      %swap3A_400 = tpu.vector_load %arg9[%swap3A_397, %swap3A_398, %swap3A_399] {strides = array<i32>} : memref<2x80x128xf32, #tpu.memory_space<vmem>>, vector<1x1x16xf32>,
      %swap3A_401 = vector.shape_cast %swap3A_400 : vector<1x1x16xf32> to vector<16xf32>
      %swap3A_402 = vector.shape_cast %max3A_395 : vector<16xf32> to vector<1x1x16xf32>
      tpu.vector_store %arg9[%swap3A_397, %swap3A_398, %swap3A_399], %swap3A_402 {strides = array<i32>} : memref<2x80x128xf32, #tpu.memory_space<vmem>>, vector<1x1x16xf32>,
      %get3A_403 = arith.constant 0 : i32
      %get3A_404 = arith.index_cast %get3A_403 : i32 to index
      %get3A_405 = arith.index_cast %scan3A_313 : i32 to index
      %get3A_406 = arith.constant 64 : index
      %get3A_407 = tpu.vector_load %arg9[%get3A_404, %get3A_405, %get3A_406] {strides = array<i32>} : memref<2x80x128xf32, #tpu.memory_space<vmem>>, vector<1x1x16xf32>,
      %get3A_408 = vector.shape_cast %get3A_407 : vector<1x1x16xf32> to vector<16xf32>
      %get3A_409 = arith.constant 0 : i32
      %get3A_410 = arith.index_cast %get3A_409 : i32 to index
      %get3A_411 = arith.index_cast %scan3A_313 : i32 to index
      %get3A_412 = arith.constant 64 : index
      %get3A_413 = tpu.vector_load %arg10[%get3A_410, %get3A_411, %get3A_412] {strides = array<i32>} : memref<2x80x128xf32, #tpu.memory_space<vmem>>, vector<1x1x16xf32>,
      %get3A_414 = vector.shape_cast %get3A_413 : vector<1x1x16xf32> to vector<16xf32>
      %add3A_415 = arith.addf %get3A_408, %get3A_414 : vector<16xf32>
      %max3A_416 = arith.constant 0.000000e+00 : f32
      %max3A_417 = vector.broadcast %max3A_416 : f32 to vector<16xf32>
      %max3A_418 = arith.maximumf %add3A_415, %max3A_417 : vector<16xf32>
      %swap3A_419 = arith.constant 0 : i32
      %swap3A_420 = arith.index_cast %swap3A_419 : i32 to index
      %swap3A_421 = arith.index_cast %scan3A_313 : i32 to index
      %swap3A_422 = arith.constant 64 : index
      %swap3A_423 = tpu.vector_load %arg9[%swap3A_420, %swap3A_421, %swap3A_422] {strides = array<i32>} : memref<2x80x128xf32, #tpu.memory_space<vmem>>, vector<1x1x16xf32>,
      %swap3A_424 = vector.shape_cast %swap3A_423 : vector<1x1x16xf32> to vector<16xf32>
      %swap3A_425 = vector.shape_cast %max3A_418 : vector<16xf32> to vector<1x1x16xf32>
      tpu.vector_store %arg9[%swap3A_420, %swap3A_421, %swap3A_422], %swap3A_425 {strides = array<i32>} : memref<2x80x128xf32, #tpu.memory_space<vmem>>, vector<1x1x16xf32>,
      %get3A_426 = arith.constant 0 : i32
      %get3A_427 = arith.index_cast %get3A_426 : i32 to index
      %get3A_428 = arith.index_cast %scan3A_313 : i32 to index
      %get3A_429 = arith.constant 80 : index
      %get3A_430 = tpu.vector_load %arg9[%get3A_427, %get3A_428, %get3A_429] {strides = array<i32>} : memref<2x80x128xf32, #tpu.memory_space<vmem>>, vector<1x1x16xf32>,
      %get3A_431 = vector.shape_cast %get3A_430 : vector<1x1x16xf32> to vector<16xf32>
      %get3A_432 = arith.constant 0 : i32
      %get3A_433 = arith.index_cast %get3A_432 : i32 to index
      %get3A_434 = arith.index_cast %scan3A_313 : i32 to index
      %get3A_435 = arith.constant 80 : index
      %get3A_436 = tpu.vector_load %arg10[%get3A_433, %get3A_434, %get3A_435] {strides = array<i32>} : memref<2x80x128xf32, #tpu.memory_space<vmem>>, vector<1x1x16xf32>,
      %get3A_437 = vector.shape_cast %get3A_436 : vector<1x1x16xf32> to vector<16xf32>
      %add3A_438 = arith.addf %get3A_431, %get3A_437 : vector<16xf32>
      %max3A_439 = arith.constant 0.000000e+00 : f32
      %max3A_440 = vector.broadcast %max3A_439 : f32 to vector<16xf32>
      %max3A_441 = arith.maximumf %add3A_438, %max3A_440 : vector<16xf32>
      %swap3A_442 = arith.constant 0 : i32
      %swap3A_443 = arith.index_cast %swap3A_442 : i32 to index
      %swap3A_444 = arith.index_cast %scan3A_313 : i32 to index
      %swap3A_445 = arith.constant 80 : index
      %swap3A_446 = tpu.vector_load %arg9[%swap3A_443, %swap3A_444, %swap3A_445] {strides = array<i32>} : memref<2x80x128xf32, #tpu.memory_space<vmem>>, vector<1x1x16xf32>,
      %swap3A_447 = vector.shape_cast %swap3A_446 : vector<1x1x16xf32> to vector<16xf32>
      %swap3A_448 = vector.shape_cast %max3A_441 : vector<16xf32> to vector<1x1x16xf32>
      tpu.vector_store %arg9[%swap3A_443, %swap3A_444, %swap3A_445], %swap3A_448 {strides = array<i32>} : memref<2x80x128xf32, #tpu.memory_space<vmem>>, vector<1x1x16xf32>,
      %get3A_449 = arith.constant 0 : i32
      %get3A_450 = arith.index_cast %get3A_449 : i32 to index
      %get3A_451 = arith.index_cast %scan3A_313 : i32 to index
      %get3A_452 = arith.constant 96 : index
      %get3A_453 = tpu.vector_load %arg9[%get3A_450, %get3A_451, %get3A_452] {strides = array<i32>} : memref<2x80x128xf32, #tpu.memory_space<vmem>>, vector<1x1x16xf32>,
      %get3A_454 = vector.shape_cast %get3A_453 : vector<1x1x16xf32> to vector<16xf32>
      %get3A_455 = arith.constant 0 : i32
      %get3A_456 = arith.index_cast %get3A_455 : i32 to index
      %get3A_457 = arith.index_cast %scan3A_313 : i32 to index
      %get3A_458 = arith.constant 96 : index
      %get3A_459 = tpu.vector_load %arg10[%get3A_456, %get3A_457, %get3A_458] {strides = array<i32>} : memref<2x80x128xf32, #tpu.memory_space<vmem>>, vector<1x1x16xf32>,
      %get3A_460 = vector.shape_cast %get3A_459 : vector<1x1x16xf32> to vector<16xf32>
      %add3A_461 = arith.addf %get3A_454, %get3A_460 : vector<16xf32>
      %max3A_462 = arith.constant 0.000000e+00 : f32
      %max3A_463 = vector.broadcast %max3A_462 : f32 to vector<16xf32>
      %max3A_464 = arith.maximumf %add3A_461, %max3A_463 : vector<16xf32>
      %swap3A_465 = arith.constant 0 : i32
      %swap3A_466 = arith.index_cast %swap3A_465 : i32 to index
      %swap3A_467 = arith.index_cast %scan3A_313 : i32 to index
      %swap3A_468 = arith.constant 96 : index
      %swap3A_469 = tpu.vector_load %arg9[%swap3A_466, %swap3A_467, %swap3A_468] {strides = array<i32>} : memref<2x80x128xf32, #tpu.memory_space<vmem>>, vector<1x1x16xf32>,
      %swap3A_470 = vector.shape_cast %swap3A_469 : vector<1x1x16xf32> to vector<16xf32>
      %swap3A_471 = vector.shape_cast %max3A_464 : vector<16xf32> to vector<1x1x16xf32>
      tpu.vector_store %arg9[%swap3A_466, %swap3A_467, %swap3A_468], %swap3A_471 {strides = array<i32>} : memref<2x80x128xf32, #tpu.memory_space<vmem>>, vector<1x1x16xf32>,
      %get3A_472 = arith.constant 0 : i32
      %get3A_473 = arith.index_cast %get3A_472 : i32 to index
      %get3A_474 = arith.index_cast %scan3A_313 : i32 to index
      %get3A_475 = arith.constant 112 : index
      %get3A_476 = tpu.vector_load %arg9[%get3A_473, %get3A_474, %get3A_475] {strides = array<i32>} : memref<2x80x128xf32, #tpu.memory_space<vmem>>, vector<1x1x16xf32>,
      %get3A_477 = vector.shape_cast %get3A_476 : vector<1x1x16xf32> to vector<16xf32>
      %get3A_478 = arith.constant 0 : i32
      %get3A_479 = arith.index_cast %get3A_478 : i32 to index
      %get3A_480 = arith.index_cast %scan3A_313 : i32 to index
      %get3A_481 = arith.constant 112 : index
      %get3A_482 = tpu.vector_load %arg10[%get3A_479, %get3A_480, %get3A_481] {strides = array<i32>} : memref<2x80x128xf32, #tpu.memory_space<vmem>>, vector<1x1x16xf32>,
      %get3A_483 = vector.shape_cast %get3A_482 : vector<1x1x16xf32> to vector<16xf32>
      %add3A_484 = arith.addf %get3A_477, %get3A_483 : vector<16xf32>
      %max3A_485 = arith.constant 0.000000e+00 : f32
      %max3A_486 = vector.broadcast %max3A_485 : f32 to vector<16xf32>
      %max3A_487 = arith.maximumf %add3A_484, %max3A_486 : vector<16xf32>
      %swap3A_488 = arith.constant 0 : i32
      %swap3A_489 = arith.index_cast %swap3A_488 : i32 to index
      %swap3A_490 = arith.index_cast %scan3A_313 : i32 to index
      %swap3A_491 = arith.constant 112 : index
      %swap3A_492 = tpu.vector_load %arg9[%swap3A_489, %swap3A_490, %swap3A_491] {strides = array<i32>} : memref<2x80x128xf32, #tpu.memory_space<vmem>>, vector<1x1x16xf32>,
      %swap3A_493 = vector.shape_cast %swap3A_492 : vector<1x1x16xf32> to vector<16xf32>
      %swap3A_494 = vector.shape_cast %max3A_487 : vector<16xf32> to vector<1x1x16xf32>
      tpu.vector_store %arg9[%swap3A_489, %swap3A_490, %swap3A_491], %swap3A_494 {strides = array<i32>} : memref<2x80x128xf32, #tpu.memory_space<vmem>>, vector<1x1x16xf32>,
    }
    %scan3A_167 = arith.constant 80 : i32
    %run_scoped3A_168 = arith.constant 0 : i32
    %run_scoped3A_169 = arith.constant 0 : i32
    "tpu.region"() ({
      %run_scoped3A_313 = tpu.sem_alloc : memref<!tpu.dma_semaphore, #tpu.memory_space<semaphore_mem>>
      %dma_start3A_314 = arith.constant 0 : i32
      %dma_start3A_315 = arith.constant 0 : i32
      %dma_start3A_316 = tpu.memref_slice %arg9[%run_scoped3A_168, %dma_start3A_314, %dma_start3A_315] : memref<2x80x128xf32, #tpu.memory_space<vmem>> -> memref<1x80x128xf32, #tpu.memory_space<vmem>>
      %dma_start3A_317 = tpu.memref_squeeze %dma_start3A_316 : memref<1x80x128xf32, #tpu.memory_space<vmem>> -> memref<80x128xf32, #tpu.memory_space<vmem>>
      %dma_start3A_318 = arith.constant 0 : i32
      %dma_start3A_319 = tpu.memref_slice %arg8[%run_scoped3A_169, %dma_start3A_318] : memref<2x80xi32, #tpu.memory_space<vmem>> -> memref<1x80xi32, #tpu.memory_space<vmem>>
      %dma_start3A_320 = tpu.memref_squeeze %dma_start3A_319 : memref<1x80xi32, #tpu.memory_space<vmem>> -> memref<80xi32, #tpu.memory_space<vmem>>
      %dma_start3A_321 = arith.constant 0 : i32
      %dma_start3A_322 = arith.constant 0 : i32
      %dma_start3A_323 = tpu.memref_slice %arg11[%dma_start3A_321, %dma_start3A_322] : memref<10240x128xf32, #tpu.memory_space<vmem_shared>> -> memref<10240x128xf32, #tpu.memory_space<vmem_shared>>
      tpu.enqueue_indirect_dma source(%dma_start3A_317 : memref<80x128xf32, #tpu.memory_space<vmem>>) target(%dma_start3A_323 : memref<10240x128xf32, #tpu.memory_space<vmem_shared>>) offsets(%dma_start3A_320 : memref<80xi32, #tpu.memory_space<vmem>>) semaphore(%run_scoped3A_313 : memref<!tpu.dma_semaphore, #tpu.memory_space<semaphore_mem>>) {add = true}
      %dma_wait3A_324 = arith.constant 0 : i32
      %dma_wait3A_325 = arith.constant 0 : i32
      %dma_wait3A_326 = tpu.memref_slice %arg9[%run_scoped3A_168, %dma_wait3A_324, %dma_wait3A_325] : memref<2x80x128xf32, #tpu.memory_space<vmem>> -> memref<1x80x128xf32, #tpu.memory_space<vmem>>
      %dma_wait3A_327 = tpu.memref_squeeze %dma_wait3A_326 : memref<1x80x128xf32, #tpu.memory_space<vmem>> -> memref<80x128xf32, #tpu.memory_space<vmem>>
      %dma_wait3A_328 = arith.constant 0 : i32
      %dma_wait3A_329 = tpu.memref_slice %arg8[%run_scoped3A_169, %dma_wait3A_328] : memref<2x80xi32, #tpu.memory_space<vmem>> -> memref<1x80xi32, #tpu.memory_space<vmem>>
      %dma_wait3A_330 = tpu.memref_squeeze %dma_wait3A_329 : memref<1x80xi32, #tpu.memory_space<vmem>> -> memref<80xi32, #tpu.memory_space<vmem>>
      %dma_wait3A_331 = arith.constant 0 : i32
      %dma_wait3A_332 = arith.constant 0 : i32
      %dma_wait3A_333 = tpu.memref_slice %arg11[%dma_wait3A_331, %dma_wait3A_332] : memref<10240x128xf32, #tpu.memory_space<vmem_shared>> -> memref<10240x128xf32, #tpu.memory_space<vmem_shared>>
      tpu.wait_indirect_dma semaphore(%run_scoped3A_313 : memref<!tpu.dma_semaphore, #tpu.memory_space<semaphore_mem>>) src(%dma_wait3A_327 : memref<80x128xf32, #tpu.memory_space<vmem>>) dst(%dma_wait3A_333 : memref<10240x128xf32, #tpu.memory_space<vmem_shared>>)
      tpu.yield
    }) : () -> ()
    %add3A_170 = arith.constant 160 : i32
    %add3A_171 = arith.addi %add3A, %add3A_170 : i32
    %dma_start3A_172 = arith.constant 0 : i32
    %dma_start3A_173 = arith.constant 0 : i32
    %dma_start3A_174 = tpu.memref_slice %arg7[%dma_start3A_172, %dma_start3A_173] : memref<2x80xi32, #tpu.memory_space<vmem>> -> memref<1x80xi32, #tpu.memory_space<vmem>>
    %dma_start3A_175 = tpu.memref_squeeze %dma_start3A_174 : memref<1x80xi32, #tpu.memory_space<vmem>> -> memref<80xi32, #tpu.memory_space<vmem>>
    %dma_start3A_176 = tpu.memref_slice %arg4[%add3A_171] : memref<320000xi32, #tpu.memory_space<hbm>> -> memref<80xi32, #tpu.memory_space<hbm>>
    %dma_start3A_177 = arith.constant 0 : i32
    %dma_start3A_178 = tpu.memref_slice %arg7[%dma_start3A_172, %dma_start3A_177] : memref<2x80xi32, #tpu.memory_space<vmem>> -> memref<1x80xi32, #tpu.memory_space<vmem>>
    %dma_start3A_179 = tpu.memref_squeeze %dma_start3A_178 : memref<1x80xi32, #tpu.memory_space<vmem>> -> memref<80xi32, #tpu.memory_space<vmem>>
    %dma_start3A_180 = tpu.memref_slice %arg4[%add3A_171] : memref<320000xi32, #tpu.memory_space<hbm>> -> memref<80xi32, #tpu.memory_space<hbm>>
    tpu.enqueue_dma source(%dma_start3A_180 : memref<80xi32, #tpu.memory_space<hbm>>) target(%dma_start3A_179 : memref<80xi32, #tpu.memory_space<vmem>>) target_semaphore(%arg14 : memref<!tpu.dma_semaphore, #tpu.memory_space<semaphore_mem>>)
    %dma_start3A_181 = arith.constant 0 : i32
    %dma_start3A_182 = arith.constant 0 : i32
    %dma_start3A_183 = tpu.memref_slice %arg8[%dma_start3A_181, %dma_start3A_182] : memref<2x80xi32, #tpu.memory_space<vmem>> -> memref<1x80xi32, #tpu.memory_space<vmem>>
    %dma_start3A_184 = tpu.memref_squeeze %dma_start3A_183 : memref<1x80xi32, #tpu.memory_space<vmem>> -> memref<80xi32, #tpu.memory_space<vmem>>
    %dma_start3A_185 = tpu.memref_slice %arg5[%add3A_171] : memref<320000xi32, #tpu.memory_space<hbm>> -> memref<80xi32, #tpu.memory_space<hbm>>
    %dma_start3A_186 = arith.constant 0 : i32
    %dma_start3A_187 = tpu.memref_slice %arg8[%dma_start3A_181, %dma_start3A_186] : memref<2x80xi32, #tpu.memory_space<vmem>> -> memref<1x80xi32, #tpu.memory_space<vmem>>
    %dma_start3A_188 = tpu.memref_squeeze %dma_start3A_187 : memref<1x80xi32, #tpu.memory_space<vmem>> -> memref<80xi32, #tpu.memory_space<vmem>>
    %dma_start3A_189 = tpu.memref_slice %arg5[%add3A_171] : memref<320000xi32, #tpu.memory_space<hbm>> -> memref<80xi32, #tpu.memory_space<hbm>>
    tpu.enqueue_dma source(%dma_start3A_189 : memref<80xi32, #tpu.memory_space<hbm>>) target(%dma_start3A_188 : memref<80xi32, #tpu.memory_space<vmem>>) target_semaphore(%arg14 : memref<!tpu.dma_semaphore, #tpu.memory_space<semaphore_mem>>)
    %scan3A_190 = arith.constant 0 : i32
    %scan3A_191 = arith.constant 61 : i32
    %scan3A_192 = arith.addi %scan3A_190, %scan3A_191 : i32
    %scan3A_193 = arith.constant 1 : i32
    scf.for %scan3A_313 = %scan3A_190 to %scan3A_192 step %scan3A_193  : i32 {
      %mul3A_314 = arith.constant 1 : i32
      %mul3A_315 = arith.muli %scan3A_313, %mul3A_314 : i32
      %add3A_316 = arith.constant 0 : i32
      %add3A_317 = arith.addi %add3A_316, %mul3A_315 : i32
      %dma_wait3A_318 = arith.constant 0 : i32
      %dma_wait3A_319 = arith.constant 0 : i32
      %dma_wait3A_320 = tpu.memref_slice %arg7[%dma_wait3A_318, %dma_wait3A_319] : memref<2x80xi32, #tpu.memory_space<vmem>> -> memref<1x80xi32, #tpu.memory_space<vmem>>
      %dma_wait3A_321 = tpu.memref_squeeze %dma_wait3A_320 : memref<1x80xi32, #tpu.memory_space<vmem>> -> memref<80xi32, #tpu.memory_space<vmem>>
      %dma_wait3A_322 = arith.constant 0 : i32
      %dma_wait3A_323 = tpu.memref_slice %arg4[%dma_wait3A_322] : memref<320000xi32, #tpu.memory_space<hbm>> -> memref<80xi32, #tpu.memory_space<hbm>>
      %dma_wait3A_324 = arith.constant 0 : i32
      %dma_wait3A_325 = tpu.memref_slice %arg7[%dma_wait3A_318, %dma_wait3A_324] : memref<2x80xi32, #tpu.memory_space<vmem>> -> memref<1x80xi32, #tpu.memory_space<vmem>>
      %dma_wait3A_326 = tpu.memref_squeeze %dma_wait3A_325 : memref<1x80xi32, #tpu.memory_space<vmem>> -> memref<80xi32, #tpu.memory_space<vmem>>
      %dma_wait3A_327 = arith.constant 0 : i32
      %dma_wait3A_328 = tpu.memref_slice %arg4[%dma_wait3A_327] : memref<320000xi32, #tpu.memory_space<hbm>> -> memref<80xi32, #tpu.memory_space<hbm>>
      tpu.wait_dma2 semaphore(%arg14 : memref<!tpu.dma_semaphore, #tpu.memory_space<semaphore_mem>>) src(%dma_wait3A_328 : memref<80xi32, #tpu.memory_space<hbm>>) dst(%dma_wait3A_326 : memref<80xi32, #tpu.memory_space<vmem>>)
      %dma_wait3A_329 = arith.constant 0 : i32
      %dma_wait3A_330 = arith.constant 0 : i32
      %dma_wait3A_331 = tpu.memref_slice %arg8[%dma_wait3A_329, %dma_wait3A_330] : memref<2x80xi32, #tpu.memory_space<vmem>> -> memref<1x80xi32, #tpu.memory_space<vmem>>
      %dma_wait3A_332 = tpu.memref_squeeze %dma_wait3A_331 : memref<1x80xi32, #tpu.memory_space<vmem>> -> memref<80xi32, #tpu.memory_space<vmem>>
      %dma_wait3A_333 = arith.constant 0 : i32
      %dma_wait3A_334 = tpu.memref_slice %arg5[%dma_wait3A_333] : memref<320000xi32, #tpu.memory_space<hbm>> -> memref<80xi32, #tpu.memory_space<hbm>>
      %dma_wait3A_335 = arith.constant 0 : i32
      %dma_wait3A_336 = tpu.memref_slice %arg8[%dma_wait3A_329, %dma_wait3A_335] : memref<2x80xi32, #tpu.memory_space<vmem>> -> memref<1x80xi32, #tpu.memory_space<vmem>>
      %dma_wait3A_337 = tpu.memref_squeeze %dma_wait3A_336 : memref<1x80xi32, #tpu.memory_space<vmem>> -> memref<80xi32, #tpu.memory_space<vmem>>
      %dma_wait3A_338 = arith.constant 0 : i32
      %dma_wait3A_339 = tpu.memref_slice %arg5[%dma_wait3A_338] : memref<320000xi32, #tpu.memory_space<hbm>> -> memref<80xi32, #tpu.memory_space<hbm>>
      tpu.wait_dma2 semaphore(%arg14 : memref<!tpu.dma_semaphore, #tpu.memory_space<semaphore_mem>>) src(%dma_wait3A_339 : memref<80xi32, #tpu.memory_space<hbm>>) dst(%dma_wait3A_337 : memref<80xi32, #tpu.memory_space<vmem>>)
      %dma_start3A_340 = arith.constant 0 : i32
      %dma_start3A_341 = arith.constant 0 : i32
      %dma_start3A_342 = arith.constant 0 : i32
      %dma_start3A_343 = arith.constant 0 : i32
      %dma_start3A_344 = tpu.memref_slice %arg9[%dma_start3A_341, %dma_start3A_342, %dma_start3A_343] : memref<2x80x128xf32, #tpu.memory_space<vmem>> -> memref<1x80x128xf32, #tpu.memory_space<vmem>>
      %dma_start3A_345 = tpu.memref_squeeze %dma_start3A_344 : memref<1x80x128xf32, #tpu.memory_space<vmem>> -> memref<80x128xf32, #tpu.memory_space<vmem>>
      %dma_start3A_346 = arith.constant 0 : i32
      %dma_start3A_347 = tpu.memref_slice %arg7[%dma_start3A_340, %dma_start3A_346] : memref<2x80xi32, #tpu.memory_space<vmem>> -> memref<1x80xi32, #tpu.memory_space<vmem>>
      %dma_start3A_348 = tpu.memref_squeeze %dma_start3A_347 : memref<1x80xi32, #tpu.memory_space<vmem>> -> memref<80xi32, #tpu.memory_space<vmem>>
      %dma_start3A_349 = arith.constant 0 : i32
      %dma_start3A_350 = arith.constant 0 : i32
      %dma_start3A_351 = tpu.memref_slice %arg2[%dma_start3A_349, %dma_start3A_350] : memref<10000x128xf32, #tpu.memory_space<hbm>> -> memref<10000x128xf32, #tpu.memory_space<hbm>>
      tpu.enqueue_indirect_dma source(%dma_start3A_351 : memref<10000x128xf32, #tpu.memory_space<hbm>>) target(%dma_start3A_345 : memref<80x128xf32, #tpu.memory_space<vmem>>) offsets(%dma_start3A_348 : memref<80xi32, #tpu.memory_space<vmem>>) semaphore(%arg12 : memref<!tpu.dma_semaphore, #tpu.memory_space<semaphore_mem>>)
      %dma_start3A_352 = arith.constant 0 : i32
      %dma_start3A_353 = arith.constant 0 : i32
      %dma_start3A_354 = arith.constant 0 : i32
      %dma_start3A_355 = arith.constant 0 : i32
      %dma_start3A_356 = tpu.memref_slice %arg10[%dma_start3A_353, %dma_start3A_354, %dma_start3A_355] : memref<2x80x128xf32, #tpu.memory_space<vmem>> -> memref<1x80x128xf32, #tpu.memory_space<vmem>>
      %dma_start3A_357 = tpu.memref_squeeze %dma_start3A_356 : memref<1x80x128xf32, #tpu.memory_space<vmem>> -> memref<80x128xf32, #tpu.memory_space<vmem>>
      %dma_start3A_358 = arith.constant 0 : i32
      %dma_start3A_359 = tpu.memref_slice %arg8[%dma_start3A_352, %dma_start3A_358] : memref<2x80xi32, #tpu.memory_space<vmem>> -> memref<1x80xi32, #tpu.memory_space<vmem>>
      %dma_start3A_360 = tpu.memref_squeeze %dma_start3A_359 : memref<1x80xi32, #tpu.memory_space<vmem>> -> memref<80xi32, #tpu.memory_space<vmem>>
      %dma_start3A_361 = arith.constant 0 : i32
      %dma_start3A_362 = arith.constant 0 : i32
      %dma_start3A_363 = tpu.memref_slice %arg3[%dma_start3A_361, %dma_start3A_362] : memref<10000x128xf32, #tpu.memory_space<hbm>> -> memref<10000x128xf32, #tpu.memory_space<hbm>>
      tpu.enqueue_indirect_dma source(%dma_start3A_363 : memref<10000x128xf32, #tpu.memory_space<hbm>>) target(%dma_start3A_357 : memref<80x128xf32, #tpu.memory_space<vmem>>) offsets(%dma_start3A_360 : memref<80xi32, #tpu.memory_space<vmem>>) semaphore(%arg12 : memref<!tpu.dma_semaphore, #tpu.memory_space<semaphore_mem>>)
      %dma_wait3A_364 = arith.constant 1 : i32
      %dma_wait3A_365 = arith.constant 1 : i32
      %dma_wait3A_366 = arith.constant 0 : i32
      %dma_wait3A_367 = arith.constant 0 : i32
      %dma_wait3A_368 = tpu.memref_slice %arg9[%dma_wait3A_365, %dma_wait3A_366, %dma_wait3A_367] : memref<2x80x128xf32, #tpu.memory_space<vmem>> -> memref<1x80x128xf32, #tpu.memory_space<vmem>>
      %dma_wait3A_369 = tpu.memref_squeeze %dma_wait3A_368 : memref<1x80x128xf32, #tpu.memory_space<vmem>> -> memref<80x128xf32, #tpu.memory_space<vmem>>
      %dma_wait3A_370 = arith.constant 0 : i32
      %dma_wait3A_371 = tpu.memref_slice %arg7[%dma_wait3A_364, %dma_wait3A_370] : memref<2x80xi32, #tpu.memory_space<vmem>> -> memref<1x80xi32, #tpu.memory_space<vmem>>
      %dma_wait3A_372 = tpu.memref_squeeze %dma_wait3A_371 : memref<1x80xi32, #tpu.memory_space<vmem>> -> memref<80xi32, #tpu.memory_space<vmem>>
      %dma_wait3A_373 = arith.constant 0 : i32
      %dma_wait3A_374 = arith.constant 0 : i32
      %dma_wait3A_375 = tpu.memref_slice %arg2[%dma_wait3A_373, %dma_wait3A_374] : memref<10000x128xf32, #tpu.memory_space<hbm>> -> memref<10000x128xf32, #tpu.memory_space<hbm>>
      tpu.wait_indirect_dma semaphore(%arg13 : memref<!tpu.dma_semaphore, #tpu.memory_space<semaphore_mem>>) src(%dma_wait3A_375 : memref<10000x128xf32, #tpu.memory_space<hbm>>) dst(%dma_wait3A_369 : memref<80x128xf32, #tpu.memory_space<vmem>>)
      %dma_wait3A_376 = arith.constant 1 : i32
      %dma_wait3A_377 = arith.constant 1 : i32
      %dma_wait3A_378 = arith.constant 0 : i32
      %dma_wait3A_379 = arith.constant 0 : i32
      %dma_wait3A_380 = tpu.memref_slice %arg10[%dma_wait3A_377, %dma_wait3A_378, %dma_wait3A_379] : memref<2x80x128xf32, #tpu.memory_space<vmem>> -> memref<1x80x128xf32, #tpu.memory_space<vmem>>
      %dma_wait3A_381 = tpu.memref_squeeze %dma_wait3A_380 : memref<1x80x128xf32, #tpu.memory_space<vmem>> -> memref<80x128xf32, #tpu.memory_space<vmem>>
      %dma_wait3A_382 = arith.constant 0 : i32
      %dma_wait3A_383 = tpu.memref_slice %arg8[%dma_wait3A_376, %dma_wait3A_382] : memref<2x80xi32, #tpu.memory_space<vmem>> -> memref<1x80xi32, #tpu.memory_space<vmem>>
      %dma_wait3A_384 = tpu.memref_squeeze %dma_wait3A_383 : memref<1x80xi32, #tpu.memory_space<vmem>> -> memref<80xi32, #tpu.memory_space<vmem>>
      %dma_wait3A_385 = arith.constant 0 : i32
      %dma_wait3A_386 = arith.constant 0 : i32
      %dma_wait3A_387 = tpu.memref_slice %arg3[%dma_wait3A_385, %dma_wait3A_386] : memref<10000x128xf32, #tpu.memory_space<hbm>> -> memref<10000x128xf32, #tpu.memory_space<hbm>>
      tpu.wait_indirect_dma semaphore(%arg13 : memref<!tpu.dma_semaphore, #tpu.memory_space<semaphore_mem>>) src(%dma_wait3A_387 : memref<10000x128xf32, #tpu.memory_space<hbm>>) dst(%dma_wait3A_381 : memref<80x128xf32, #tpu.memory_space<vmem>>)
      %scan3A_388 = arith.constant 0 : i32
      %scan3A_389 = arith.constant 0 : i32
      %scan3A_390 = arith.constant 80 : i32
      %scan3A_391 = arith.addi %scan3A_389, %scan3A_390 : i32
      %scan3A_392 = arith.constant 1 : i32
      scf.for %scan3A_524 = %scan3A_389 to %scan3A_391 step %scan3A_392  : i32 {
        %get3A = arith.constant 1 : i32
        %get3A_525 = arith.index_cast %get3A : i32 to index
        %get3A_526 = arith.index_cast %scan3A_524 : i32 to index
        %get3A_527 = arith.constant 0 : index
        %get3A_528 = tpu.vector_load %arg9[%get3A_525, %get3A_526, %get3A_527] {strides = array<i32>} : memref<2x80x128xf32, #tpu.memory_space<vmem>>, vector<1x1x16xf32>,
        %get3A_529 = vector.shape_cast %get3A_528 : vector<1x1x16xf32> to vector<16xf32>
        %get3A_530 = arith.constant 1 : i32
        %get3A_531 = arith.index_cast %get3A_530 : i32 to index
        %get3A_532 = arith.index_cast %scan3A_524 : i32 to index
        %get3A_533 = arith.constant 0 : index
        %get3A_534 = tpu.vector_load %arg10[%get3A_531, %get3A_532, %get3A_533] {strides = array<i32>} : memref<2x80x128xf32, #tpu.memory_space<vmem>>, vector<1x1x16xf32>,
        %get3A_535 = vector.shape_cast %get3A_534 : vector<1x1x16xf32> to vector<16xf32>
        %add3A_536 = arith.addf %get3A_529, %get3A_535 : vector<16xf32>
        %max3A = arith.constant 0.000000e+00 : f32
        %max3A_537 = vector.broadcast %max3A : f32 to vector<16xf32>
        %max3A_538 = arith.maximumf %add3A_536, %max3A_537 : vector<16xf32>
        %swap3A = arith.constant 1 : i32
        %swap3A_539 = arith.index_cast %swap3A : i32 to index
        %swap3A_540 = arith.index_cast %scan3A_524 : i32 to index
        %swap3A_541 = arith.constant 0 : index
        %swap3A_542 = tpu.vector_load %arg9[%swap3A_539, %swap3A_540, %swap3A_541] {strides = array<i32>} : memref<2x80x128xf32, #tpu.memory_space<vmem>>, vector<1x1x16xf32>,
        %swap3A_543 = vector.shape_cast %swap3A_542 : vector<1x1x16xf32> to vector<16xf32>
        %swap3A_544 = vector.shape_cast %max3A_538 : vector<16xf32> to vector<1x1x16xf32>
        tpu.vector_store %arg9[%swap3A_539, %swap3A_540, %swap3A_541], %swap3A_544 {strides = array<i32>} : memref<2x80x128xf32, #tpu.memory_space<vmem>>, vector<1x1x16xf32>,
        %get3A_545 = arith.constant 1 : i32
        %get3A_546 = arith.index_cast %get3A_545 : i32 to index
        %get3A_547 = arith.index_cast %scan3A_524 : i32 to index
        %get3A_548 = arith.constant 16 : index
        %get3A_549 = tpu.vector_load %arg9[%get3A_546, %get3A_547, %get3A_548] {strides = array<i32>} : memref<2x80x128xf32, #tpu.memory_space<vmem>>, vector<1x1x16xf32>,
        %get3A_550 = vector.shape_cast %get3A_549 : vector<1x1x16xf32> to vector<16xf32>
        %get3A_551 = arith.constant 1 : i32
        %get3A_552 = arith.index_cast %get3A_551 : i32 to index
        %get3A_553 = arith.index_cast %scan3A_524 : i32 to index
        %get3A_554 = arith.constant 16 : index
        %get3A_555 = tpu.vector_load %arg10[%get3A_552, %get3A_553, %get3A_554] {strides = array<i32>} : memref<2x80x128xf32, #tpu.memory_space<vmem>>, vector<1x1x16xf32>,
        %get3A_556 = vector.shape_cast %get3A_555 : vector<1x1x16xf32> to vector<16xf32>
        %add3A_557 = arith.addf %get3A_550, %get3A_556 : vector<16xf32>
        %max3A_558 = arith.constant 0.000000e+00 : f32
        %max3A_559 = vector.broadcast %max3A_558 : f32 to vector<16xf32>
        %max3A_560 = arith.maximumf %add3A_557, %max3A_559 : vector<16xf32>
        %swap3A_561 = arith.constant 1 : i32
        %swap3A_562 = arith.index_cast %swap3A_561 : i32 to index
        %swap3A_563 = arith.index_cast %scan3A_524 : i32 to index
        %swap3A_564 = arith.constant 16 : index
        %swap3A_565 = tpu.vector_load %arg9[%swap3A_562, %swap3A_563, %swap3A_564] {strides = array<i32>} : memref<2x80x128xf32, #tpu.memory_space<vmem>>, vector<1x1x16xf32>,
        %swap3A_566 = vector.shape_cast %swap3A_565 : vector<1x1x16xf32> to vector<16xf32>
        %swap3A_567 = vector.shape_cast %max3A_560 : vector<16xf32> to vector<1x1x16xf32>
        tpu.vector_store %arg9[%swap3A_562, %swap3A_563, %swap3A_564], %swap3A_567 {strides = array<i32>} : memref<2x80x128xf32, #tpu.memory_space<vmem>>, vector<1x1x16xf32>,
        %get3A_568 = arith.constant 1 : i32
        %get3A_569 = arith.index_cast %get3A_568 : i32 to index
        %get3A_570 = arith.index_cast %scan3A_524 : i32 to index
        %get3A_571 = arith.constant 32 : index
        %get3A_572 = tpu.vector_load %arg9[%get3A_569, %get3A_570, %get3A_571] {strides = array<i32>} : memref<2x80x128xf32, #tpu.memory_space<vmem>>, vector<1x1x16xf32>,
        %get3A_573 = vector.shape_cast %get3A_572 : vector<1x1x16xf32> to vector<16xf32>
        %get3A_574 = arith.constant 1 : i32
        %get3A_575 = arith.index_cast %get3A_574 : i32 to index
        %get3A_576 = arith.index_cast %scan3A_524 : i32 to index
        %get3A_577 = arith.constant 32 : index
        %get3A_578 = tpu.vector_load %arg10[%get3A_575, %get3A_576, %get3A_577] {strides = array<i32>} : memref<2x80x128xf32, #tpu.memory_space<vmem>>, vector<1x1x16xf32>,
        %get3A_579 = vector.shape_cast %get3A_578 : vector<1x1x16xf32> to vector<16xf32>
        %add3A_580 = arith.addf %get3A_573, %get3A_579 : vector<16xf32>
        %max3A_581 = arith.constant 0.000000e+00 : f32
        %max3A_582 = vector.broadcast %max3A_581 : f32 to vector<16xf32>
        %max3A_583 = arith.maximumf %add3A_580, %max3A_582 : vector<16xf32>
        %swap3A_584 = arith.constant 1 : i32
        %swap3A_585 = arith.index_cast %swap3A_584 : i32 to index
        %swap3A_586 = arith.index_cast %scan3A_524 : i32 to index
        %swap3A_587 = arith.constant 32 : index
        %swap3A_588 = tpu.vector_load %arg9[%swap3A_585, %swap3A_586, %swap3A_587] {strides = array<i32>} : memref<2x80x128xf32, #tpu.memory_space<vmem>>, vector<1x1x16xf32>,
        %swap3A_589 = vector.shape_cast %swap3A_588 : vector<1x1x16xf32> to vector<16xf32>
        %swap3A_590 = vector.shape_cast %max3A_583 : vector<16xf32> to vector<1x1x16xf32>
        tpu.vector_store %arg9[%swap3A_585, %swap3A_586, %swap3A_587], %swap3A_590 {strides = array<i32>} : memref<2x80x128xf32, #tpu.memory_space<vmem>>, vector<1x1x16xf32>,
        %get3A_591 = arith.constant 1 : i32
        %get3A_592 = arith.index_cast %get3A_591 : i32 to index
        %get3A_593 = arith.index_cast %scan3A_524 : i32 to index
        %get3A_594 = arith.constant 48 : index
        %get3A_595 = tpu.vector_load %arg9[%get3A_592, %get3A_593, %get3A_594] {strides = array<i32>} : memref<2x80x128xf32, #tpu.memory_space<vmem>>, vector<1x1x16xf32>,
        %get3A_596 = vector.shape_cast %get3A_595 : vector<1x1x16xf32> to vector<16xf32>
        %get3A_597 = arith.constant 1 : i32
        %get3A_598 = arith.index_cast %get3A_597 : i32 to index
        %get3A_599 = arith.index_cast %scan3A_524 : i32 to index
        %get3A_600 = arith.constant 48 : index
        %get3A_601 = tpu.vector_load %arg10[%get3A_598, %get3A_599, %get3A_600] {strides = array<i32>} : memref<2x80x128xf32, #tpu.memory_space<vmem>>, vector<1x1x16xf32>,
        %get3A_602 = vector.shape_cast %get3A_601 : vector<1x1x16xf32> to vector<16xf32>
        %add3A_603 = arith.addf %get3A_596, %get3A_602 : vector<16xf32>
        %max3A_604 = arith.constant 0.000000e+00 : f32
        %max3A_605 = vector.broadcast %max3A_604 : f32 to vector<16xf32>
        %max3A_606 = arith.maximumf %add3A_603, %max3A_605 : vector<16xf32>
        %swap3A_607 = arith.constant 1 : i32
        %swap3A_608 = arith.index_cast %swap3A_607 : i32 to index
        %swap3A_609 = arith.index_cast %scan3A_524 : i32 to index
        %swap3A_610 = arith.constant 48 : index
        %swap3A_611 = tpu.vector_load %arg9[%swap3A_608, %swap3A_609, %swap3A_610] {strides = array<i32>} : memref<2x80x128xf32, #tpu.memory_space<vmem>>, vector<1x1x16xf32>,
        %swap3A_612 = vector.shape_cast %swap3A_611 : vector<1x1x16xf32> to vector<16xf32>
        %swap3A_613 = vector.shape_cast %max3A_606 : vector<16xf32> to vector<1x1x16xf32>
        tpu.vector_store %arg9[%swap3A_608, %swap3A_609, %swap3A_610], %swap3A_613 {strides = array<i32>} : memref<2x80x128xf32, #tpu.memory_space<vmem>>, vector<1x1x16xf32>,
        %get3A_614 = arith.constant 1 : i32
        %get3A_615 = arith.index_cast %get3A_614 : i32 to index
        %get3A_616 = arith.index_cast %scan3A_524 : i32 to index
        %get3A_617 = arith.constant 64 : index
        %get3A_618 = tpu.vector_load %arg9[%get3A_615, %get3A_616, %get3A_617] {strides = array<i32>} : memref<2x80x128xf32, #tpu.memory_space<vmem>>, vector<1x1x16xf32>,
        %get3A_619 = vector.shape_cast %get3A_618 : vector<1x1x16xf32> to vector<16xf32>
        %get3A_620 = arith.constant 1 : i32
        %get3A_621 = arith.index_cast %get3A_620 : i32 to index
        %get3A_622 = arith.index_cast %scan3A_524 : i32 to index
        %get3A_623 = arith.constant 64 : index
        %get3A_624 = tpu.vector_load %arg10[%get3A_621, %get3A_622, %get3A_623] {strides = array<i32>} : memref<2x80x128xf32, #tpu.memory_space<vmem>>, vector<1x1x16xf32>,
        %get3A_625 = vector.shape_cast %get3A_624 : vector<1x1x16xf32> to vector<16xf32>
        %add3A_626 = arith.addf %get3A_619, %get3A_625 : vector<16xf32>
        %max3A_627 = arith.constant 0.000000e+00 : f32
        %max3A_628 = vector.broadcast %max3A_627 : f32 to vector<16xf32>
        %max3A_629 = arith.maximumf %add3A_626, %max3A_628 : vector<16xf32>
        %swap3A_630 = arith.constant 1 : i32
        %swap3A_631 = arith.index_cast %swap3A_630 : i32 to index
        %swap3A_632 = arith.index_cast %scan3A_524 : i32 to index
        %swap3A_633 = arith.constant 64 : index
        %swap3A_634 = tpu.vector_load %arg9[%swap3A_631, %swap3A_632, %swap3A_633] {strides = array<i32>} : memref<2x80x128xf32, #tpu.memory_space<vmem>>, vector<1x1x16xf32>,
        %swap3A_635 = vector.shape_cast %swap3A_634 : vector<1x1x16xf32> to vector<16xf32>
        %swap3A_636 = vector.shape_cast %max3A_629 : vector<16xf32> to vector<1x1x16xf32>
        tpu.vector_store %arg9[%swap3A_631, %swap3A_632, %swap3A_633], %swap3A_636 {strides = array<i32>} : memref<2x80x128xf32, #tpu.memory_space<vmem>>, vector<1x1x16xf32>,
        %get3A_637 = arith.constant 1 : i32
        %get3A_638 = arith.index_cast %get3A_637 : i32 to index
        %get3A_639 = arith.index_cast %scan3A_524 : i32 to index
        %get3A_640 = arith.constant 80 : index
        %get3A_641 = tpu.vector_load %arg9[%get3A_638, %get3A_639, %get3A_640] {strides = array<i32>} : memref<2x80x128xf32, #tpu.memory_space<vmem>>, vector<1x1x16xf32>,
        %get3A_642 = vector.shape_cast %get3A_641 : vector<1x1x16xf32> to vector<16xf32>
        %get3A_643 = arith.constant 1 : i32
        %get3A_644 = arith.index_cast %get3A_643 : i32 to index
        %get3A_645 = arith.index_cast %scan3A_524 : i32 to index
        %get3A_646 = arith.constant 80 : index
        %get3A_647 = tpu.vector_load %arg10[%get3A_644, %get3A_645, %get3A_646] {strides = array<i32>} : memref<2x80x128xf32, #tpu.memory_space<vmem>>, vector<1x1x16xf32>,
        %get3A_648 = vector.shape_cast %get3A_647 : vector<1x1x16xf32> to vector<16xf32>
        %add3A_649 = arith.addf %get3A_642, %get3A_648 : vector<16xf32>
        %max3A_650 = arith.constant 0.000000e+00 : f32
        %max3A_651 = vector.broadcast %max3A_650 : f32 to vector<16xf32>
        %max3A_652 = arith.maximumf %add3A_649, %max3A_651 : vector<16xf32>
        %swap3A_653 = arith.constant 1 : i32
        %swap3A_654 = arith.index_cast %swap3A_653 : i32 to index
        %swap3A_655 = arith.index_cast %scan3A_524 : i32 to index
        %swap3A_656 = arith.constant 80 : index
        %swap3A_657 = tpu.vector_load %arg9[%swap3A_654, %swap3A_655, %swap3A_656] {strides = array<i32>} : memref<2x80x128xf32, #tpu.memory_space<vmem>>, vector<1x1x16xf32>,
        %swap3A_658 = vector.shape_cast %swap3A_657 : vector<1x1x16xf32> to vector<16xf32>
        %swap3A_659 = vector.shape_cast %max3A_652 : vector<16xf32> to vector<1x1x16xf32>
        tpu.vector_store %arg9[%swap3A_654, %swap3A_655, %swap3A_656], %swap3A_659 {strides = array<i32>} : memref<2x80x128xf32, #tpu.memory_space<vmem>>, vector<1x1x16xf32>,
        %get3A_660 = arith.constant 1 : i32
        %get3A_661 = arith.index_cast %get3A_660 : i32 to index
        %get3A_662 = arith.index_cast %scan3A_524 : i32 to index
        %get3A_663 = arith.constant 96 : index
        %get3A_664 = tpu.vector_load %arg9[%get3A_661, %get3A_662, %get3A_663] {strides = array<i32>} : memref<2x80x128xf32, #tpu.memory_space<vmem>>, vector<1x1x16xf32>,
        %get3A_665 = vector.shape_cast %get3A_664 : vector<1x1x16xf32> to vector<16xf32>
        %get3A_666 = arith.constant 1 : i32
        %get3A_667 = arith.index_cast %get3A_666 : i32 to index
        %get3A_668 = arith.index_cast %scan3A_524 : i32 to index
        %get3A_669 = arith.constant 96 : index
        %get3A_670 = tpu.vector_load %arg10[%get3A_667, %get3A_668, %get3A_669] {strides = array<i32>} : memref<2x80x128xf32, #tpu.memory_space<vmem>>, vector<1x1x16xf32>,
        %get3A_671 = vector.shape_cast %get3A_670 : vector<1x1x16xf32> to vector<16xf32>
        %add3A_672 = arith.addf %get3A_665, %get3A_671 : vector<16xf32>
        %max3A_673 = arith.constant 0.000000e+00 : f32
        %max3A_674 = vector.broadcast %max3A_673 : f32 to vector<16xf32>
        %max3A_675 = arith.maximumf %add3A_672, %max3A_674 : vector<16xf32>
        %swap3A_676 = arith.constant 1 : i32
        %swap3A_677 = arith.index_cast %swap3A_676 : i32 to index
        %swap3A_678 = arith.index_cast %scan3A_524 : i32 to index
        %swap3A_679 = arith.constant 96 : index
        %swap3A_680 = tpu.vector_load %arg9[%swap3A_677, %swap3A_678, %swap3A_679] {strides = array<i32>} : memref<2x80x128xf32, #tpu.memory_space<vmem>>, vector<1x1x16xf32>,
        %swap3A_681 = vector.shape_cast %swap3A_680 : vector<1x1x16xf32> to vector<16xf32>
        %swap3A_682 = vector.shape_cast %max3A_675 : vector<16xf32> to vector<1x1x16xf32>
        tpu.vector_store %arg9[%swap3A_677, %swap3A_678, %swap3A_679], %swap3A_682 {strides = array<i32>} : memref<2x80x128xf32, #tpu.memory_space<vmem>>, vector<1x1x16xf32>,
        %get3A_683 = arith.constant 1 : i32
        %get3A_684 = arith.index_cast %get3A_683 : i32 to index
        %get3A_685 = arith.index_cast %scan3A_524 : i32 to index
        %get3A_686 = arith.constant 112 : index
        %get3A_687 = tpu.vector_load %arg9[%get3A_684, %get3A_685, %get3A_686] {strides = array<i32>} : memref<2x80x128xf32, #tpu.memory_space<vmem>>, vector<1x1x16xf32>,
        %get3A_688 = vector.shape_cast %get3A_687 : vector<1x1x16xf32> to vector<16xf32>
        %get3A_689 = arith.constant 1 : i32
        %get3A_690 = arith.index_cast %get3A_689 : i32 to index
        %get3A_691 = arith.index_cast %scan3A_524 : i32 to index
        %get3A_692 = arith.constant 112 : index
        %get3A_693 = tpu.vector_load %arg10[%get3A_690, %get3A_691, %get3A_692] {strides = array<i32>} : memref<2x80x128xf32, #tpu.memory_space<vmem>>, vector<1x1x16xf32>,
        %get3A_694 = vector.shape_cast %get3A_693 : vector<1x1x16xf32> to vector<16xf32>
        %add3A_695 = arith.addf %get3A_688, %get3A_694 : vector<16xf32>
        %max3A_696 = arith.constant 0.000000e+00 : f32
        %max3A_697 = vector.broadcast %max3A_696 : f32 to vector<16xf32>
        %max3A_698 = arith.maximumf %add3A_695, %max3A_697 : vector<16xf32>
        %swap3A_699 = arith.constant 1 : i32
        %swap3A_700 = arith.index_cast %swap3A_699 : i32 to index
        %swap3A_701 = arith.index_cast %scan3A_524 : i32 to index
        %swap3A_702 = arith.constant 112 : index
        %swap3A_703 = tpu.vector_load %arg9[%swap3A_700, %swap3A_701, %swap3A_702] {strides = array<i32>} : memref<2x80x128xf32, #tpu.memory_space<vmem>>, vector<1x1x16xf32>,
        %swap3A_704 = vector.shape_cast %swap3A_703 : vector<1x1x16xf32> to vector<16xf32>
        %swap3A_705 = vector.shape_cast %max3A_698 : vector<16xf32> to vector<1x1x16xf32>
        tpu.vector_store %arg9[%swap3A_700, %swap3A_701, %swap3A_702], %swap3A_705 {strides = array<i32>} : memref<2x80x128xf32, #tpu.memory_space<vmem>>, vector<1x1x16xf32>,
      }
      %scan3A_393 = arith.constant 80 : i32
      %run_scoped3A_394 = arith.constant 1 : i32
      %run_scoped3A_395 = arith.constant 1 : i32
      "tpu.region"() ({
        %run_scoped3A_524 = tpu.sem_alloc : memref<!tpu.dma_semaphore, #tpu.memory_space<semaphore_mem>>
        %dma_start3A_525 = arith.constant 0 : i32
        %dma_start3A_526 = arith.constant 0 : i32
        %dma_start3A_527 = tpu.memref_slice %arg9[%run_scoped3A_394, %dma_start3A_525, %dma_start3A_526] : memref<2x80x128xf32, #tpu.memory_space<vmem>> -> memref<1x80x128xf32, #tpu.memory_space<vmem>>
        %dma_start3A_528 = tpu.memref_squeeze %dma_start3A_527 : memref<1x80x128xf32, #tpu.memory_space<vmem>> -> memref<80x128xf32, #tpu.memory_space<vmem>>
        %dma_start3A_529 = arith.constant 0 : i32
        %dma_start3A_530 = tpu.memref_slice %arg8[%run_scoped3A_395, %dma_start3A_529] : memref<2x80xi32, #tpu.memory_space<vmem>> -> memref<1x80xi32, #tpu.memory_space<vmem>>
        %dma_start3A_531 = tpu.memref_squeeze %dma_start3A_530 : memref<1x80xi32, #tpu.memory_space<vmem>> -> memref<80xi32, #tpu.memory_space<vmem>>
        %dma_start3A_532 = arith.constant 0 : i32
        %dma_start3A_533 = arith.constant 0 : i32
        %dma_start3A_534 = tpu.memref_slice %arg11[%dma_start3A_532, %dma_start3A_533] : memref<10240x128xf32, #tpu.memory_space<vmem_shared>> -> memref<10240x128xf32, #tpu.memory_space<vmem_shared>>
        tpu.enqueue_indirect_dma source(%dma_start3A_528 : memref<80x128xf32, #tpu.memory_space<vmem>>) target(%dma_start3A_534 : memref<10240x128xf32, #tpu.memory_space<vmem_shared>>) offsets(%dma_start3A_531 : memref<80xi32, #tpu.memory_space<vmem>>) semaphore(%run_scoped3A_524 : memref<!tpu.dma_semaphore, #tpu.memory_space<semaphore_mem>>) {add = true}
        %dma_wait3A_535 = arith.constant 0 : i32
        %dma_wait3A_536 = arith.constant 0 : i32
        %dma_wait3A_537 = tpu.memref_slice %arg9[%run_scoped3A_394, %dma_wait3A_535, %dma_wait3A_536] : memref<2x80x128xf32, #tpu.memory_space<vmem>> -> memref<1x80x128xf32, #tpu.memory_space<vmem>>
        %dma_wait3A_538 = tpu.memref_squeeze %dma_wait3A_537 : memref<1x80x128xf32, #tpu.memory_space<vmem>> -> memref<80x128xf32, #tpu.memory_space<vmem>>
        %dma_wait3A_539 = arith.constant 0 : i32
        %dma_wait3A_540 = tpu.memref_slice %arg8[%run_scoped3A_395, %dma_wait3A_539] : memref<2x80xi32, #tpu.memory_space<vmem>> -> memref<1x80xi32, #tpu.memory_space<vmem>>
        %dma_wait3A_541 = tpu.memref_squeeze %dma_wait3A_540 : memref<1x80xi32, #tpu.memory_space<vmem>> -> memref<80xi32, #tpu.memory_space<vmem>>
        %dma_wait3A_542 = arith.constant 0 : i32
        %dma_wait3A_543 = arith.constant 0 : i32
        %dma_wait3A_544 = tpu.memref_slice %arg11[%dma_wait3A_542, %dma_wait3A_543] : memref<10240x128xf32, #tpu.memory_space<vmem_shared>> -> memref<10240x128xf32, #tpu.memory_space<vmem_shared>>
        tpu.wait_indirect_dma semaphore(%run_scoped3A_524 : memref<!tpu.dma_semaphore, #tpu.memory_space<semaphore_mem>>) src(%dma_wait3A_538 : memref<80x128xf32, #tpu.memory_space<vmem>>) dst(%dma_wait3A_544 : memref<10240x128xf32, #tpu.memory_space<vmem_shared>>)
        tpu.yield
      }) : () -> ()
      %mul3A_396 = arith.constant 2 : i32
      %mul3A_397 = arith.muli %mul3A_396, %add3A_317 : i32
      %add3A_398 = arith.constant 3 : i32
      %add3A_399 = arith.addi %mul3A_397, %add3A_398 : i32
      %mul3A_400 = arith.constant 80 : i32
      %mul3A_401 = arith.muli %add3A_399, %mul3A_400 : i32
      %add3A_402 = arith.addi %add3A, %mul3A_401 : i32
      %dma_start3A_403 = arith.constant 1 : i32
      %dma_start3A_404 = arith.constant 0 : i32
      %dma_start3A_405 = tpu.memref_slice %arg7[%dma_start3A_403, %dma_start3A_404] : memref<2x80xi32, #tpu.memory_space<vmem>> -> memref<1x80xi32, #tpu.memory_space<vmem>>
      %dma_start3A_406 = tpu.memref_squeeze %dma_start3A_405 : memref<1x80xi32, #tpu.memory_space<vmem>> -> memref<80xi32, #tpu.memory_space<vmem>>
      %dma_start3A_407 = tpu.memref_slice %arg4[%add3A_402] : memref<320000xi32, #tpu.memory_space<hbm>> -> memref<80xi32, #tpu.memory_space<hbm>>
      %dma_start3A_408 = arith.constant 0 : i32
      %dma_start3A_409 = tpu.memref_slice %arg7[%dma_start3A_403, %dma_start3A_408] : memref<2x80xi32, #tpu.memory_space<vmem>> -> memref<1x80xi32, #tpu.memory_space<vmem>>
      %dma_start3A_410 = tpu.memref_squeeze %dma_start3A_409 : memref<1x80xi32, #tpu.memory_space<vmem>> -> memref<80xi32, #tpu.memory_space<vmem>>
      %dma_start3A_411 = tpu.memref_slice %arg4[%add3A_402] : memref<320000xi32, #tpu.memory_space<hbm>> -> memref<80xi32, #tpu.memory_space<hbm>>
      tpu.enqueue_dma source(%dma_start3A_411 : memref<80xi32, #tpu.memory_space<hbm>>) target(%dma_start3A_410 : memref<80xi32, #tpu.memory_space<vmem>>) target_semaphore(%arg15 : memref<!tpu.dma_semaphore, #tpu.memory_space<semaphore_mem>>)
      %dma_start3A_412 = arith.constant 1 : i32
      %dma_start3A_413 = arith.constant 0 : i32
      %dma_start3A_414 = tpu.memref_slice %arg8[%dma_start3A_412, %dma_start3A_413] : memref<2x80xi32, #tpu.memory_space<vmem>> -> memref<1x80xi32, #tpu.memory_space<vmem>>
      %dma_start3A_415 = tpu.memref_squeeze %dma_start3A_414 : memref<1x80xi32, #tpu.memory_space<vmem>> -> memref<80xi32, #tpu.memory_space<vmem>>
      %dma_start3A_416 = tpu.memref_slice %arg5[%add3A_402] : memref<320000xi32, #tpu.memory_space<hbm>> -> memref<80xi32, #tpu.memory_space<hbm>>
      %dma_start3A_417 = arith.constant 0 : i32
      %dma_start3A_418 = tpu.memref_slice %arg8[%dma_start3A_412, %dma_start3A_417] : memref<2x80xi32, #tpu.memory_space<vmem>> -> memref<1x80xi32, #tpu.memory_space<vmem>>
      %dma_start3A_419 = tpu.memref_squeeze %dma_start3A_418 : memref<1x80xi32, #tpu.memory_space<vmem>> -> memref<80xi32, #tpu.memory_space<vmem>>
      %dma_start3A_420 = tpu.memref_slice %arg5[%add3A_402] : memref<320000xi32, #tpu.memory_space<hbm>> -> memref<80xi32, #tpu.memory_space<hbm>>
      tpu.enqueue_dma source(%dma_start3A_420 : memref<80xi32, #tpu.memory_space<hbm>>) target(%dma_start3A_419 : memref<80xi32, #tpu.memory_space<vmem>>) target_semaphore(%arg15 : memref<!tpu.dma_semaphore, #tpu.memory_space<semaphore_mem>>)
      %dma_wait3A_421 = arith.constant 1 : i32
      %dma_wait3A_422 = arith.constant 0 : i32
      %dma_wait3A_423 = tpu.memref_slice %arg7[%dma_wait3A_421, %dma_wait3A_422] : memref<2x80xi32, #tpu.memory_space<vmem>> -> memref<1x80xi32, #tpu.memory_space<vmem>>
      %dma_wait3A_424 = tpu.memref_squeeze %dma_wait3A_423 : memref<1x80xi32, #tpu.memory_space<vmem>> -> memref<80xi32, #tpu.memory_space<vmem>>
      %dma_wait3A_425 = arith.constant 0 : i32
      %dma_wait3A_426 = tpu.memref_slice %arg4[%dma_wait3A_425] : memref<320000xi32, #tpu.memory_space<hbm>> -> memref<80xi32, #tpu.memory_space<hbm>>
      %dma_wait3A_427 = arith.constant 0 : i32
      %dma_wait3A_428 = tpu.memref_slice %arg7[%dma_wait3A_421, %dma_wait3A_427] : memref<2x80xi32, #tpu.memory_space<vmem>> -> memref<1x80xi32, #tpu.memory_space<vmem>>
      %dma_wait3A_429 = tpu.memref_squeeze %dma_wait3A_428 : memref<1x80xi32, #tpu.memory_space<vmem>> -> memref<80xi32, #tpu.memory_space<vmem>>
      %dma_wait3A_430 = arith.constant 0 : i32
      %dma_wait3A_431 = tpu.memref_slice %arg4[%dma_wait3A_430] : memref<320000xi32, #tpu.memory_space<hbm>> -> memref<80xi32, #tpu.memory_space<hbm>>
      tpu.wait_dma2 semaphore(%arg15 : memref<!tpu.dma_semaphore, #tpu.memory_space<semaphore_mem>>) src(%dma_wait3A_431 : memref<80xi32, #tpu.memory_space<hbm>>) dst(%dma_wait3A_429 : memref<80xi32, #tpu.memory_space<vmem>>)
      %dma_wait3A_432 = arith.constant 1 : i32
      %dma_wait3A_433 = arith.constant 0 : i32
      %dma_wait3A_434 = tpu.memref_slice %arg8[%dma_wait3A_432, %dma_wait3A_433] : memref<2x80xi32, #tpu.memory_space<vmem>> -> memref<1x80xi32, #tpu.memory_space<vmem>>
      %dma_wait3A_435 = tpu.memref_squeeze %dma_wait3A_434 : memref<1x80xi32, #tpu.memory_space<vmem>> -> memref<80xi32, #tpu.memory_space<vmem>>
      %dma_wait3A_436 = arith.constant 0 : i32
      %dma_wait3A_437 = tpu.memref_slice %arg5[%dma_wait3A_436] : memref<320000xi32, #tpu.memory_space<hbm>> -> memref<80xi32, #tpu.memory_space<hbm>>
      %dma_wait3A_438 = arith.constant 0 : i32
      %dma_wait3A_439 = tpu.memref_slice %arg8[%dma_wait3A_432, %dma_wait3A_438] : memref<2x80xi32, #tpu.memory_space<vmem>> -> memref<1x80xi32, #tpu.memory_space<vmem>>
      %dma_wait3A_440 = tpu.memref_squeeze %dma_wait3A_439 : memref<1x80xi32, #tpu.memory_space<vmem>> -> memref<80xi32, #tpu.memory_space<vmem>>
      %dma_wait3A_441 = arith.constant 0 : i32
      %dma_wait3A_442 = tpu.memref_slice %arg5[%dma_wait3A_441] : memref<320000xi32, #tpu.memory_space<hbm>> -> memref<80xi32, #tpu.memory_space<hbm>>
      tpu.wait_dma2 semaphore(%arg15 : memref<!tpu.dma_semaphore, #tpu.memory_space<semaphore_mem>>) src(%dma_wait3A_442 : memref<80xi32, #tpu.memory_space<hbm>>) dst(%dma_wait3A_440 : memref<80xi32, #tpu.memory_space<vmem>>)
      %dma_start3A_443 = arith.constant 1 : i32
      %dma_start3A_444 = arith.constant 1 : i32
      %dma_start3A_445 = arith.constant 0 : i32
      %dma_start3A_446 = arith.constant 0 : i32
      %dma_start3A_447 = tpu.memref_slice %arg9[%dma_start3A_444, %dma_start3A_445, %dma_start3A_446] : memref<2x80x128xf32, #tpu.memory_space<vmem>> -> memref<1x80x128xf32, #tpu.memory_space<vmem>>
      %dma_start3A_448 = tpu.memref_squeeze %dma_start3A_447 : memref<1x80x128xf32, #tpu.memory_space<vmem>> -> memref<80x128xf32, #tpu.memory_space<vmem>>
      %dma_start3A_449 = arith.constant 0 : i32
      %dma_start3A_450 = tpu.memref_slice %arg7[%dma_start3A_443, %dma_start3A_449] : memref<2x80xi32, #tpu.memory_space<vmem>> -> memref<1x80xi32, #tpu.memory_space<vmem>>
      %dma_start3A_451 = tpu.memref_squeeze %dma_start3A_450 : memref<1x80xi32, #tpu.memory_space<vmem>> -> memref<80xi32, #tpu.memory_space<vmem>>
      %dma_start3A_452 = arith.constant 0 : i32
      %dma_start3A_453 = arith.constant 0 : i32
      %dma_start3A_454 = tpu.memref_slice %arg2[%dma_start3A_452, %dma_start3A_453] : memref<10000x128xf32, #tpu.memory_space<hbm>> -> memref<10000x128xf32, #tpu.memory_space<hbm>>
      tpu.enqueue_indirect_dma source(%dma_start3A_454 : memref<10000x128xf32, #tpu.memory_space<hbm>>) target(%dma_start3A_448 : memref<80x128xf32, #tpu.memory_space<vmem>>) offsets(%dma_start3A_451 : memref<80xi32, #tpu.memory_space<vmem>>) semaphore(%arg13 : memref<!tpu.dma_semaphore, #tpu.memory_space<semaphore_mem>>)
      %dma_start3A_455 = arith.constant 1 : i32
      %dma_start3A_456 = arith.constant 1 : i32
      %dma_start3A_457 = arith.constant 0 : i32
      %dma_start3A_458 = arith.constant 0 : i32
      %dma_start3A_459 = tpu.memref_slice %arg10[%dma_start3A_456, %dma_start3A_457, %dma_start3A_458] : memref<2x80x128xf32, #tpu.memory_space<vmem>> -> memref<1x80x128xf32, #tpu.memory_space<vmem>>
      %dma_start3A_460 = tpu.memref_squeeze %dma_start3A_459 : memref<1x80x128xf32, #tpu.memory_space<vmem>> -> memref<80x128xf32, #tpu.memory_space<vmem>>
      %dma_start3A_461 = arith.constant 0 : i32
      %dma_start3A_462 = tpu.memref_slice %arg8[%dma_start3A_455, %dma_start3A_461] : memref<2x80xi32, #tpu.memory_space<vmem>> -> memref<1x80xi32, #tpu.memory_space<vmem>>
      %dma_start3A_463 = tpu.memref_squeeze %dma_start3A_462 : memref<1x80xi32, #tpu.memory_space<vmem>> -> memref<80xi32, #tpu.memory_space<vmem>>
      %dma_start3A_464 = arith.constant 0 : i32
      %dma_start3A_465 = arith.constant 0 : i32
      %dma_start3A_466 = tpu.memref_slice %arg3[%dma_start3A_464, %dma_start3A_465] : memref<10000x128xf32, #tpu.memory_space<hbm>> -> memref<10000x128xf32, #tpu.memory_space<hbm>>
      tpu.enqueue_indirect_dma source(%dma_start3A_466 : memref<10000x128xf32, #tpu.memory_space<hbm>>) target(%dma_start3A_460 : memref<80x128xf32, #tpu.memory_space<vmem>>) offsets(%dma_start3A_463 : memref<80xi32, #tpu.memory_space<vmem>>) semaphore(%arg13 : memref<!tpu.dma_semaphore, #tpu.memory_space<semaphore_mem>>)
      %dma_wait3A_467 = arith.constant 0 : i32
      %dma_wait3A_468 = arith.constant 0 : i32
      %dma_wait3A_469 = arith.constant 0 : i32
      %dma_wait3A_470 = arith.constant 0 : i32
      %dma_wait3A_471 = tpu.memref_slice %arg9[%dma_wait3A_468, %dma_wait3A_469, %dma_wait3A_470] : memref<2x80x128xf32, #tpu.memory_space<vmem>> -> memref<1x80x128xf32, #tpu.memory_space<vmem>>
      %dma_wait3A_472 = tpu.memref_squeeze %dma_wait3A_471 : memref<1x80x128xf32, #tpu.memory_space<vmem>> -> memref<80x128xf32, #tpu.memory_space<vmem>>
      %dma_wait3A_473 = arith.constant 0 : i32
      %dma_wait3A_474 = tpu.memref_slice %arg7[%dma_wait3A_467, %dma_wait3A_473] : memref<2x80xi32, #tpu.memory_space<vmem>> -> memref<1x80xi32, #tpu.memory_space<vmem>>
      %dma_wait3A_475 = tpu.memref_squeeze %dma_wait3A_474 : memref<1x80xi32, #tpu.memory_space<vmem>> -> memref<80xi32, #tpu.memory_space<vmem>>
      %dma_wait3A_476 = arith.constant 0 : i32
      %dma_wait3A_477 = arith.constant 0 : i32
      %dma_wait3A_478 = tpu.memref_slice %arg2[%dma_wait3A_476, %dma_wait3A_477] : memref<10000x128xf32, #tpu.memory_space<hbm>> -> memref<10000x128xf32, #tpu.memory_space<hbm>>
      tpu.wait_indirect_dma semaphore(%arg12 : memref<!tpu.dma_semaphore, #tpu.memory_space<semaphore_mem>>) src(%dma_wait3A_478 : memref<10000x128xf32, #tpu.memory_space<hbm>>) dst(%dma_wait3A_472 : memref<80x128xf32, #tpu.memory_space<vmem>>)
      %dma_wait3A_479 = arith.constant 0 : i32
      %dma_wait3A_480 = arith.constant 0 : i32
      %dma_wait3A_481 = arith.constant 0 : i32
      %dma_wait3A_482 = arith.constant 0 : i32
      %dma_wait3A_483 = tpu.memref_slice %arg10[%dma_wait3A_480, %dma_wait3A_481, %dma_wait3A_482] : memref<2x80x128xf32, #tpu.memory_space<vmem>> -> memref<1x80x128xf32, #tpu.memory_space<vmem>>
      %dma_wait3A_484 = tpu.memref_squeeze %dma_wait3A_483 : memref<1x80x128xf32, #tpu.memory_space<vmem>> -> memref<80x128xf32, #tpu.memory_space<vmem>>
      %dma_wait3A_485 = arith.constant 0 : i32
      %dma_wait3A_486 = tpu.memref_slice %arg8[%dma_wait3A_479, %dma_wait3A_485] : memref<2x80xi32, #tpu.memory_space<vmem>> -> memref<1x80xi32, #tpu.memory_space<vmem>>
      %dma_wait3A_487 = tpu.memref_squeeze %dma_wait3A_486 : memref<1x80xi32, #tpu.memory_space<vmem>> -> memref<80xi32, #tpu.memory_space<vmem>>
      %dma_wait3A_488 = arith.constant 0 : i32
      %dma_wait3A_489 = arith.constant 0 : i32
      %dma_wait3A_490 = tpu.memref_slice %arg3[%dma_wait3A_488, %dma_wait3A_489] : memref<10000x128xf32, #tpu.memory_space<hbm>> -> memref<10000x128xf32, #tpu.memory_space<hbm>>
      tpu.wait_indirect_dma semaphore(%arg12 : memref<!tpu.dma_semaphore, #tpu.memory_space<semaphore_mem>>) src(%dma_wait3A_490 : memref<10000x128xf32, #tpu.memory_space<hbm>>) dst(%dma_wait3A_484 : memref<80x128xf32, #tpu.memory_space<vmem>>)
      %scan3A_491 = arith.constant 0 : i32
      %scan3A_492 = arith.constant 0 : i32
      %scan3A_493 = arith.constant 80 : i32
      %scan3A_494 = arith.addi %scan3A_492, %scan3A_493 : i32
      %scan3A_495 = arith.constant 1 : i32
      scf.for %scan3A_524 = %scan3A_492 to %scan3A_494 step %scan3A_495  : i32 {
        %get3A = arith.constant 0 : i32
        %get3A_525 = arith.index_cast %get3A : i32 to index
        %get3A_526 = arith.index_cast %scan3A_524 : i32 to index
        %get3A_527 = arith.constant 0 : index
        %get3A_528 = tpu.vector_load %arg9[%get3A_525, %get3A_526, %get3A_527] {strides = array<i32>} : memref<2x80x128xf32, #tpu.memory_space<vmem>>, vector<1x1x16xf32>,
        %get3A_529 = vector.shape_cast %get3A_528 : vector<1x1x16xf32> to vector<16xf32>
        %get3A_530 = arith.constant 0 : i32
        %get3A_531 = arith.index_cast %get3A_530 : i32 to index
        %get3A_532 = arith.index_cast %scan3A_524 : i32 to index
        %get3A_533 = arith.constant 0 : index
        %get3A_534 = tpu.vector_load %arg10[%get3A_531, %get3A_532, %get3A_533] {strides = array<i32>} : memref<2x80x128xf32, #tpu.memory_space<vmem>>, vector<1x1x16xf32>,
        %get3A_535 = vector.shape_cast %get3A_534 : vector<1x1x16xf32> to vector<16xf32>
        %add3A_536 = arith.addf %get3A_529, %get3A_535 : vector<16xf32>
        %max3A = arith.constant 0.000000e+00 : f32
        %max3A_537 = vector.broadcast %max3A : f32 to vector<16xf32>
        %max3A_538 = arith.maximumf %add3A_536, %max3A_537 : vector<16xf32>
        %swap3A = arith.constant 0 : i32
        %swap3A_539 = arith.index_cast %swap3A : i32 to index
        %swap3A_540 = arith.index_cast %scan3A_524 : i32 to index
        %swap3A_541 = arith.constant 0 : index
        %swap3A_542 = tpu.vector_load %arg9[%swap3A_539, %swap3A_540, %swap3A_541] {strides = array<i32>} : memref<2x80x128xf32, #tpu.memory_space<vmem>>, vector<1x1x16xf32>,
        %swap3A_543 = vector.shape_cast %swap3A_542 : vector<1x1x16xf32> to vector<16xf32>
        %swap3A_544 = vector.shape_cast %max3A_538 : vector<16xf32> to vector<1x1x16xf32>
        tpu.vector_store %arg9[%swap3A_539, %swap3A_540, %swap3A_541], %swap3A_544 {strides = array<i32>} : memref<2x80x128xf32, #tpu.memory_space<vmem>>, vector<1x1x16xf32>,
        %get3A_545 = arith.constant 0 : i32
        %get3A_546 = arith.index_cast %get3A_545 : i32 to index
        %get3A_547 = arith.index_cast %scan3A_524 : i32 to index
        %get3A_548 = arith.constant 16 : index
        %get3A_549 = tpu.vector_load %arg9[%get3A_546, %get3A_547, %get3A_548] {strides = array<i32>} : memref<2x80x128xf32, #tpu.memory_space<vmem>>, vector<1x1x16xf32>,
        %get3A_550 = vector.shape_cast %get3A_549 : vector<1x1x16xf32> to vector<16xf32>
        %get3A_551 = arith.constant 0 : i32
        %get3A_552 = arith.index_cast %get3A_551 : i32 to index
        %get3A_553 = arith.index_cast %scan3A_524 : i32 to index
        %get3A_554 = arith.constant 16 : index
        %get3A_555 = tpu.vector_load %arg10[%get3A_552, %get3A_553, %get3A_554] {strides = array<i32>} : memref<2x80x128xf32, #tpu.memory_space<vmem>>, vector<1x1x16xf32>,
        %get3A_556 = vector.shape_cast %get3A_555 : vector<1x1x16xf32> to vector<16xf32>
        %add3A_557 = arith.addf %get3A_550, %get3A_556 : vector<16xf32>
        %max3A_558 = arith.constant 0.000000e+00 : f32
        %max3A_559 = vector.broadcast %max3A_558 : f32 to vector<16xf32>
        %max3A_560 = arith.maximumf %add3A_557, %max3A_559 : vector<16xf32>
        %swap3A_561 = arith.constant 0 : i32
        %swap3A_562 = arith.index_cast %swap3A_561 : i32 to index
        %swap3A_563 = arith.index_cast %scan3A_524 : i32 to index
        %swap3A_564 = arith.constant 16 : index
        %swap3A_565 = tpu.vector_load %arg9[%swap3A_562, %swap3A_563, %swap3A_564] {strides = array<i32>} : memref<2x80x128xf32, #tpu.memory_space<vmem>>, vector<1x1x16xf32>,
        %swap3A_566 = vector.shape_cast %swap3A_565 : vector<1x1x16xf32> to vector<16xf32>
        %swap3A_567 = vector.shape_cast %max3A_560 : vector<16xf32> to vector<1x1x16xf32>
        tpu.vector_store %arg9[%swap3A_562, %swap3A_563, %swap3A_564], %swap3A_567 {strides = array<i32>} : memref<2x80x128xf32, #tpu.memory_space<vmem>>, vector<1x1x16xf32>,
        %get3A_568 = arith.constant 0 : i32
        %get3A_569 = arith.index_cast %get3A_568 : i32 to index
        %get3A_570 = arith.index_cast %scan3A_524 : i32 to index
        %get3A_571 = arith.constant 32 : index
        %get3A_572 = tpu.vector_load %arg9[%get3A_569, %get3A_570, %get3A_571] {strides = array<i32>} : memref<2x80x128xf32, #tpu.memory_space<vmem>>, vector<1x1x16xf32>,
        %get3A_573 = vector.shape_cast %get3A_572 : vector<1x1x16xf32> to vector<16xf32>
        %get3A_574 = arith.constant 0 : i32
        %get3A_575 = arith.index_cast %get3A_574 : i32 to index
        %get3A_576 = arith.index_cast %scan3A_524 : i32 to index
        %get3A_577 = arith.constant 32 : index
        %get3A_578 = tpu.vector_load %arg10[%get3A_575, %get3A_576, %get3A_577] {strides = array<i32>} : memref<2x80x128xf32, #tpu.memory_space<vmem>>, vector<1x1x16xf32>,
        %get3A_579 = vector.shape_cast %get3A_578 : vector<1x1x16xf32> to vector<16xf32>
        %add3A_580 = arith.addf %get3A_573, %get3A_579 : vector<16xf32>
        %max3A_581 = arith.constant 0.000000e+00 : f32
        %max3A_582 = vector.broadcast %max3A_581 : f32 to vector<16xf32>
        %max3A_583 = arith.maximumf %add3A_580, %max3A_582 : vector<16xf32>
        %swap3A_584 = arith.constant 0 : i32
        %swap3A_585 = arith.index_cast %swap3A_584 : i32 to index
        %swap3A_586 = arith.index_cast %scan3A_524 : i32 to index
        %swap3A_587 = arith.constant 32 : index
        %swap3A_588 = tpu.vector_load %arg9[%swap3A_585, %swap3A_586, %swap3A_587] {strides = array<i32>} : memref<2x80x128xf32, #tpu.memory_space<vmem>>, vector<1x1x16xf32>,
        %swap3A_589 = vector.shape_cast %swap3A_588 : vector<1x1x16xf32> to vector<16xf32>
        %swap3A_590 = vector.shape_cast %max3A_583 : vector<16xf32> to vector<1x1x16xf32>
        tpu.vector_store %arg9[%swap3A_585, %swap3A_586, %swap3A_587], %swap3A_590 {strides = array<i32>} : memref<2x80x128xf32, #tpu.memory_space<vmem>>, vector<1x1x16xf32>,
        %get3A_591 = arith.constant 0 : i32
        %get3A_592 = arith.index_cast %get3A_591 : i32 to index
        %get3A_593 = arith.index_cast %scan3A_524 : i32 to index
        %get3A_594 = arith.constant 48 : index
        %get3A_595 = tpu.vector_load %arg9[%get3A_592, %get3A_593, %get3A_594] {strides = array<i32>} : memref<2x80x128xf32, #tpu.memory_space<vmem>>, vector<1x1x16xf32>,
        %get3A_596 = vector.shape_cast %get3A_595 : vector<1x1x16xf32> to vector<16xf32>
        %get3A_597 = arith.constant 0 : i32
        %get3A_598 = arith.index_cast %get3A_597 : i32 to index
        %get3A_599 = arith.index_cast %scan3A_524 : i32 to index
        %get3A_600 = arith.constant 48 : index
        %get3A_601 = tpu.vector_load %arg10[%get3A_598, %get3A_599, %get3A_600] {strides = array<i32>} : memref<2x80x128xf32, #tpu.memory_space<vmem>>, vector<1x1x16xf32>,
        %get3A_602 = vector.shape_cast %get3A_601 : vector<1x1x16xf32> to vector<16xf32>
        %add3A_603 = arith.addf %get3A_596, %get3A_602 : vector<16xf32>
        %max3A_604 = arith.constant 0.000000e+00 : f32
        %max3A_605 = vector.broadcast %max3A_604 : f32 to vector<16xf32>
        %max3A_606 = arith.maximumf %add3A_603, %max3A_605 : vector<16xf32>
        %swap3A_607 = arith.constant 0 : i32
        %swap3A_608 = arith.index_cast %swap3A_607 : i32 to index
        %swap3A_609 = arith.index_cast %scan3A_524 : i32 to index
        %swap3A_610 = arith.constant 48 : index
        %swap3A_611 = tpu.vector_load %arg9[%swap3A_608, %swap3A_609, %swap3A_610] {strides = array<i32>} : memref<2x80x128xf32, #tpu.memory_space<vmem>>, vector<1x1x16xf32>,
        %swap3A_612 = vector.shape_cast %swap3A_611 : vector<1x1x16xf32> to vector<16xf32>
        %swap3A_613 = vector.shape_cast %max3A_606 : vector<16xf32> to vector<1x1x16xf32>
        tpu.vector_store %arg9[%swap3A_608, %swap3A_609, %swap3A_610], %swap3A_613 {strides = array<i32>} : memref<2x80x128xf32, #tpu.memory_space<vmem>>, vector<1x1x16xf32>,
        %get3A_614 = arith.constant 0 : i32
        %get3A_615 = arith.index_cast %get3A_614 : i32 to index
        %get3A_616 = arith.index_cast %scan3A_524 : i32 to index
        %get3A_617 = arith.constant 64 : index
        %get3A_618 = tpu.vector_load %arg9[%get3A_615, %get3A_616, %get3A_617] {strides = array<i32>} : memref<2x80x128xf32, #tpu.memory_space<vmem>>, vector<1x1x16xf32>,
        %get3A_619 = vector.shape_cast %get3A_618 : vector<1x1x16xf32> to vector<16xf32>
        %get3A_620 = arith.constant 0 : i32
        %get3A_621 = arith.index_cast %get3A_620 : i32 to index
        %get3A_622 = arith.index_cast %scan3A_524 : i32 to index
        %get3A_623 = arith.constant 64 : index
        %get3A_624 = tpu.vector_load %arg10[%get3A_621, %get3A_622, %get3A_623] {strides = array<i32>} : memref<2x80x128xf32, #tpu.memory_space<vmem>>, vector<1x1x16xf32>,
        %get3A_625 = vector.shape_cast %get3A_624 : vector<1x1x16xf32> to vector<16xf32>
        %add3A_626 = arith.addf %get3A_619, %get3A_625 : vector<16xf32>
        %max3A_627 = arith.constant 0.000000e+00 : f32
        %max3A_628 = vector.broadcast %max3A_627 : f32 to vector<16xf32>
        %max3A_629 = arith.maximumf %add3A_626, %max3A_628 : vector<16xf32>
        %swap3A_630 = arith.constant 0 : i32
        %swap3A_631 = arith.index_cast %swap3A_630 : i32 to index
        %swap3A_632 = arith.index_cast %scan3A_524 : i32 to index
        %swap3A_633 = arith.constant 64 : index
        %swap3A_634 = tpu.vector_load %arg9[%swap3A_631, %swap3A_632, %swap3A_633] {strides = array<i32>} : memref<2x80x128xf32, #tpu.memory_space<vmem>>, vector<1x1x16xf32>,
        %swap3A_635 = vector.shape_cast %swap3A_634 : vector<1x1x16xf32> to vector<16xf32>
        %swap3A_636 = vector.shape_cast %max3A_629 : vector<16xf32> to vector<1x1x16xf32>
        tpu.vector_store %arg9[%swap3A_631, %swap3A_632, %swap3A_633], %swap3A_636 {strides = array<i32>} : memref<2x80x128xf32, #tpu.memory_space<vmem>>, vector<1x1x16xf32>,
        %get3A_637 = arith.constant 0 : i32
        %get3A_638 = arith.index_cast %get3A_637 : i32 to index
        %get3A_639 = arith.index_cast %scan3A_524 : i32 to index
        %get3A_640 = arith.constant 80 : index
        %get3A_641 = tpu.vector_load %arg9[%get3A_638, %get3A_639, %get3A_640] {strides = array<i32>} : memref<2x80x128xf32, #tpu.memory_space<vmem>>, vector<1x1x16xf32>,
        %get3A_642 = vector.shape_cast %get3A_641 : vector<1x1x16xf32> to vector<16xf32>
        %get3A_643 = arith.constant 0 : i32
        %get3A_644 = arith.index_cast %get3A_643 : i32 to index
        %get3A_645 = arith.index_cast %scan3A_524 : i32 to index
        %get3A_646 = arith.constant 80 : index
        %get3A_647 = tpu.vector_load %arg10[%get3A_644, %get3A_645, %get3A_646] {strides = array<i32>} : memref<2x80x128xf32, #tpu.memory_space<vmem>>, vector<1x1x16xf32>,
        %get3A_648 = vector.shape_cast %get3A_647 : vector<1x1x16xf32> to vector<16xf32>
        %add3A_649 = arith.addf %get3A_642, %get3A_648 : vector<16xf32>
        %max3A_650 = arith.constant 0.000000e+00 : f32
        %max3A_651 = vector.broadcast %max3A_650 : f32 to vector<16xf32>
        %max3A_652 = arith.maximumf %add3A_649, %max3A_651 : vector<16xf32>
        %swap3A_653 = arith.constant 0 : i32
        %swap3A_654 = arith.index_cast %swap3A_653 : i32 to index
        %swap3A_655 = arith.index_cast %scan3A_524 : i32 to index
        %swap3A_656 = arith.constant 80 : index
        %swap3A_657 = tpu.vector_load %arg9[%swap3A_654, %swap3A_655, %swap3A_656] {strides = array<i32>} : memref<2x80x128xf32, #tpu.memory_space<vmem>>, vector<1x1x16xf32>,
        %swap3A_658 = vector.shape_cast %swap3A_657 : vector<1x1x16xf32> to vector<16xf32>
        %swap3A_659 = vector.shape_cast %max3A_652 : vector<16xf32> to vector<1x1x16xf32>
        tpu.vector_store %arg9[%swap3A_654, %swap3A_655, %swap3A_656], %swap3A_659 {strides = array<i32>} : memref<2x80x128xf32, #tpu.memory_space<vmem>>, vector<1x1x16xf32>,
        %get3A_660 = arith.constant 0 : i32
        %get3A_661 = arith.index_cast %get3A_660 : i32 to index
        %get3A_662 = arith.index_cast %scan3A_524 : i32 to index
        %get3A_663 = arith.constant 96 : index
        %get3A_664 = tpu.vector_load %arg9[%get3A_661, %get3A_662, %get3A_663] {strides = array<i32>} : memref<2x80x128xf32, #tpu.memory_space<vmem>>, vector<1x1x16xf32>,
        %get3A_665 = vector.shape_cast %get3A_664 : vector<1x1x16xf32> to vector<16xf32>
        %get3A_666 = arith.constant 0 : i32
        %get3A_667 = arith.index_cast %get3A_666 : i32 to index
        %get3A_668 = arith.index_cast %scan3A_524 : i32 to index
        %get3A_669 = arith.constant 96 : index
        %get3A_670 = tpu.vector_load %arg10[%get3A_667, %get3A_668, %get3A_669] {strides = array<i32>} : memref<2x80x128xf32, #tpu.memory_space<vmem>>, vector<1x1x16xf32>,
        %get3A_671 = vector.shape_cast %get3A_670 : vector<1x1x16xf32> to vector<16xf32>
        %add3A_672 = arith.addf %get3A_665, %get3A_671 : vector<16xf32>
        %max3A_673 = arith.constant 0.000000e+00 : f32
        %max3A_674 = vector.broadcast %max3A_673 : f32 to vector<16xf32>
        %max3A_675 = arith.maximumf %add3A_672, %max3A_674 : vector<16xf32>
        %swap3A_676 = arith.constant 0 : i32
        %swap3A_677 = arith.index_cast %swap3A_676 : i32 to index
        %swap3A_678 = arith.index_cast %scan3A_524 : i32 to index
        %swap3A_679 = arith.constant 96 : index
        %swap3A_680 = tpu.vector_load %arg9[%swap3A_677, %swap3A_678, %swap3A_679] {strides = array<i32>} : memref<2x80x128xf32, #tpu.memory_space<vmem>>, vector<1x1x16xf32>,
        %swap3A_681 = vector.shape_cast %swap3A_680 : vector<1x1x16xf32> to vector<16xf32>
        %swap3A_682 = vector.shape_cast %max3A_675 : vector<16xf32> to vector<1x1x16xf32>
        tpu.vector_store %arg9[%swap3A_677, %swap3A_678, %swap3A_679], %swap3A_682 {strides = array<i32>} : memref<2x80x128xf32, #tpu.memory_space<vmem>>, vector<1x1x16xf32>,
        %get3A_683 = arith.constant 0 : i32
        %get3A_684 = arith.index_cast %get3A_683 : i32 to index
        %get3A_685 = arith.index_cast %scan3A_524 : i32 to index
        %get3A_686 = arith.constant 112 : index
        %get3A_687 = tpu.vector_load %arg9[%get3A_684, %get3A_685, %get3A_686] {strides = array<i32>} : memref<2x80x128xf32, #tpu.memory_space<vmem>>, vector<1x1x16xf32>,
        %get3A_688 = vector.shape_cast %get3A_687 : vector<1x1x16xf32> to vector<16xf32>
        %get3A_689 = arith.constant 0 : i32
        %get3A_690 = arith.index_cast %get3A_689 : i32 to index
        %get3A_691 = arith.index_cast %scan3A_524 : i32 to index
        %get3A_692 = arith.constant 112 : index
        %get3A_693 = tpu.vector_load %arg10[%get3A_690, %get3A_691, %get3A_692] {strides = array<i32>} : memref<2x80x128xf32, #tpu.memory_space<vmem>>, vector<1x1x16xf32>,
        %get3A_694 = vector.shape_cast %get3A_693 : vector<1x1x16xf32> to vector<16xf32>
        %add3A_695 = arith.addf %get3A_688, %get3A_694 : vector<16xf32>
        %max3A_696 = arith.constant 0.000000e+00 : f32
        %max3A_697 = vector.broadcast %max3A_696 : f32 to vector<16xf32>
        %max3A_698 = arith.maximumf %add3A_695, %max3A_697 : vector<16xf32>
        %swap3A_699 = arith.constant 0 : i32
        %swap3A_700 = arith.index_cast %swap3A_699 : i32 to index
        %swap3A_701 = arith.index_cast %scan3A_524 : i32 to index
        %swap3A_702 = arith.constant 112 : index
        %swap3A_703 = tpu.vector_load %arg9[%swap3A_700, %swap3A_701, %swap3A_702] {strides = array<i32>} : memref<2x80x128xf32, #tpu.memory_space<vmem>>, vector<1x1x16xf32>,
        %swap3A_704 = vector.shape_cast %swap3A_703 : vector<1x1x16xf32> to vector<16xf32>
        %swap3A_705 = vector.shape_cast %max3A_698 : vector<16xf32> to vector<1x1x16xf32>
        tpu.vector_store %arg9[%swap3A_700, %swap3A_701, %swap3A_702], %swap3A_705 {strides = array<i32>} : memref<2x80x128xf32, #tpu.memory_space<vmem>>, vector<1x1x16xf32>,
      }
      %scan3A_496 = arith.constant 80 : i32
      %run_scoped3A_497 = arith.constant 0 : i32
      %run_scoped3A_498 = arith.constant 0 : i32
      "tpu.region"() ({
        %run_scoped3A_524 = tpu.sem_alloc : memref<!tpu.dma_semaphore, #tpu.memory_space<semaphore_mem>>
        %dma_start3A_525 = arith.constant 0 : i32
        %dma_start3A_526 = arith.constant 0 : i32
        %dma_start3A_527 = tpu.memref_slice %arg9[%run_scoped3A_497, %dma_start3A_525, %dma_start3A_526] : memref<2x80x128xf32, #tpu.memory_space<vmem>> -> memref<1x80x128xf32, #tpu.memory_space<vmem>>
        %dma_start3A_528 = tpu.memref_squeeze %dma_start3A_527 : memref<1x80x128xf32, #tpu.memory_space<vmem>> -> memref<80x128xf32, #tpu.memory_space<vmem>>
        %dma_start3A_529 = arith.constant 0 : i32
        %dma_start3A_530 = tpu.memref_slice %arg8[%run_scoped3A_498, %dma_start3A_529] : memref<2x80xi32, #tpu.memory_space<vmem>> -> memref<1x80xi32, #tpu.memory_space<vmem>>
        %dma_start3A_531 = tpu.memref_squeeze %dma_start3A_530 : memref<1x80xi32, #tpu.memory_space<vmem>> -> memref<80xi32, #tpu.memory_space<vmem>>
        %dma_start3A_532 = arith.constant 0 : i32
        %dma_start3A_533 = arith.constant 0 : i32
        %dma_start3A_534 = tpu.memref_slice %arg11[%dma_start3A_532, %dma_start3A_533] : memref<10240x128xf32, #tpu.memory_space<vmem_shared>> -> memref<10240x128xf32, #tpu.memory_space<vmem_shared>>
        tpu.enqueue_indirect_dma source(%dma_start3A_528 : memref<80x128xf32, #tpu.memory_space<vmem>>) target(%dma_start3A_534 : memref<10240x128xf32, #tpu.memory_space<vmem_shared>>) offsets(%dma_start3A_531 : memref<80xi32, #tpu.memory_space<vmem>>) semaphore(%run_scoped3A_524 : memref<!tpu.dma_semaphore, #tpu.memory_space<semaphore_mem>>) {add = true}
        %dma_wait3A_535 = arith.constant 0 : i32
        %dma_wait3A_536 = arith.constant 0 : i32
        %dma_wait3A_537 = tpu.memref_slice %arg9[%run_scoped3A_497, %dma_wait3A_535, %dma_wait3A_536] : memref<2x80x128xf32, #tpu.memory_space<vmem>> -> memref<1x80x128xf32, #tpu.memory_space<vmem>>
        %dma_wait3A_538 = tpu.memref_squeeze %dma_wait3A_537 : memref<1x80x128xf32, #tpu.memory_space<vmem>> -> memref<80x128xf32, #tpu.memory_space<vmem>>
        %dma_wait3A_539 = arith.constant 0 : i32
        %dma_wait3A_540 = tpu.memref_slice %arg8[%run_scoped3A_498, %dma_wait3A_539] : memref<2x80xi32, #tpu.memory_space<vmem>> -> memref<1x80xi32, #tpu.memory_space<vmem>>
        %dma_wait3A_541 = tpu.memref_squeeze %dma_wait3A_540 : memref<1x80xi32, #tpu.memory_space<vmem>> -> memref<80xi32, #tpu.memory_space<vmem>>
        %dma_wait3A_542 = arith.constant 0 : i32
        %dma_wait3A_543 = arith.constant 0 : i32
        %dma_wait3A_544 = tpu.memref_slice %arg11[%dma_wait3A_542, %dma_wait3A_543] : memref<10240x128xf32, #tpu.memory_space<vmem_shared>> -> memref<10240x128xf32, #tpu.memory_space<vmem_shared>>
        tpu.wait_indirect_dma semaphore(%run_scoped3A_524 : memref<!tpu.dma_semaphore, #tpu.memory_space<semaphore_mem>>) src(%dma_wait3A_538 : memref<80x128xf32, #tpu.memory_space<vmem>>) dst(%dma_wait3A_544 : memref<10240x128xf32, #tpu.memory_space<vmem_shared>>)
        tpu.yield
      }) : () -> ()
      %mul3A_499 = arith.constant 2 : i32
      %mul3A_500 = arith.muli %mul3A_499, %add3A_317 : i32
      %add3A_501 = arith.constant 4 : i32
      %add3A_502 = arith.addi %mul3A_500, %add3A_501 : i32
      %mul3A_503 = arith.constant 80 : i32
      %mul3A_504 = arith.muli %add3A_502, %mul3A_503 : i32
      %add3A_505 = arith.addi %add3A, %mul3A_504 : i32
      %dma_start3A_506 = arith.constant 0 : i32
      %dma_start3A_507 = arith.constant 0 : i32
      %dma_start3A_508 = tpu.memref_slice %arg7[%dma_start3A_506, %dma_start3A_507] : memref<2x80xi32, #tpu.memory_space<vmem>> -> memref<1x80xi32, #tpu.memory_space<vmem>>
      %dma_start3A_509 = tpu.memref_squeeze %dma_start3A_508 : memref<1x80xi32, #tpu.memory_space<vmem>> -> memref<80xi32, #tpu.memory_space<vmem>>
      %dma_start3A_510 = tpu.memref_slice %arg4[%add3A_505] : memref<320000xi32, #tpu.memory_space<hbm>> -> memref<80xi32, #tpu.memory_space<hbm>>
      %dma_start3A_511 = arith.constant 0 : i32
      %dma_start3A_512 = tpu.memref_slice %arg7[%dma_start3A_506, %dma_start3A_511] : memref<2x80xi32, #tpu.memory_space<vmem>> -> memref<1x80xi32, #tpu.memory_space<vmem>>
      %dma_start3A_513 = tpu.memref_squeeze %dma_start3A_512 : memref<1x80xi32, #tpu.memory_space<vmem>> -> memref<80xi32, #tpu.memory_space<vmem>>
      %dma_start3A_514 = tpu.memref_slice %arg4[%add3A_505] : memref<320000xi32, #tpu.memory_space<hbm>> -> memref<80xi32, #tpu.memory_space<hbm>>
      tpu.enqueue_dma source(%dma_start3A_514 : memref<80xi32, #tpu.memory_space<hbm>>) target(%dma_start3A_513 : memref<80xi32, #tpu.memory_space<vmem>>) target_semaphore(%arg14 : memref<!tpu.dma_semaphore, #tpu.memory_space<semaphore_mem>>)
      %dma_start3A_515 = arith.constant 0 : i32
      %dma_start3A_516 = arith.constant 0 : i32
      %dma_start3A_517 = tpu.memref_slice %arg8[%dma_start3A_515, %dma_start3A_516] : memref<2x80xi32, #tpu.memory_space<vmem>> -> memref<1x80xi32, #tpu.memory_space<vmem>>
      %dma_start3A_518 = tpu.memref_squeeze %dma_start3A_517 : memref<1x80xi32, #tpu.memory_space<vmem>> -> memref<80xi32, #tpu.memory_space<vmem>>
      %dma_start3A_519 = tpu.memref_slice %arg5[%add3A_505] : memref<320000xi32, #tpu.memory_space<hbm>> -> memref<80xi32, #tpu.memory_space<hbm>>
      %dma_start3A_520 = arith.constant 0 : i32
      %dma_start3A_521 = tpu.memref_slice %arg8[%dma_start3A_515, %dma_start3A_520] : memref<2x80xi32, #tpu.memory_space<vmem>> -> memref<1x80xi32, #tpu.memory_space<vmem>>
      %dma_start3A_522 = tpu.memref_squeeze %dma_start3A_521 : memref<1x80xi32, #tpu.memory_space<vmem>> -> memref<80xi32, #tpu.memory_space<vmem>>
      %dma_start3A_523 = tpu.memref_slice %arg5[%add3A_505] : memref<320000xi32, #tpu.memory_space<hbm>> -> memref<80xi32, #tpu.memory_space<hbm>>
      tpu.enqueue_dma source(%dma_start3A_523 : memref<80xi32, #tpu.memory_space<hbm>>) target(%dma_start3A_522 : memref<80xi32, #tpu.memory_space<vmem>>) target_semaphore(%arg14 : memref<!tpu.dma_semaphore, #tpu.memory_space<semaphore_mem>>)
    }
    %scan3A_194 = arith.constant 61 : i32
    %dma_wait3A_195 = arith.constant 0 : i32
    %dma_wait3A_196 = arith.constant 0 : i32
    %dma_wait3A_197 = tpu.memref_slice %arg7[%dma_wait3A_195, %dma_wait3A_196] : memref<2x80xi32, #tpu.memory_space<vmem>> -> memref<1x80xi32, #tpu.memory_space<vmem>>
    %dma_wait3A_198 = tpu.memref_squeeze %dma_wait3A_197 : memref<1x80xi32, #tpu.memory_space<vmem>> -> memref<80xi32, #tpu.memory_space<vmem>>
    %dma_wait3A_199 = arith.constant 0 : i32
    %dma_wait3A_200 = tpu.memref_slice %arg4[%dma_wait3A_199] : memref<320000xi32, #tpu.memory_space<hbm>> -> memref<80xi32, #tpu.memory_space<hbm>>
    %dma_wait3A_201 = arith.constant 0 : i32
    %dma_wait3A_202 = tpu.memref_slice %arg7[%dma_wait3A_195, %dma_wait3A_201] : memref<2x80xi32, #tpu.memory_space<vmem>> -> memref<1x80xi32, #tpu.memory_space<vmem>>
    %dma_wait3A_203 = tpu.memref_squeeze %dma_wait3A_202 : memref<1x80xi32, #tpu.memory_space<vmem>> -> memref<80xi32, #tpu.memory_space<vmem>>
    %dma_wait3A_204 = arith.constant 0 : i32
    %dma_wait3A_205 = tpu.memref_slice %arg4[%dma_wait3A_204] : memref<320000xi32, #tpu.memory_space<hbm>> -> memref<80xi32, #tpu.memory_space<hbm>>
    tpu.wait_dma2 semaphore(%arg14 : memref<!tpu.dma_semaphore, #tpu.memory_space<semaphore_mem>>) src(%dma_wait3A_205 : memref<80xi32, #tpu.memory_space<hbm>>) dst(%dma_wait3A_203 : memref<80xi32, #tpu.memory_space<vmem>>)
    %dma_wait3A_206 = arith.constant 0 : i32
    %dma_wait3A_207 = arith.constant 0 : i32
    %dma_wait3A_208 = tpu.memref_slice %arg8[%dma_wait3A_206, %dma_wait3A_207] : memref<2x80xi32, #tpu.memory_space<vmem>> -> memref<1x80xi32, #tpu.memory_space<vmem>>
    %dma_wait3A_209 = tpu.memref_squeeze %dma_wait3A_208 : memref<1x80xi32, #tpu.memory_space<vmem>> -> memref<80xi32, #tpu.memory_space<vmem>>
    %dma_wait3A_210 = arith.constant 0 : i32
    %dma_wait3A_211 = tpu.memref_slice %arg5[%dma_wait3A_210] : memref<320000xi32, #tpu.memory_space<hbm>> -> memref<80xi32, #tpu.memory_space<hbm>>
    %dma_wait3A_212 = arith.constant 0 : i32
    %dma_wait3A_213 = tpu.memref_slice %arg8[%dma_wait3A_206, %dma_wait3A_212] : memref<2x80xi32, #tpu.memory_space<vmem>> -> memref<1x80xi32, #tpu.memory_space<vmem>>
    %dma_wait3A_214 = tpu.memref_squeeze %dma_wait3A_213 : memref<1x80xi32, #tpu.memory_space<vmem>> -> memref<80xi32, #tpu.memory_space<vmem>>
    %dma_wait3A_215 = arith.constant 0 : i32
    %dma_wait3A_216 = tpu.memref_slice %arg5[%dma_wait3A_215] : memref<320000xi32, #tpu.memory_space<hbm>> -> memref<80xi32, #tpu.memory_space<hbm>>
    tpu.wait_dma2 semaphore(%arg14 : memref<!tpu.dma_semaphore, #tpu.memory_space<semaphore_mem>>) src(%dma_wait3A_216 : memref<80xi32, #tpu.memory_space<hbm>>) dst(%dma_wait3A_214 : memref<80xi32, #tpu.memory_space<vmem>>)
    %dma_start3A_217 = arith.constant 0 : i32
    %dma_start3A_218 = arith.constant 0 : i32
    %dma_start3A_219 = arith.constant 0 : i32
    %dma_start3A_220 = arith.constant 0 : i32
    %dma_start3A_221 = tpu.memref_slice %arg9[%dma_start3A_218, %dma_start3A_219, %dma_start3A_220] : memref<2x80x128xf32, #tpu.memory_space<vmem>> -> memref<1x80x128xf32, #tpu.memory_space<vmem>>
    %dma_start3A_222 = tpu.memref_squeeze %dma_start3A_221 : memref<1x80x128xf32, #tpu.memory_space<vmem>> -> memref<80x128xf32, #tpu.memory_space<vmem>>
    %dma_start3A_223 = arith.constant 0 : i32
    %dma_start3A_224 = tpu.memref_slice %arg7[%dma_start3A_217, %dma_start3A_223] : memref<2x80xi32, #tpu.memory_space<vmem>> -> memref<1x80xi32, #tpu.memory_space<vmem>>
    %dma_start3A_225 = tpu.memref_squeeze %dma_start3A_224 : memref<1x80xi32, #tpu.memory_space<vmem>> -> memref<80xi32, #tpu.memory_space<vmem>>
    %dma_start3A_226 = arith.constant 0 : i32
    %dma_start3A_227 = arith.constant 0 : i32
    %dma_start3A_228 = tpu.memref_slice %arg2[%dma_start3A_226, %dma_start3A_227] : memref<10000x128xf32, #tpu.memory_space<hbm>> -> memref<10000x128xf32, #tpu.memory_space<hbm>>
    tpu.enqueue_indirect_dma source(%dma_start3A_228 : memref<10000x128xf32, #tpu.memory_space<hbm>>) target(%dma_start3A_222 : memref<80x128xf32, #tpu.memory_space<vmem>>) offsets(%dma_start3A_225 : memref<80xi32, #tpu.memory_space<vmem>>) semaphore(%arg12 : memref<!tpu.dma_semaphore, #tpu.memory_space<semaphore_mem>>)
    %dma_start3A_229 = arith.constant 0 : i32
    %dma_start3A_230 = arith.constant 0 : i32
    %dma_start3A_231 = arith.constant 0 : i32
    %dma_start3A_232 = arith.constant 0 : i32
    %dma_start3A_233 = tpu.memref_slice %arg10[%dma_start3A_230, %dma_start3A_231, %dma_start3A_232] : memref<2x80x128xf32, #tpu.memory_space<vmem>> -> memref<1x80x128xf32, #tpu.memory_space<vmem>>
    %dma_start3A_234 = tpu.memref_squeeze %dma_start3A_233 : memref<1x80x128xf32, #tpu.memory_space<vmem>> -> memref<80x128xf32, #tpu.memory_space<vmem>>
    %dma_start3A_235 = arith.constant 0 : i32
    %dma_start3A_236 = tpu.memref_slice %arg8[%dma_start3A_229, %dma_start3A_235] : memref<2x80xi32, #tpu.memory_space<vmem>> -> memref<1x80xi32, #tpu.memory_space<vmem>>
    %dma_start3A_237 = tpu.memref_squeeze %dma_start3A_236 : memref<1x80xi32, #tpu.memory_space<vmem>> -> memref<80xi32, #tpu.memory_space<vmem>>
    %dma_start3A_238 = arith.constant 0 : i32
    %dma_start3A_239 = arith.constant 0 : i32
    %dma_start3A_240 = tpu.memref_slice %arg3[%dma_start3A_238, %dma_start3A_239] : memref<10000x128xf32, #tpu.memory_space<hbm>> -> memref<10000x128xf32, #tpu.memory_space<hbm>>
    tpu.enqueue_indirect_dma source(%dma_start3A_240 : memref<10000x128xf32, #tpu.memory_space<hbm>>) target(%dma_start3A_234 : memref<80x128xf32, #tpu.memory_space<vmem>>) offsets(%dma_start3A_237 : memref<80xi32, #tpu.memory_space<vmem>>) semaphore(%arg12 : memref<!tpu.dma_semaphore, #tpu.memory_space<semaphore_mem>>)
    %dma_wait3A_241 = arith.constant 1 : i32
    %dma_wait3A_242 = arith.constant 1 : i32
    %dma_wait3A_243 = arith.constant 0 : i32
    %dma_wait3A_244 = arith.constant 0 : i32
    %dma_wait3A_245 = tpu.memref_slice %arg9[%dma_wait3A_242, %dma_wait3A_243, %dma_wait3A_244] : memref<2x80x128xf32, #tpu.memory_space<vmem>> -> memref<1x80x128xf32, #tpu.memory_space<vmem>>
    %dma_wait3A_246 = tpu.memref_squeeze %dma_wait3A_245 : memref<1x80x128xf32, #tpu.memory_space<vmem>> -> memref<80x128xf32, #tpu.memory_space<vmem>>
    %dma_wait3A_247 = arith.constant 0 : i32
    %dma_wait3A_248 = tpu.memref_slice %arg7[%dma_wait3A_241, %dma_wait3A_247] : memref<2x80xi32, #tpu.memory_space<vmem>> -> memref<1x80xi32, #tpu.memory_space<vmem>>
    %dma_wait3A_249 = tpu.memref_squeeze %dma_wait3A_248 : memref<1x80xi32, #tpu.memory_space<vmem>> -> memref<80xi32, #tpu.memory_space<vmem>>
    %dma_wait3A_250 = arith.constant 0 : i32
    %dma_wait3A_251 = arith.constant 0 : i32
    %dma_wait3A_252 = tpu.memref_slice %arg2[%dma_wait3A_250, %dma_wait3A_251] : memref<10000x128xf32, #tpu.memory_space<hbm>> -> memref<10000x128xf32, #tpu.memory_space<hbm>>
    tpu.wait_indirect_dma semaphore(%arg13 : memref<!tpu.dma_semaphore, #tpu.memory_space<semaphore_mem>>) src(%dma_wait3A_252 : memref<10000x128xf32, #tpu.memory_space<hbm>>) dst(%dma_wait3A_246 : memref<80x128xf32, #tpu.memory_space<vmem>>)
    %dma_wait3A_253 = arith.constant 1 : i32
    %dma_wait3A_254 = arith.constant 1 : i32
    %dma_wait3A_255 = arith.constant 0 : i32
    %dma_wait3A_256 = arith.constant 0 : i32
    %dma_wait3A_257 = tpu.memref_slice %arg10[%dma_wait3A_254, %dma_wait3A_255, %dma_wait3A_256] : memref<2x80x128xf32, #tpu.memory_space<vmem>> -> memref<1x80x128xf32, #tpu.memory_space<vmem>>
    %dma_wait3A_258 = tpu.memref_squeeze %dma_wait3A_257 : memref<1x80x128xf32, #tpu.memory_space<vmem>> -> memref<80x128xf32, #tpu.memory_space<vmem>>
    %dma_wait3A_259 = arith.constant 0 : i32
    %dma_wait3A_260 = tpu.memref_slice %arg8[%dma_wait3A_253, %dma_wait3A_259] : memref<2x80xi32, #tpu.memory_space<vmem>> -> memref<1x80xi32, #tpu.memory_space<vmem>>
    %dma_wait3A_261 = tpu.memref_squeeze %dma_wait3A_260 : memref<1x80xi32, #tpu.memory_space<vmem>> -> memref<80xi32, #tpu.memory_space<vmem>>
    %dma_wait3A_262 = arith.constant 0 : i32
    %dma_wait3A_263 = arith.constant 0 : i32
    %dma_wait3A_264 = tpu.memref_slice %arg3[%dma_wait3A_262, %dma_wait3A_263] : memref<10000x128xf32, #tpu.memory_space<hbm>> -> memref<10000x128xf32, #tpu.memory_space<hbm>>
    tpu.wait_indirect_dma semaphore(%arg13 : memref<!tpu.dma_semaphore, #tpu.memory_space<semaphore_mem>>) src(%dma_wait3A_264 : memref<10000x128xf32, #tpu.memory_space<hbm>>) dst(%dma_wait3A_258 : memref<80x128xf32, #tpu.memory_space<vmem>>)
    %scan3A_265 = arith.constant 0 : i32
    %scan3A_266 = arith.constant 0 : i32
    %scan3A_267 = arith.constant 80 : i32
    %scan3A_268 = arith.addi %scan3A_266, %scan3A_267 : i32
    %scan3A_269 = arith.constant 1 : i32
    scf.for %scan3A_313 = %scan3A_266 to %scan3A_268 step %scan3A_269  : i32 {
      %get3A = arith.constant 1 : i32
      %get3A_314 = arith.index_cast %get3A : i32 to index
      %get3A_315 = arith.index_cast %scan3A_313 : i32 to index
      %get3A_316 = arith.constant 0 : index
      %get3A_317 = tpu.vector_load %arg9[%get3A_314, %get3A_315, %get3A_316] {strides = array<i32>} : memref<2x80x128xf32, #tpu.memory_space<vmem>>, vector<1x1x16xf32>,
      %get3A_318 = vector.shape_cast %get3A_317 : vector<1x1x16xf32> to vector<16xf32>
      %get3A_319 = arith.constant 1 : i32
      %get3A_320 = arith.index_cast %get3A_319 : i32 to index
      %get3A_321 = arith.index_cast %scan3A_313 : i32 to index
      %get3A_322 = arith.constant 0 : index
      %get3A_323 = tpu.vector_load %arg10[%get3A_320, %get3A_321, %get3A_322] {strides = array<i32>} : memref<2x80x128xf32, #tpu.memory_space<vmem>>, vector<1x1x16xf32>,
      %get3A_324 = vector.shape_cast %get3A_323 : vector<1x1x16xf32> to vector<16xf32>
      %add3A_325 = arith.addf %get3A_318, %get3A_324 : vector<16xf32>
      %max3A = arith.constant 0.000000e+00 : f32
      %max3A_326 = vector.broadcast %max3A : f32 to vector<16xf32>
      %max3A_327 = arith.maximumf %add3A_325, %max3A_326 : vector<16xf32>
      %swap3A = arith.constant 1 : i32
      %swap3A_328 = arith.index_cast %swap3A : i32 to index
      %swap3A_329 = arith.index_cast %scan3A_313 : i32 to index
      %swap3A_330 = arith.constant 0 : index
      %swap3A_331 = tpu.vector_load %arg9[%swap3A_328, %swap3A_329, %swap3A_330] {strides = array<i32>} : memref<2x80x128xf32, #tpu.memory_space<vmem>>, vector<1x1x16xf32>,
      %swap3A_332 = vector.shape_cast %swap3A_331 : vector<1x1x16xf32> to vector<16xf32>
      %swap3A_333 = vector.shape_cast %max3A_327 : vector<16xf32> to vector<1x1x16xf32>
      tpu.vector_store %arg9[%swap3A_328, %swap3A_329, %swap3A_330], %swap3A_333 {strides = array<i32>} : memref<2x80x128xf32, #tpu.memory_space<vmem>>, vector<1x1x16xf32>,
      %get3A_334 = arith.constant 1 : i32
      %get3A_335 = arith.index_cast %get3A_334 : i32 to index
      %get3A_336 = arith.index_cast %scan3A_313 : i32 to index
      %get3A_337 = arith.constant 16 : index
      %get3A_338 = tpu.vector_load %arg9[%get3A_335, %get3A_336, %get3A_337] {strides = array<i32>} : memref<2x80x128xf32, #tpu.memory_space<vmem>>, vector<1x1x16xf32>,
      %get3A_339 = vector.shape_cast %get3A_338 : vector<1x1x16xf32> to vector<16xf32>
      %get3A_340 = arith.constant 1 : i32
      %get3A_341 = arith.index_cast %get3A_340 : i32 to index
      %get3A_342 = arith.index_cast %scan3A_313 : i32 to index
      %get3A_343 = arith.constant 16 : index
      %get3A_344 = tpu.vector_load %arg10[%get3A_341, %get3A_342, %get3A_343] {strides = array<i32>} : memref<2x80x128xf32, #tpu.memory_space<vmem>>, vector<1x1x16xf32>,
      %get3A_345 = vector.shape_cast %get3A_344 : vector<1x1x16xf32> to vector<16xf32>
      %add3A_346 = arith.addf %get3A_339, %get3A_345 : vector<16xf32>
      %max3A_347 = arith.constant 0.000000e+00 : f32
      %max3A_348 = vector.broadcast %max3A_347 : f32 to vector<16xf32>
      %max3A_349 = arith.maximumf %add3A_346, %max3A_348 : vector<16xf32>
      %swap3A_350 = arith.constant 1 : i32
      %swap3A_351 = arith.index_cast %swap3A_350 : i32 to index
      %swap3A_352 = arith.index_cast %scan3A_313 : i32 to index
      %swap3A_353 = arith.constant 16 : index
      %swap3A_354 = tpu.vector_load %arg9[%swap3A_351, %swap3A_352, %swap3A_353] {strides = array<i32>} : memref<2x80x128xf32, #tpu.memory_space<vmem>>, vector<1x1x16xf32>,
      %swap3A_355 = vector.shape_cast %swap3A_354 : vector<1x1x16xf32> to vector<16xf32>
      %swap3A_356 = vector.shape_cast %max3A_349 : vector<16xf32> to vector<1x1x16xf32>
      tpu.vector_store %arg9[%swap3A_351, %swap3A_352, %swap3A_353], %swap3A_356 {strides = array<i32>} : memref<2x80x128xf32, #tpu.memory_space<vmem>>, vector<1x1x16xf32>,
      %get3A_357 = arith.constant 1 : i32
      %get3A_358 = arith.index_cast %get3A_357 : i32 to index
      %get3A_359 = arith.index_cast %scan3A_313 : i32 to index
      %get3A_360 = arith.constant 32 : index
      %get3A_361 = tpu.vector_load %arg9[%get3A_358, %get3A_359, %get3A_360] {strides = array<i32>} : memref<2x80x128xf32, #tpu.memory_space<vmem>>, vector<1x1x16xf32>,
      %get3A_362 = vector.shape_cast %get3A_361 : vector<1x1x16xf32> to vector<16xf32>
      %get3A_363 = arith.constant 1 : i32
      %get3A_364 = arith.index_cast %get3A_363 : i32 to index
      %get3A_365 = arith.index_cast %scan3A_313 : i32 to index
      %get3A_366 = arith.constant 32 : index
      %get3A_367 = tpu.vector_load %arg10[%get3A_364, %get3A_365, %get3A_366] {strides = array<i32>} : memref<2x80x128xf32, #tpu.memory_space<vmem>>, vector<1x1x16xf32>,
      %get3A_368 = vector.shape_cast %get3A_367 : vector<1x1x16xf32> to vector<16xf32>
      %add3A_369 = arith.addf %get3A_362, %get3A_368 : vector<16xf32>
      %max3A_370 = arith.constant 0.000000e+00 : f32
      %max3A_371 = vector.broadcast %max3A_370 : f32 to vector<16xf32>
      %max3A_372 = arith.maximumf %add3A_369, %max3A_371 : vector<16xf32>
      %swap3A_373 = arith.constant 1 : i32
      %swap3A_374 = arith.index_cast %swap3A_373 : i32 to index
      %swap3A_375 = arith.index_cast %scan3A_313 : i32 to index
      %swap3A_376 = arith.constant 32 : index
      %swap3A_377 = tpu.vector_load %arg9[%swap3A_374, %swap3A_375, %swap3A_376] {strides = array<i32>} : memref<2x80x128xf32, #tpu.memory_space<vmem>>, vector<1x1x16xf32>,
      %swap3A_378 = vector.shape_cast %swap3A_377 : vector<1x1x16xf32> to vector<16xf32>
      %swap3A_379 = vector.shape_cast %max3A_372 : vector<16xf32> to vector<1x1x16xf32>
      tpu.vector_store %arg9[%swap3A_374, %swap3A_375, %swap3A_376], %swap3A_379 {strides = array<i32>} : memref<2x80x128xf32, #tpu.memory_space<vmem>>, vector<1x1x16xf32>,
      %get3A_380 = arith.constant 1 : i32
      %get3A_381 = arith.index_cast %get3A_380 : i32 to index
      %get3A_382 = arith.index_cast %scan3A_313 : i32 to index
      %get3A_383 = arith.constant 48 : index
      %get3A_384 = tpu.vector_load %arg9[%get3A_381, %get3A_382, %get3A_383] {strides = array<i32>} : memref<2x80x128xf32, #tpu.memory_space<vmem>>, vector<1x1x16xf32>,
      %get3A_385 = vector.shape_cast %get3A_384 : vector<1x1x16xf32> to vector<16xf32>
      %get3A_386 = arith.constant 1 : i32
      %get3A_387 = arith.index_cast %get3A_386 : i32 to index
      %get3A_388 = arith.index_cast %scan3A_313 : i32 to index
      %get3A_389 = arith.constant 48 : index
      %get3A_390 = tpu.vector_load %arg10[%get3A_387, %get3A_388, %get3A_389] {strides = array<i32>} : memref<2x80x128xf32, #tpu.memory_space<vmem>>, vector<1x1x16xf32>,
      %get3A_391 = vector.shape_cast %get3A_390 : vector<1x1x16xf32> to vector<16xf32>
      %add3A_392 = arith.addf %get3A_385, %get3A_391 : vector<16xf32>
      %max3A_393 = arith.constant 0.000000e+00 : f32
      %max3A_394 = vector.broadcast %max3A_393 : f32 to vector<16xf32>
      %max3A_395 = arith.maximumf %add3A_392, %max3A_394 : vector<16xf32>
      %swap3A_396 = arith.constant 1 : i32
      %swap3A_397 = arith.index_cast %swap3A_396 : i32 to index
      %swap3A_398 = arith.index_cast %scan3A_313 : i32 to index
      %swap3A_399 = arith.constant 48 : index
      %swap3A_400 = tpu.vector_load %arg9[%swap3A_397, %swap3A_398, %swap3A_399] {strides = array<i32>} : memref<2x80x128xf32, #tpu.memory_space<vmem>>, vector<1x1x16xf32>,
      %swap3A_401 = vector.shape_cast %swap3A_400 : vector<1x1x16xf32> to vector<16xf32>
      %swap3A_402 = vector.shape_cast %max3A_395 : vector<16xf32> to vector<1x1x16xf32>
      tpu.vector_store %arg9[%swap3A_397, %swap3A_398, %swap3A_399], %swap3A_402 {strides = array<i32>} : memref<2x80x128xf32, #tpu.memory_space<vmem>>, vector<1x1x16xf32>,
      %get3A_403 = arith.constant 1 : i32
      %get3A_404 = arith.index_cast %get3A_403 : i32 to index
      %get3A_405 = arith.index_cast %scan3A_313 : i32 to index
      %get3A_406 = arith.constant 64 : index
      %get3A_407 = tpu.vector_load %arg9[%get3A_404, %get3A_405, %get3A_406] {strides = array<i32>} : memref<2x80x128xf32, #tpu.memory_space<vmem>>, vector<1x1x16xf32>,
      %get3A_408 = vector.shape_cast %get3A_407 : vector<1x1x16xf32> to vector<16xf32>
      %get3A_409 = arith.constant 1 : i32
      %get3A_410 = arith.index_cast %get3A_409 : i32 to index
      %get3A_411 = arith.index_cast %scan3A_313 : i32 to index
      %get3A_412 = arith.constant 64 : index
      %get3A_413 = tpu.vector_load %arg10[%get3A_410, %get3A_411, %get3A_412] {strides = array<i32>} : memref<2x80x128xf32, #tpu.memory_space<vmem>>, vector<1x1x16xf32>,
      %get3A_414 = vector.shape_cast %get3A_413 : vector<1x1x16xf32> to vector<16xf32>
      %add3A_415 = arith.addf %get3A_408, %get3A_414 : vector<16xf32>
      %max3A_416 = arith.constant 0.000000e+00 : f32
      %max3A_417 = vector.broadcast %max3A_416 : f32 to vector<16xf32>
      %max3A_418 = arith.maximumf %add3A_415, %max3A_417 : vector<16xf32>
      %swap3A_419 = arith.constant 1 : i32
      %swap3A_420 = arith.index_cast %swap3A_419 : i32 to index
      %swap3A_421 = arith.index_cast %scan3A_313 : i32 to index
      %swap3A_422 = arith.constant 64 : index
      %swap3A_423 = tpu.vector_load %arg9[%swap3A_420, %swap3A_421, %swap3A_422] {strides = array<i32>} : memref<2x80x128xf32, #tpu.memory_space<vmem>>, vector<1x1x16xf32>,
      %swap3A_424 = vector.shape_cast %swap3A_423 : vector<1x1x16xf32> to vector<16xf32>
      %swap3A_425 = vector.shape_cast %max3A_418 : vector<16xf32> to vector<1x1x16xf32>
      tpu.vector_store %arg9[%swap3A_420, %swap3A_421, %swap3A_422], %swap3A_425 {strides = array<i32>} : memref<2x80x128xf32, #tpu.memory_space<vmem>>, vector<1x1x16xf32>,
      %get3A_426 = arith.constant 1 : i32
      %get3A_427 = arith.index_cast %get3A_426 : i32 to index
      %get3A_428 = arith.index_cast %scan3A_313 : i32 to index
      %get3A_429 = arith.constant 80 : index
      %get3A_430 = tpu.vector_load %arg9[%get3A_427, %get3A_428, %get3A_429] {strides = array<i32>} : memref<2x80x128xf32, #tpu.memory_space<vmem>>, vector<1x1x16xf32>,
      %get3A_431 = vector.shape_cast %get3A_430 : vector<1x1x16xf32> to vector<16xf32>
      %get3A_432 = arith.constant 1 : i32
      %get3A_433 = arith.index_cast %get3A_432 : i32 to index
      %get3A_434 = arith.index_cast %scan3A_313 : i32 to index
      %get3A_435 = arith.constant 80 : index
      %get3A_436 = tpu.vector_load %arg10[%get3A_433, %get3A_434, %get3A_435] {strides = array<i32>} : memref<2x80x128xf32, #tpu.memory_space<vmem>>, vector<1x1x16xf32>,
      %get3A_437 = vector.shape_cast %get3A_436 : vector<1x1x16xf32> to vector<16xf32>
      %add3A_438 = arith.addf %get3A_431, %get3A_437 : vector<16xf32>
      %max3A_439 = arith.constant 0.000000e+00 : f32
      %max3A_440 = vector.broadcast %max3A_439 : f32 to vector<16xf32>
      %max3A_441 = arith.maximumf %add3A_438, %max3A_440 : vector<16xf32>
      %swap3A_442 = arith.constant 1 : i32
      %swap3A_443 = arith.index_cast %swap3A_442 : i32 to index
      %swap3A_444 = arith.index_cast %scan3A_313 : i32 to index
      %swap3A_445 = arith.constant 80 : index
      %swap3A_446 = tpu.vector_load %arg9[%swap3A_443, %swap3A_444, %swap3A_445] {strides = array<i32>} : memref<2x80x128xf32, #tpu.memory_space<vmem>>, vector<1x1x16xf32>,
      %swap3A_447 = vector.shape_cast %swap3A_446 : vector<1x1x16xf32> to vector<16xf32>
      %swap3A_448 = vector.shape_cast %max3A_441 : vector<16xf32> to vector<1x1x16xf32>
      tpu.vector_store %arg9[%swap3A_443, %swap3A_444, %swap3A_445], %swap3A_448 {strides = array<i32>} : memref<2x80x128xf32, #tpu.memory_space<vmem>>, vector<1x1x16xf32>,
      %get3A_449 = arith.constant 1 : i32
      %get3A_450 = arith.index_cast %get3A_449 : i32 to index
      %get3A_451 = arith.index_cast %scan3A_313 : i32 to index
      %get3A_452 = arith.constant 96 : index
      %get3A_453 = tpu.vector_load %arg9[%get3A_450, %get3A_451, %get3A_452] {strides = array<i32>} : memref<2x80x128xf32, #tpu.memory_space<vmem>>, vector<1x1x16xf32>,
      %get3A_454 = vector.shape_cast %get3A_453 : vector<1x1x16xf32> to vector<16xf32>
      %get3A_455 = arith.constant 1 : i32
      %get3A_456 = arith.index_cast %get3A_455 : i32 to index
      %get3A_457 = arith.index_cast %scan3A_313 : i32 to index
      %get3A_458 = arith.constant 96 : index
      %get3A_459 = tpu.vector_load %arg10[%get3A_456, %get3A_457, %get3A_458] {strides = array<i32>} : memref<2x80x128xf32, #tpu.memory_space<vmem>>, vector<1x1x16xf32>,
      %get3A_460 = vector.shape_cast %get3A_459 : vector<1x1x16xf32> to vector<16xf32>
      %add3A_461 = arith.addf %get3A_454, %get3A_460 : vector<16xf32>
      %max3A_462 = arith.constant 0.000000e+00 : f32
      %max3A_463 = vector.broadcast %max3A_462 : f32 to vector<16xf32>
      %max3A_464 = arith.maximumf %add3A_461, %max3A_463 : vector<16xf32>
      %swap3A_465 = arith.constant 1 : i32
      %swap3A_466 = arith.index_cast %swap3A_465 : i32 to index
      %swap3A_467 = arith.index_cast %scan3A_313 : i32 to index
      %swap3A_468 = arith.constant 96 : index
      %swap3A_469 = tpu.vector_load %arg9[%swap3A_466, %swap3A_467, %swap3A_468] {strides = array<i32>} : memref<2x80x128xf32, #tpu.memory_space<vmem>>, vector<1x1x16xf32>,
      %swap3A_470 = vector.shape_cast %swap3A_469 : vector<1x1x16xf32> to vector<16xf32>
      %swap3A_471 = vector.shape_cast %max3A_464 : vector<16xf32> to vector<1x1x16xf32>
      tpu.vector_store %arg9[%swap3A_466, %swap3A_467, %swap3A_468], %swap3A_471 {strides = array<i32>} : memref<2x80x128xf32, #tpu.memory_space<vmem>>, vector<1x1x16xf32>,
      %get3A_472 = arith.constant 1 : i32
      %get3A_473 = arith.index_cast %get3A_472 : i32 to index
      %get3A_474 = arith.index_cast %scan3A_313 : i32 to index
      %get3A_475 = arith.constant 112 : index
      %get3A_476 = tpu.vector_load %arg9[%get3A_473, %get3A_474, %get3A_475] {strides = array<i32>} : memref<2x80x128xf32, #tpu.memory_space<vmem>>, vector<1x1x16xf32>,
      %get3A_477 = vector.shape_cast %get3A_476 : vector<1x1x16xf32> to vector<16xf32>
      %get3A_478 = arith.constant 1 : i32
      %get3A_479 = arith.index_cast %get3A_478 : i32 to index
      %get3A_480 = arith.index_cast %scan3A_313 : i32 to index
      %get3A_481 = arith.constant 112 : index
      %get3A_482 = tpu.vector_load %arg10[%get3A_479, %get3A_480, %get3A_481] {strides = array<i32>} : memref<2x80x128xf32, #tpu.memory_space<vmem>>, vector<1x1x16xf32>,
      %get3A_483 = vector.shape_cast %get3A_482 : vector<1x1x16xf32> to vector<16xf32>
      %add3A_484 = arith.addf %get3A_477, %get3A_483 : vector<16xf32>
      %max3A_485 = arith.constant 0.000000e+00 : f32
      %max3A_486 = vector.broadcast %max3A_485 : f32 to vector<16xf32>
      %max3A_487 = arith.maximumf %add3A_484, %max3A_486 : vector<16xf32>
      %swap3A_488 = arith.constant 1 : i32
      %swap3A_489 = arith.index_cast %swap3A_488 : i32 to index
      %swap3A_490 = arith.index_cast %scan3A_313 : i32 to index
      %swap3A_491 = arith.constant 112 : index
      %swap3A_492 = tpu.vector_load %arg9[%swap3A_489, %swap3A_490, %swap3A_491] {strides = array<i32>} : memref<2x80x128xf32, #tpu.memory_space<vmem>>, vector<1x1x16xf32>,
      %swap3A_493 = vector.shape_cast %swap3A_492 : vector<1x1x16xf32> to vector<16xf32>
      %swap3A_494 = vector.shape_cast %max3A_487 : vector<16xf32> to vector<1x1x16xf32>
      tpu.vector_store %arg9[%swap3A_489, %swap3A_490, %swap3A_491], %swap3A_494 {strides = array<i32>} : memref<2x80x128xf32, #tpu.memory_space<vmem>>, vector<1x1x16xf32>,
    }
    %scan3A_270 = arith.constant 80 : i32
    %run_scoped3A_271 = arith.constant 1 : i32
    %run_scoped3A_272 = arith.constant 1 : i32
    "tpu.region"() ({
      %run_scoped3A_313 = tpu.sem_alloc : memref<!tpu.dma_semaphore, #tpu.memory_space<semaphore_mem>>
      %dma_start3A_314 = arith.constant 0 : i32
      %dma_start3A_315 = arith.constant 0 : i32
      %dma_start3A_316 = tpu.memref_slice %arg9[%run_scoped3A_271, %dma_start3A_314, %dma_start3A_315] : memref<2x80x128xf32, #tpu.memory_space<vmem>> -> memref<1x80x128xf32, #tpu.memory_space<vmem>>
      %dma_start3A_317 = tpu.memref_squeeze %dma_start3A_316 : memref<1x80x128xf32, #tpu.memory_space<vmem>> -> memref<80x128xf32, #tpu.memory_space<vmem>>
      %dma_start3A_318 = arith.constant 0 : i32
      %dma_start3A_319 = tpu.memref_slice %arg8[%run_scoped3A_272, %dma_start3A_318] : memref<2x80xi32, #tpu.memory_space<vmem>> -> memref<1x80xi32, #tpu.memory_space<vmem>>
      %dma_start3A_320 = tpu.memref_squeeze %dma_start3A_319 : memref<1x80xi32, #tpu.memory_space<vmem>> -> memref<80xi32, #tpu.memory_space<vmem>>
      %dma_start3A_321 = arith.constant 0 : i32
      %dma_start3A_322 = arith.constant 0 : i32
      %dma_start3A_323 = tpu.memref_slice %arg11[%dma_start3A_321, %dma_start3A_322] : memref<10240x128xf32, #tpu.memory_space<vmem_shared>> -> memref<10240x128xf32, #tpu.memory_space<vmem_shared>>
      tpu.enqueue_indirect_dma source(%dma_start3A_317 : memref<80x128xf32, #tpu.memory_space<vmem>>) target(%dma_start3A_323 : memref<10240x128xf32, #tpu.memory_space<vmem_shared>>) offsets(%dma_start3A_320 : memref<80xi32, #tpu.memory_space<vmem>>) semaphore(%run_scoped3A_313 : memref<!tpu.dma_semaphore, #tpu.memory_space<semaphore_mem>>) {add = true}
      %dma_wait3A_324 = arith.constant 0 : i32
      %dma_wait3A_325 = arith.constant 0 : i32
      %dma_wait3A_326 = tpu.memref_slice %arg9[%run_scoped3A_271, %dma_wait3A_324, %dma_wait3A_325] : memref<2x80x128xf32, #tpu.memory_space<vmem>> -> memref<1x80x128xf32, #tpu.memory_space<vmem>>
      %dma_wait3A_327 = tpu.memref_squeeze %dma_wait3A_326 : memref<1x80x128xf32, #tpu.memory_space<vmem>> -> memref<80x128xf32, #tpu.memory_space<vmem>>
      %dma_wait3A_328 = arith.constant 0 : i32
      %dma_wait3A_329 = tpu.memref_slice %arg8[%run_scoped3A_272, %dma_wait3A_328] : memref<2x80xi32, #tpu.memory_space<vmem>> -> memref<1x80xi32, #tpu.memory_space<vmem>>
      %dma_wait3A_330 = tpu.memref_squeeze %dma_wait3A_329 : memref<1x80xi32, #tpu.memory_space<vmem>> -> memref<80xi32, #tpu.memory_space<vmem>>
      %dma_wait3A_331 = arith.constant 0 : i32
      %dma_wait3A_332 = arith.constant 0 : i32
      %dma_wait3A_333 = tpu.memref_slice %arg11[%dma_wait3A_331, %dma_wait3A_332] : memref<10240x128xf32, #tpu.memory_space<vmem_shared>> -> memref<10240x128xf32, #tpu.memory_space<vmem_shared>>
      tpu.wait_indirect_dma semaphore(%run_scoped3A_313 : memref<!tpu.dma_semaphore, #tpu.memory_space<semaphore_mem>>) src(%dma_wait3A_327 : memref<80x128xf32, #tpu.memory_space<vmem>>) dst(%dma_wait3A_333 : memref<10240x128xf32, #tpu.memory_space<vmem_shared>>)
      tpu.yield
    }) : () -> ()
    %dma_wait3A_273 = arith.constant 0 : i32
    %dma_wait3A_274 = arith.constant 0 : i32
    %dma_wait3A_275 = arith.constant 0 : i32
    %dma_wait3A_276 = arith.constant 0 : i32
    %dma_wait3A_277 = tpu.memref_slice %arg9[%dma_wait3A_274, %dma_wait3A_275, %dma_wait3A_276] : memref<2x80x128xf32, #tpu.memory_space<vmem>> -> memref<1x80x128xf32, #tpu.memory_space<vmem>>
    %dma_wait3A_278 = tpu.memref_squeeze %dma_wait3A_277 : memref<1x80x128xf32, #tpu.memory_space<vmem>> -> memref<80x128xf32, #tpu.memory_space<vmem>>
    %dma_wait3A_279 = arith.constant 0 : i32
    %dma_wait3A_280 = tpu.memref_slice %arg7[%dma_wait3A_273, %dma_wait3A_279] : memref<2x80xi32, #tpu.memory_space<vmem>> -> memref<1x80xi32, #tpu.memory_space<vmem>>
    %dma_wait3A_281 = tpu.memref_squeeze %dma_wait3A_280 : memref<1x80xi32, #tpu.memory_space<vmem>> -> memref<80xi32, #tpu.memory_space<vmem>>
    %dma_wait3A_282 = arith.constant 0 : i32
    %dma_wait3A_283 = arith.constant 0 : i32
    %dma_wait3A_284 = tpu.memref_slice %arg2[%dma_wait3A_282, %dma_wait3A_283] : memref<10000x128xf32, #tpu.memory_space<hbm>> -> memref<10000x128xf32, #tpu.memory_space<hbm>>
    tpu.wait_indirect_dma semaphore(%arg12 : memref<!tpu.dma_semaphore, #tpu.memory_space<semaphore_mem>>) src(%dma_wait3A_284 : memref<10000x128xf32, #tpu.memory_space<hbm>>) dst(%dma_wait3A_278 : memref<80x128xf32, #tpu.memory_space<vmem>>)
    %dma_wait3A_285 = arith.constant 0 : i32
    %dma_wait3A_286 = arith.constant 0 : i32
    %dma_wait3A_287 = arith.constant 0 : i32
    %dma_wait3A_288 = arith.constant 0 : i32
    %dma_wait3A_289 = tpu.memref_slice %arg10[%dma_wait3A_286, %dma_wait3A_287, %dma_wait3A_288] : memref<2x80x128xf32, #tpu.memory_space<vmem>> -> memref<1x80x128xf32, #tpu.memory_space<vmem>>
    %dma_wait3A_290 = tpu.memref_squeeze %dma_wait3A_289 : memref<1x80x128xf32, #tpu.memory_space<vmem>> -> memref<80x128xf32, #tpu.memory_space<vmem>>
    %dma_wait3A_291 = arith.constant 0 : i32
    %dma_wait3A_292 = tpu.memref_slice %arg8[%dma_wait3A_285, %dma_wait3A_291] : memref<2x80xi32, #tpu.memory_space<vmem>> -> memref<1x80xi32, #tpu.memory_space<vmem>>
    %dma_wait3A_293 = tpu.memref_squeeze %dma_wait3A_292 : memref<1x80xi32, #tpu.memory_space<vmem>> -> memref<80xi32, #tpu.memory_space<vmem>>
    %dma_wait3A_294 = arith.constant 0 : i32
    %dma_wait3A_295 = arith.constant 0 : i32
    %dma_wait3A_296 = tpu.memref_slice %arg3[%dma_wait3A_294, %dma_wait3A_295] : memref<10000x128xf32, #tpu.memory_space<hbm>> -> memref<10000x128xf32, #tpu.memory_space<hbm>>
    tpu.wait_indirect_dma semaphore(%arg12 : memref<!tpu.dma_semaphore, #tpu.memory_space<semaphore_mem>>) src(%dma_wait3A_296 : memref<10000x128xf32, #tpu.memory_space<hbm>>) dst(%dma_wait3A_290 : memref<80x128xf32, #tpu.memory_space<vmem>>)
    %scan3A_297 = arith.constant 0 : i32
    %scan3A_298 = arith.constant 0 : i32
    %scan3A_299 = arith.constant 80 : i32
    %scan3A_300 = arith.addi %scan3A_298, %scan3A_299 : i32
    %scan3A_301 = arith.constant 1 : i32
    scf.for %scan3A_313 = %scan3A_298 to %scan3A_300 step %scan3A_301  : i32 {
      %get3A = arith.constant 0 : i32
      %get3A_314 = arith.index_cast %get3A : i32 to index
      %get3A_315 = arith.index_cast %scan3A_313 : i32 to index
      %get3A_316 = arith.constant 0 : index
      %get3A_317 = tpu.vector_load %arg9[%get3A_314, %get3A_315, %get3A_316] {strides = array<i32>} : memref<2x80x128xf32, #tpu.memory_space<vmem>>, vector<1x1x16xf32>,
      %get3A_318 = vector.shape_cast %get3A_317 : vector<1x1x16xf32> to vector<16xf32>
      %get3A_319 = arith.constant 0 : i32
      %get3A_320 = arith.index_cast %get3A_319 : i32 to index
      %get3A_321 = arith.index_cast %scan3A_313 : i32 to index
      %get3A_322 = arith.constant 0 : index
      %get3A_323 = tpu.vector_load %arg10[%get3A_320, %get3A_321, %get3A_322] {strides = array<i32>} : memref<2x80x128xf32, #tpu.memory_space<vmem>>, vector<1x1x16xf32>,
      %get3A_324 = vector.shape_cast %get3A_323 : vector<1x1x16xf32> to vector<16xf32>
      %add3A_325 = arith.addf %get3A_318, %get3A_324 : vector<16xf32>
      %max3A = arith.constant 0.000000e+00 : f32
      %max3A_326 = vector.broadcast %max3A : f32 to vector<16xf32>
      %max3A_327 = arith.maximumf %add3A_325, %max3A_326 : vector<16xf32>
      %swap3A = arith.constant 0 : i32
      %swap3A_328 = arith.index_cast %swap3A : i32 to index
      %swap3A_329 = arith.index_cast %scan3A_313 : i32 to index
      %swap3A_330 = arith.constant 0 : index
      %swap3A_331 = tpu.vector_load %arg9[%swap3A_328, %swap3A_329, %swap3A_330] {strides = array<i32>} : memref<2x80x128xf32, #tpu.memory_space<vmem>>, vector<1x1x16xf32>,
      %swap3A_332 = vector.shape_cast %swap3A_331 : vector<1x1x16xf32> to vector<16xf32>
      %swap3A_333 = vector.shape_cast %max3A_327 : vector<16xf32> to vector<1x1x16xf32>
      tpu.vector_store %arg9[%swap3A_328, %swap3A_329, %swap3A_330], %swap3A_333 {strides = array<i32>} : memref<2x80x128xf32, #tpu.memory_space<vmem>>, vector<1x1x16xf32>,
      %get3A_334 = arith.constant 0 : i32
      %get3A_335 = arith.index_cast %get3A_334 : i32 to index
      %get3A_336 = arith.index_cast %scan3A_313 : i32 to index
      %get3A_337 = arith.constant 16 : index
      %get3A_338 = tpu.vector_load %arg9[%get3A_335, %get3A_336, %get3A_337] {strides = array<i32>} : memref<2x80x128xf32, #tpu.memory_space<vmem>>, vector<1x1x16xf32>,
      %get3A_339 = vector.shape_cast %get3A_338 : vector<1x1x16xf32> to vector<16xf32>
      %get3A_340 = arith.constant 0 : i32
      %get3A_341 = arith.index_cast %get3A_340 : i32 to index
      %get3A_342 = arith.index_cast %scan3A_313 : i32 to index
      %get3A_343 = arith.constant 16 : index
      %get3A_344 = tpu.vector_load %arg10[%get3A_341, %get3A_342, %get3A_343] {strides = array<i32>} : memref<2x80x128xf32, #tpu.memory_space<vmem>>, vector<1x1x16xf32>,
      %get3A_345 = vector.shape_cast %get3A_344 : vector<1x1x16xf32> to vector<16xf32>
      %add3A_346 = arith.addf %get3A_339, %get3A_345 : vector<16xf32>
      %max3A_347 = arith.constant 0.000000e+00 : f32
      %max3A_348 = vector.broadcast %max3A_347 : f32 to vector<16xf32>
      %max3A_349 = arith.maximumf %add3A_346, %max3A_348 : vector<16xf32>
      %swap3A_350 = arith.constant 0 : i32
      %swap3A_351 = arith.index_cast %swap3A_350 : i32 to index
      %swap3A_352 = arith.index_cast %scan3A_313 : i32 to index
      %swap3A_353 = arith.constant 16 : index
      %swap3A_354 = tpu.vector_load %arg9[%swap3A_351, %swap3A_352, %swap3A_353] {strides = array<i32>} : memref<2x80x128xf32, #tpu.memory_space<vmem>>, vector<1x1x16xf32>,
      %swap3A_355 = vector.shape_cast %swap3A_354 : vector<1x1x16xf32> to vector<16xf32>
      %swap3A_356 = vector.shape_cast %max3A_349 : vector<16xf32> to vector<1x1x16xf32>
      tpu.vector_store %arg9[%swap3A_351, %swap3A_352, %swap3A_353], %swap3A_356 {strides = array<i32>} : memref<2x80x128xf32, #tpu.memory_space<vmem>>, vector<1x1x16xf32>,
      %get3A_357 = arith.constant 0 : i32
      %get3A_358 = arith.index_cast %get3A_357 : i32 to index
      %get3A_359 = arith.index_cast %scan3A_313 : i32 to index
      %get3A_360 = arith.constant 32 : index
      %get3A_361 = tpu.vector_load %arg9[%get3A_358, %get3A_359, %get3A_360] {strides = array<i32>} : memref<2x80x128xf32, #tpu.memory_space<vmem>>, vector<1x1x16xf32>,
      %get3A_362 = vector.shape_cast %get3A_361 : vector<1x1x16xf32> to vector<16xf32>
      %get3A_363 = arith.constant 0 : i32
      %get3A_364 = arith.index_cast %get3A_363 : i32 to index
      %get3A_365 = arith.index_cast %scan3A_313 : i32 to index
      %get3A_366 = arith.constant 32 : index
      %get3A_367 = tpu.vector_load %arg10[%get3A_364, %get3A_365, %get3A_366] {strides = array<i32>} : memref<2x80x128xf32, #tpu.memory_space<vmem>>, vector<1x1x16xf32>,
      %get3A_368 = vector.shape_cast %get3A_367 : vector<1x1x16xf32> to vector<16xf32>
      %add3A_369 = arith.addf %get3A_362, %get3A_368 : vector<16xf32>
      %max3A_370 = arith.constant 0.000000e+00 : f32
      %max3A_371 = vector.broadcast %max3A_370 : f32 to vector<16xf32>
      %max3A_372 = arith.maximumf %add3A_369, %max3A_371 : vector<16xf32>
      %swap3A_373 = arith.constant 0 : i32
      %swap3A_374 = arith.index_cast %swap3A_373 : i32 to index
      %swap3A_375 = arith.index_cast %scan3A_313 : i32 to index
      %swap3A_376 = arith.constant 32 : index
      %swap3A_377 = tpu.vector_load %arg9[%swap3A_374, %swap3A_375, %swap3A_376] {strides = array<i32>} : memref<2x80x128xf32, #tpu.memory_space<vmem>>, vector<1x1x16xf32>,
      %swap3A_378 = vector.shape_cast %swap3A_377 : vector<1x1x16xf32> to vector<16xf32>
      %swap3A_379 = vector.shape_cast %max3A_372 : vector<16xf32> to vector<1x1x16xf32>
      tpu.vector_store %arg9[%swap3A_374, %swap3A_375, %swap3A_376], %swap3A_379 {strides = array<i32>} : memref<2x80x128xf32, #tpu.memory_space<vmem>>, vector<1x1x16xf32>,
      %get3A_380 = arith.constant 0 : i32
      %get3A_381 = arith.index_cast %get3A_380 : i32 to index
      %get3A_382 = arith.index_cast %scan3A_313 : i32 to index
      %get3A_383 = arith.constant 48 : index
      %get3A_384 = tpu.vector_load %arg9[%get3A_381, %get3A_382, %get3A_383] {strides = array<i32>} : memref<2x80x128xf32, #tpu.memory_space<vmem>>, vector<1x1x16xf32>,
      %get3A_385 = vector.shape_cast %get3A_384 : vector<1x1x16xf32> to vector<16xf32>
      %get3A_386 = arith.constant 0 : i32
      %get3A_387 = arith.index_cast %get3A_386 : i32 to index
      %get3A_388 = arith.index_cast %scan3A_313 : i32 to index
      %get3A_389 = arith.constant 48 : index
      %get3A_390 = tpu.vector_load %arg10[%get3A_387, %get3A_388, %get3A_389] {strides = array<i32>} : memref<2x80x128xf32, #tpu.memory_space<vmem>>, vector<1x1x16xf32>,
      %get3A_391 = vector.shape_cast %get3A_390 : vector<1x1x16xf32> to vector<16xf32>
      %add3A_392 = arith.addf %get3A_385, %get3A_391 : vector<16xf32>
      %max3A_393 = arith.constant 0.000000e+00 : f32
      %max3A_394 = vector.broadcast %max3A_393 : f32 to vector<16xf32>
      %max3A_395 = arith.maximumf %add3A_392, %max3A_394 : vector<16xf32>
      %swap3A_396 = arith.constant 0 : i32
      %swap3A_397 = arith.index_cast %swap3A_396 : i32 to index
      %swap3A_398 = arith.index_cast %scan3A_313 : i32 to index
      %swap3A_399 = arith.constant 48 : index
      %swap3A_400 = tpu.vector_load %arg9[%swap3A_397, %swap3A_398, %swap3A_399] {strides = array<i32>} : memref<2x80x128xf32, #tpu.memory_space<vmem>>, vector<1x1x16xf32>,
      %swap3A_401 = vector.shape_cast %swap3A_400 : vector<1x1x16xf32> to vector<16xf32>
      %swap3A_402 = vector.shape_cast %max3A_395 : vector<16xf32> to vector<1x1x16xf32>
      tpu.vector_store %arg9[%swap3A_397, %swap3A_398, %swap3A_399], %swap3A_402 {strides = array<i32>} : memref<2x80x128xf32, #tpu.memory_space<vmem>>, vector<1x1x16xf32>,
      %get3A_403 = arith.constant 0 : i32
      %get3A_404 = arith.index_cast %get3A_403 : i32 to index
      %get3A_405 = arith.index_cast %scan3A_313 : i32 to index
      %get3A_406 = arith.constant 64 : index
      %get3A_407 = tpu.vector_load %arg9[%get3A_404, %get3A_405, %get3A_406] {strides = array<i32>} : memref<2x80x128xf32, #tpu.memory_space<vmem>>, vector<1x1x16xf32>,
      %get3A_408 = vector.shape_cast %get3A_407 : vector<1x1x16xf32> to vector<16xf32>
      %get3A_409 = arith.constant 0 : i32
      %get3A_410 = arith.index_cast %get3A_409 : i32 to index
      %get3A_411 = arith.index_cast %scan3A_313 : i32 to index
      %get3A_412 = arith.constant 64 : index
      %get3A_413 = tpu.vector_load %arg10[%get3A_410, %get3A_411, %get3A_412] {strides = array<i32>} : memref<2x80x128xf32, #tpu.memory_space<vmem>>, vector<1x1x16xf32>,
      %get3A_414 = vector.shape_cast %get3A_413 : vector<1x1x16xf32> to vector<16xf32>
      %add3A_415 = arith.addf %get3A_408, %get3A_414 : vector<16xf32>
      %max3A_416 = arith.constant 0.000000e+00 : f32
      %max3A_417 = vector.broadcast %max3A_416 : f32 to vector<16xf32>
      %max3A_418 = arith.maximumf %add3A_415, %max3A_417 : vector<16xf32>
      %swap3A_419 = arith.constant 0 : i32
      %swap3A_420 = arith.index_cast %swap3A_419 : i32 to index
      %swap3A_421 = arith.index_cast %scan3A_313 : i32 to index
      %swap3A_422 = arith.constant 64 : index
      %swap3A_423 = tpu.vector_load %arg9[%swap3A_420, %swap3A_421, %swap3A_422] {strides = array<i32>} : memref<2x80x128xf32, #tpu.memory_space<vmem>>, vector<1x1x16xf32>,
      %swap3A_424 = vector.shape_cast %swap3A_423 : vector<1x1x16xf32> to vector<16xf32>
      %swap3A_425 = vector.shape_cast %max3A_418 : vector<16xf32> to vector<1x1x16xf32>
      tpu.vector_store %arg9[%swap3A_420, %swap3A_421, %swap3A_422], %swap3A_425 {strides = array<i32>} : memref<2x80x128xf32, #tpu.memory_space<vmem>>, vector<1x1x16xf32>,
      %get3A_426 = arith.constant 0 : i32
      %get3A_427 = arith.index_cast %get3A_426 : i32 to index
      %get3A_428 = arith.index_cast %scan3A_313 : i32 to index
      %get3A_429 = arith.constant 80 : index
      %get3A_430 = tpu.vector_load %arg9[%get3A_427, %get3A_428, %get3A_429] {strides = array<i32>} : memref<2x80x128xf32, #tpu.memory_space<vmem>>, vector<1x1x16xf32>,
      %get3A_431 = vector.shape_cast %get3A_430 : vector<1x1x16xf32> to vector<16xf32>
      %get3A_432 = arith.constant 0 : i32
      %get3A_433 = arith.index_cast %get3A_432 : i32 to index
      %get3A_434 = arith.index_cast %scan3A_313 : i32 to index
      %get3A_435 = arith.constant 80 : index
      %get3A_436 = tpu.vector_load %arg10[%get3A_433, %get3A_434, %get3A_435] {strides = array<i32>} : memref<2x80x128xf32, #tpu.memory_space<vmem>>, vector<1x1x16xf32>,
      %get3A_437 = vector.shape_cast %get3A_436 : vector<1x1x16xf32> to vector<16xf32>
      %add3A_438 = arith.addf %get3A_431, %get3A_437 : vector<16xf32>
      %max3A_439 = arith.constant 0.000000e+00 : f32
      %max3A_440 = vector.broadcast %max3A_439 : f32 to vector<16xf32>
      %max3A_441 = arith.maximumf %add3A_438, %max3A_440 : vector<16xf32>
      %swap3A_442 = arith.constant 0 : i32
      %swap3A_443 = arith.index_cast %swap3A_442 : i32 to index
      %swap3A_444 = arith.index_cast %scan3A_313 : i32 to index
      %swap3A_445 = arith.constant 80 : index
      %swap3A_446 = tpu.vector_load %arg9[%swap3A_443, %swap3A_444, %swap3A_445] {strides = array<i32>} : memref<2x80x128xf32, #tpu.memory_space<vmem>>, vector<1x1x16xf32>,
      %swap3A_447 = vector.shape_cast %swap3A_446 : vector<1x1x16xf32> to vector<16xf32>
      %swap3A_448 = vector.shape_cast %max3A_441 : vector<16xf32> to vector<1x1x16xf32>
      tpu.vector_store %arg9[%swap3A_443, %swap3A_444, %swap3A_445], %swap3A_448 {strides = array<i32>} : memref<2x80x128xf32, #tpu.memory_space<vmem>>, vector<1x1x16xf32>,
      %get3A_449 = arith.constant 0 : i32
      %get3A_450 = arith.index_cast %get3A_449 : i32 to index
      %get3A_451 = arith.index_cast %scan3A_313 : i32 to index
      %get3A_452 = arith.constant 96 : index
      %get3A_453 = tpu.vector_load %arg9[%get3A_450, %get3A_451, %get3A_452] {strides = array<i32>} : memref<2x80x128xf32, #tpu.memory_space<vmem>>, vector<1x1x16xf32>,
      %get3A_454 = vector.shape_cast %get3A_453 : vector<1x1x16xf32> to vector<16xf32>
      %get3A_455 = arith.constant 0 : i32
      %get3A_456 = arith.index_cast %get3A_455 : i32 to index
      %get3A_457 = arith.index_cast %scan3A_313 : i32 to index
      %get3A_458 = arith.constant 96 : index
      %get3A_459 = tpu.vector_load %arg10[%get3A_456, %get3A_457, %get3A_458] {strides = array<i32>} : memref<2x80x128xf32, #tpu.memory_space<vmem>>, vector<1x1x16xf32>,
      %get3A_460 = vector.shape_cast %get3A_459 : vector<1x1x16xf32> to vector<16xf32>
      %add3A_461 = arith.addf %get3A_454, %get3A_460 : vector<16xf32>
      %max3A_462 = arith.constant 0.000000e+00 : f32
      %max3A_463 = vector.broadcast %max3A_462 : f32 to vector<16xf32>
      %max3A_464 = arith.maximumf %add3A_461, %max3A_463 : vector<16xf32>
      %swap3A_465 = arith.constant 0 : i32
      %swap3A_466 = arith.index_cast %swap3A_465 : i32 to index
      %swap3A_467 = arith.index_cast %scan3A_313 : i32 to index
      %swap3A_468 = arith.constant 96 : index
      %swap3A_469 = tpu.vector_load %arg9[%swap3A_466, %swap3A_467, %swap3A_468] {strides = array<i32>} : memref<2x80x128xf32, #tpu.memory_space<vmem>>, vector<1x1x16xf32>,
      %swap3A_470 = vector.shape_cast %swap3A_469 : vector<1x1x16xf32> to vector<16xf32>
      %swap3A_471 = vector.shape_cast %max3A_464 : vector<16xf32> to vector<1x1x16xf32>
      tpu.vector_store %arg9[%swap3A_466, %swap3A_467, %swap3A_468], %swap3A_471 {strides = array<i32>} : memref<2x80x128xf32, #tpu.memory_space<vmem>>, vector<1x1x16xf32>,
      %get3A_472 = arith.constant 0 : i32
      %get3A_473 = arith.index_cast %get3A_472 : i32 to index
      %get3A_474 = arith.index_cast %scan3A_313 : i32 to index
      %get3A_475 = arith.constant 112 : index
      %get3A_476 = tpu.vector_load %arg9[%get3A_473, %get3A_474, %get3A_475] {strides = array<i32>} : memref<2x80x128xf32, #tpu.memory_space<vmem>>, vector<1x1x16xf32>,
      %get3A_477 = vector.shape_cast %get3A_476 : vector<1x1x16xf32> to vector<16xf32>
      %get3A_478 = arith.constant 0 : i32
      %get3A_479 = arith.index_cast %get3A_478 : i32 to index
      %get3A_480 = arith.index_cast %scan3A_313 : i32 to index
      %get3A_481 = arith.constant 112 : index
      %get3A_482 = tpu.vector_load %arg10[%get3A_479, %get3A_480, %get3A_481] {strides = array<i32>} : memref<2x80x128xf32, #tpu.memory_space<vmem>>, vector<1x1x16xf32>,
      %get3A_483 = vector.shape_cast %get3A_482 : vector<1x1x16xf32> to vector<16xf32>
      %add3A_484 = arith.addf %get3A_477, %get3A_483 : vector<16xf32>
      %max3A_485 = arith.constant 0.000000e+00 : f32
      %max3A_486 = vector.broadcast %max3A_485 : f32 to vector<16xf32>
      %max3A_487 = arith.maximumf %add3A_484, %max3A_486 : vector<16xf32>
      %swap3A_488 = arith.constant 0 : i32
      %swap3A_489 = arith.index_cast %swap3A_488 : i32 to index
      %swap3A_490 = arith.index_cast %scan3A_313 : i32 to index
      %swap3A_491 = arith.constant 112 : index
      %swap3A_492 = tpu.vector_load %arg9[%swap3A_489, %swap3A_490, %swap3A_491] {strides = array<i32>} : memref<2x80x128xf32, #tpu.memory_space<vmem>>, vector<1x1x16xf32>,
      %swap3A_493 = vector.shape_cast %swap3A_492 : vector<1x1x16xf32> to vector<16xf32>
      %swap3A_494 = vector.shape_cast %max3A_487 : vector<16xf32> to vector<1x1x16xf32>
      tpu.vector_store %arg9[%swap3A_489, %swap3A_490, %swap3A_491], %swap3A_494 {strides = array<i32>} : memref<2x80x128xf32, #tpu.memory_space<vmem>>, vector<1x1x16xf32>,
    }
    %scan3A_302 = arith.constant 80 : i32
    %run_scoped3A_303 = arith.constant 0 : i32
    %run_scoped3A_304 = arith.constant 0 : i32
    "tpu.region"() ({
      %run_scoped3A_313 = tpu.sem_alloc : memref<!tpu.dma_semaphore, #tpu.memory_space<semaphore_mem>>
      %dma_start3A_314 = arith.constant 0 : i32
      %dma_start3A_315 = arith.constant 0 : i32
      %dma_start3A_316 = tpu.memref_slice %arg9[%run_scoped3A_303, %dma_start3A_314, %dma_start3A_315] : memref<2x80x128xf32, #tpu.memory_space<vmem>> -> memref<1x80x128xf32, #tpu.memory_space<vmem>>
      %dma_start3A_317 = tpu.memref_squeeze %dma_start3A_316 : memref<1x80x128xf32, #tpu.memory_space<vmem>> -> memref<80x128xf32, #tpu.memory_space<vmem>>
      %dma_start3A_318 = arith.constant 0 : i32
      %dma_start3A_319 = tpu.memref_slice %arg8[%run_scoped3A_304, %dma_start3A_318] : memref<2x80xi32, #tpu.memory_space<vmem>> -> memref<1x80xi32, #tpu.memory_space<vmem>>
      %dma_start3A_320 = tpu.memref_squeeze %dma_start3A_319 : memref<1x80xi32, #tpu.memory_space<vmem>> -> memref<80xi32, #tpu.memory_space<vmem>>
      %dma_start3A_321 = arith.constant 0 : i32
      %dma_start3A_322 = arith.constant 0 : i32
      %dma_start3A_323 = tpu.memref_slice %arg11[%dma_start3A_321, %dma_start3A_322] : memref<10240x128xf32, #tpu.memory_space<vmem_shared>> -> memref<10240x128xf32, #tpu.memory_space<vmem_shared>>
      tpu.enqueue_indirect_dma source(%dma_start3A_317 : memref<80x128xf32, #tpu.memory_space<vmem>>) target(%dma_start3A_323 : memref<10240x128xf32, #tpu.memory_space<vmem_shared>>) offsets(%dma_start3A_320 : memref<80xi32, #tpu.memory_space<vmem>>) semaphore(%run_scoped3A_313 : memref<!tpu.dma_semaphore, #tpu.memory_space<semaphore_mem>>) {add = true}
      %dma_wait3A_324 = arith.constant 0 : i32
      %dma_wait3A_325 = arith.constant 0 : i32
      %dma_wait3A_326 = tpu.memref_slice %arg9[%run_scoped3A_303, %dma_wait3A_324, %dma_wait3A_325] : memref<2x80x128xf32, #tpu.memory_space<vmem>> -> memref<1x80x128xf32, #tpu.memory_space<vmem>>
      %dma_wait3A_327 = tpu.memref_squeeze %dma_wait3A_326 : memref<1x80x128xf32, #tpu.memory_space<vmem>> -> memref<80x128xf32, #tpu.memory_space<vmem>>
      %dma_wait3A_328 = arith.constant 0 : i32
      %dma_wait3A_329 = tpu.memref_slice %arg8[%run_scoped3A_304, %dma_wait3A_328] : memref<2x80xi32, #tpu.memory_space<vmem>> -> memref<1x80xi32, #tpu.memory_space<vmem>>
      %dma_wait3A_330 = tpu.memref_squeeze %dma_wait3A_329 : memref<1x80xi32, #tpu.memory_space<vmem>> -> memref<80xi32, #tpu.memory_space<vmem>>
      %dma_wait3A_331 = arith.constant 0 : i32
      %dma_wait3A_332 = arith.constant 0 : i32
      %dma_wait3A_333 = tpu.memref_slice %arg11[%dma_wait3A_331, %dma_wait3A_332] : memref<10240x128xf32, #tpu.memory_space<vmem_shared>> -> memref<10240x128xf32, #tpu.memory_space<vmem_shared>>
      tpu.wait_indirect_dma semaphore(%run_scoped3A_313 : memref<!tpu.dma_semaphore, #tpu.memory_space<semaphore_mem>>) src(%dma_wait3A_327 : memref<80x128xf32, #tpu.memory_space<vmem>>) dst(%dma_wait3A_333 : memref<10240x128xf32, #tpu.memory_space<vmem_shared>>)
      tpu.yield
    }) : () -> ()
    %barrier3A_305 = arith.constant 0 : index
    tpu.barrier barrier_id(%barrier3A_305)
    %mul3A_306 = arith.constant 640 : i32
    %mul3A_307 = arith.muli %arg1, %mul3A_306 : i32
    %mul3A_308 = arith.constant 10240 : i32
    %mul3A_309 = arith.muli %arg0, %mul3A_308 : i32
    %mul3A_310 = arith.constant 640 : i32
    %mul3A_311 = arith.muli %arg1, %mul3A_310 : i32
    %add3A_312 = arith.addi %mul3A_309, %mul3A_311 : i32
    "tpu.region"() ({
      %run_scoped3A_313 = tpu.sem_alloc : memref<!tpu.dma_semaphore, #tpu.memory_space<semaphore_mem>>
      %dma_start3A_314 = arith.constant 0 : i32
      %dma_start3A_315 = tpu.memref_slice %arg6[%add3A_312, %dma_start3A_314] : memref<20480x128xf32, #tpu.memory_space<hbm>> -> memref<640x128xf32, #tpu.memory_space<hbm>>
      %dma_start3A_316 = arith.constant 0 : i32
      %dma_start3A_317 = tpu.memref_slice %arg11[%mul3A_307, %dma_start3A_316] : memref<10240x128xf32, #tpu.memory_space<vmem_shared>> -> memref<640x128xf32, #tpu.memory_space<vmem_shared>>
      tpu.enqueue_dma source(%dma_start3A_317 : memref<640x128xf32, #tpu.memory_space<vmem_shared>>) target(%dma_start3A_315 : memref<640x128xf32, #tpu.memory_space<hbm>>) target_semaphore(%run_scoped3A_313 : memref<!tpu.dma_semaphore, #tpu.memory_space<semaphore_mem>>)
      %dma_wait3A_318 = arith.constant 0 : i32
      %dma_wait3A_319 = tpu.memref_slice %arg6[%add3A_312, %dma_wait3A_318] : memref<20480x128xf32, #tpu.memory_space<hbm>> -> memref<640x128xf32, #tpu.memory_space<hbm>>
      %dma_wait3A_320 = arith.constant 0 : i32
      %dma_wait3A_321 = tpu.memref_slice %arg11[%mul3A_307, %dma_wait3A_320] : memref<10240x128xf32, #tpu.memory_space<vmem_shared>> -> memref<640x128xf32, #tpu.memory_space<vmem_shared>>
      tpu.wait_dma2 semaphore(%run_scoped3A_313 : memref<!tpu.dma_semaphore, #tpu.memory_space<semaphore_mem>>) src(%dma_wait3A_321 : memref<640x128xf32, #tpu.memory_space<vmem_shared>>) dst(%dma_wait3A_319 : memref<640x128xf32, #tpu.memory_space<hbm>>)
      tpu.yield
    }) : () -> ()
    return
  }
}

module attributes {stable_mosaic.version = 14 : i64} {
  func.func @_pre_body(%arg0: i32, %arg1: memref<2000x128xf32, #tpu.memory_space<vmem>>, %arg2: memref<2000x8xf32, #tpu.memory_space<vmem>>, %arg3: memref<128x128xf32, #tpu.memory_space<vmem>>, %arg4: memref<1x128xf32, #tpu.memory_space<vmem>>, %arg5: memref<128x8xf32, #tpu.memory_space<vmem>>, %arg6: memref<1x8xf32, #tpu.memory_space<vmem>>, %arg7: memref<8x128xf32, #tpu.memory_space<vmem>>, %arg8: memref<128x128xf32, #tpu.memory_space<vmem>>, %arg9: memref<1x128xf32, #tpu.memory_space<vmem>>, %arg10: memref<2000x128xf32, #tpu.memory_space<vmem>>, %arg11: memref<2000x128xf32, #tpu.memory_space<vmem>>) attributes {dimension_semantics = [#tpu.dimension_semantics<arbitrary>], iteration_bounds = array<i64: 5>, scalar_prefetch = 0 : i64, scratch_operands = 0 : i64, tpu.core_type = #tpu.core_type<tc>, window_params = [{transform_indices = @transform_0, window_bounds = array<i64: 2000, 128>}, {transform_indices = @transform_1, window_bounds = array<i64: 2000, 8>}, {pipeline_mode = #tpu.pipeline_mode<synchronous>, transform_indices = @transform_2, window_bounds = array<i64: 128, 128>}, {pipeline_mode = #tpu.pipeline_mode<synchronous>, transform_indices = @transform_3, window_bounds = array<i64: 1, 128>}, {pipeline_mode = #tpu.pipeline_mode<synchronous>, transform_indices = @transform_4, window_bounds = array<i64: 128, 8>}, {pipeline_mode = #tpu.pipeline_mode<synchronous>, transform_indices = @transform_5, window_bounds = array<i64: 1, 8>}, {pipeline_mode = #tpu.pipeline_mode<synchronous>, transform_indices = @transform_6, window_bounds = array<i64: 8, 128>}, {pipeline_mode = #tpu.pipeline_mode<synchronous>, transform_indices = @transform_7, window_bounds = array<i64: 128, 128>}, {pipeline_mode = #tpu.pipeline_mode<synchronous>, transform_indices = @transform_8, window_bounds = array<i64: 1, 128>}, {transform_indices = @transform_9, window_bounds = array<i64: 2000, 128>}, {transform_indices = @transform_10, window_bounds = array<i64: 2000, 128>}]} {
    %get3A = arith.constant 0 : index
    %get3A_0 = arith.constant 0 : index
    %get3A_1 = vector.load %arg1[%get3A, %get3A_0] : memref<2000x128xf32, #tpu.memory_space<vmem>>, vector<2000x128xf32>
    %get3A_2 = arith.constant 0 : index
    %get3A_3 = arith.constant 0 : index
    %get3A_4 = vector.load %arg2[%get3A_2, %get3A_3] : memref<2000x8xf32, #tpu.memory_space<vmem>>, vector<2000x8xf32>
    %get3A_5 = arith.constant 0 : index
    %get3A_6 = arith.constant 0 : index
    %get3A_7 = vector.load %arg3[%get3A_5, %get3A_6] : memref<128x128xf32, #tpu.memory_space<vmem>>, vector<128x128xf32>
    %dot_general3A = arith.constant dense<0.000000e+00> : vector<2000x128xf32>
    %dot_general3A_8 = tpu.matmul %get3A_1, %get3A_7, %dot_general3A {dimension_numbers = #tpu.dot_dimension_numbers<[1], [0], [0], [1], [0, 0, 1, 1], [], []>, transpose_lhs_hint = false} : vector<2000x128xf32>, vector<128x128xf32>, vector<2000x128xf32> -> vector<2000x128xf32>
    %get3A_9 = arith.constant 0 : index
    %get3A_10 = arith.constant 0 : index
    %get3A_11 = vector.load %arg4[%get3A_9, %get3A_10] : memref<1x128xf32, #tpu.memory_space<vmem>>, vector<1x128xf32>
    %add3A = vector.broadcast %get3A_11 : vector<1x128xf32> to vector<2000x128xf32>
    %add3A_12 = arith.addf %dot_general3A_8, %add3A : vector<2000x128xf32>
    %max3A = arith.constant 0.000000e+00 : f32
    %max3A_13 = vector.broadcast %max3A : f32 to vector<2000x128xf32>
    %max3A_14 = arith.maximumf %add3A_12, %max3A_13 : vector<2000x128xf32>
    %get3A_15 = arith.constant 0 : index
    %get3A_16 = arith.constant 0 : index
    %get3A_17 = vector.load %arg5[%get3A_15, %get3A_16] : memref<128x8xf32, #tpu.memory_space<vmem>>, vector<128x8xf32>
    %dot_general3A_18 = arith.constant dense<0.000000e+00> : vector<2000x8xf32>
    %dot_general3A_19 = tpu.matmul %max3A_14, %get3A_17, %dot_general3A_18 {dimension_numbers = #tpu.dot_dimension_numbers<[1], [0], [0], [1], [0, 0, 1, 1], [], []>, transpose_lhs_hint = false} : vector<2000x128xf32>, vector<128x8xf32>, vector<2000x8xf32> -> vector<2000x8xf32>
    %get3A_20 = arith.constant 0 : index
    %get3A_21 = arith.constant 0 : index
    %get3A_22 = vector.load %arg6[%get3A_20, %get3A_21] : memref<1x8xf32, #tpu.memory_space<vmem>>, vector<1x8xf32>
    %add3A_23 = vector.broadcast %get3A_22 : vector<1x8xf32> to vector<2000x8xf32>
    %add3A_24 = arith.addf %dot_general3A_19, %add3A_23 : vector<2000x8xf32>
    %tanh3A = math.tanh %add3A_24 : vector<2000x8xf32>
    %get3A_25 = arith.constant 0 : index
    %get3A_26 = arith.constant 0 : index
    %get3A_27 = vector.load %arg7[%get3A_25, %get3A_26] : memref<8x128xf32, #tpu.memory_space<vmem>>, vector<8x128xf32>
    %dot_general3A_28 = arith.constant dense<0.000000e+00> : vector<2000x128xf32>
    %dot_general3A_29 = tpu.matmul %get3A_4, %get3A_27, %dot_general3A_28 {dimension_numbers = #tpu.dot_dimension_numbers<[1], [0], [0], [1], [0, 0, 1, 1], [], []>, transpose_lhs_hint = false} : vector<2000x8xf32>, vector<8x128xf32>, vector<2000x128xf32> -> vector<2000x128xf32>
    %get3A_30 = arith.constant 0 : index
    %get3A_31 = arith.constant 0 : index
    %get3A_32 = vector.load %arg8[%get3A_30, %get3A_31] : memref<128x128xf32, #tpu.memory_space<vmem>>, vector<128x128xf32>
    %dot_general3A_33 = arith.constant dense<0.000000e+00> : vector<2000x128xf32>
    %dot_general3A_34 = tpu.matmul %get3A_1, %get3A_32, %dot_general3A_33 {dimension_numbers = #tpu.dot_dimension_numbers<[1], [0], [0], [1], [0, 0, 1, 1], [], []>, transpose_lhs_hint = false} : vector<2000x128xf32>, vector<128x128xf32>, vector<2000x128xf32> -> vector<2000x128xf32>
    %add3A_35 = arith.addf %dot_general3A_34, %dot_general3A_29 : vector<2000x128xf32>
    %swap3A = arith.constant 0 : index
    %swap3A_36 = arith.constant 0 : index
    %swap3A_37 = vector.load %arg10[%swap3A, %swap3A_36] : memref<2000x128xf32, #tpu.memory_space<vmem>>, vector<2000x128xf32>
    tpu.vector_store %arg10[%swap3A, %swap3A_36], %add3A_35 {strides = array<i32>} : memref<2000x128xf32, #tpu.memory_space<vmem>>, vector<2000x128xf32>,
    %get3A_38 = arith.constant 0 : index
    %get3A_39 = arith.constant 0 : index
    %get3A_40 = vector.load %arg7[%get3A_38, %get3A_39] : memref<8x128xf32, #tpu.memory_space<vmem>>, vector<8x128xf32>
    %dot_general3A_41 = arith.constant dense<0.000000e+00> : vector<2000x128xf32>
    %dot_general3A_42 = tpu.matmul %tanh3A, %get3A_40, %dot_general3A_41 {dimension_numbers = #tpu.dot_dimension_numbers<[1], [0], [0], [1], [0, 0, 1, 1], [], []>, transpose_lhs_hint = false} : vector<2000x8xf32>, vector<8x128xf32>, vector<2000x128xf32> -> vector<2000x128xf32>
    %sub3A = arith.subf %dot_general3A_42, %dot_general3A_29 : vector<2000x128xf32>
    %get3A_43 = arith.constant 0 : index
    %get3A_44 = arith.constant 0 : index
    %get3A_45 = vector.load %arg9[%get3A_43, %get3A_44] : memref<1x128xf32, #tpu.memory_space<vmem>>, vector<1x128xf32>
    %add3A_46 = vector.broadcast %get3A_45 : vector<1x128xf32> to vector<2000x128xf32>
    %add3A_47 = arith.addf %sub3A, %add3A_46 : vector<2000x128xf32>
    %swap3A_48 = arith.constant 0 : index
    %swap3A_49 = arith.constant 0 : index
    %swap3A_50 = vector.load %arg11[%swap3A_48, %swap3A_49] : memref<2000x128xf32, #tpu.memory_space<vmem>>, vector<2000x128xf32>
    tpu.vector_store %arg11[%swap3A_48, %swap3A_49], %add3A_47 {strides = array<i32>} : memref<2000x128xf32, #tpu.memory_space<vmem>>, vector<2000x128xf32>,
    return
  }
  func.func @transform_0(%arg0: i32) -> (i32, i32) {
    %c0_i32 = arith.constant 0 : i32
    %c0_i32_0 = arith.constant 0 : i32
    return %arg0, %c0_i32 : i32, i32
  }
  func.func @transform_1(%arg0: i32) -> (i32, i32) {
    %c0_i32 = arith.constant 0 : i32
    %c0_i32_0 = arith.constant 0 : i32
    return %arg0, %c0_i32 : i32, i32
  }
  func.func @transform_2(%arg0: i32) -> (i32, i32) {
    %c0_i32 = arith.constant 0 : i32
    %c0_i32_0 = arith.constant 0 : i32
    %c0_i32_1 = arith.constant 0 : i32
    return %c0_i32, %c0_i32_0 : i32, i32
  }
  func.func @transform_3(%arg0: i32) -> (i32, i32) {
    %c0_i32 = arith.constant 0 : i32
    %c0_i32_0 = arith.constant 0 : i32
    %c0_i32_1 = arith.constant 0 : i32
    return %c0_i32, %c0_i32_0 : i32, i32
  }
  func.func @transform_4(%arg0: i32) -> (i32, i32) {
    %c0_i32 = arith.constant 0 : i32
    %c0_i32_0 = arith.constant 0 : i32
    %c0_i32_1 = arith.constant 0 : i32
    return %c0_i32, %c0_i32_0 : i32, i32
  }
  func.func @transform_5(%arg0: i32) -> (i32, i32) {
    %c0_i32 = arith.constant 0 : i32
    %c0_i32_0 = arith.constant 0 : i32
    %c0_i32_1 = arith.constant 0 : i32
    return %c0_i32, %c0_i32_0 : i32, i32
  }
  func.func @transform_6(%arg0: i32) -> (i32, i32) {
    %c0_i32 = arith.constant 0 : i32
    %c0_i32_0 = arith.constant 0 : i32
    %c0_i32_1 = arith.constant 0 : i32
    return %c0_i32, %c0_i32_0 : i32, i32
  }
  func.func @transform_7(%arg0: i32) -> (i32, i32) {
    %c0_i32 = arith.constant 0 : i32
    %c0_i32_0 = arith.constant 0 : i32
    %c0_i32_1 = arith.constant 0 : i32
    return %c0_i32, %c0_i32_0 : i32, i32
  }
  func.func @transform_8(%arg0: i32) -> (i32, i32) {
    %c0_i32 = arith.constant 0 : i32
    %c0_i32_0 = arith.constant 0 : i32
    %c0_i32_1 = arith.constant 0 : i32
    return %c0_i32, %c0_i32_0 : i32, i32
  }
  func.func @transform_9(%arg0: i32) -> (i32, i32) {
    %c0_i32 = arith.constant 0 : i32
    %c0_i32_0 = arith.constant 0 : i32
    return %arg0, %c0_i32 : i32, i32
  }
  func.func @transform_10(%arg0: i32) -> (i32, i32) {
    %c0_i32 = arith.constant 0 : i32
    %c0_i32_0 = arith.constant 0 : i32
    return %arg0, %c0_i32 : i32, i32
  }
}

module attributes {stable_mosaic.version = 14 : i64} {
  func.func @_post_body(%arg0: i32, %arg1: memref<2000x128xf32, #tpu.memory_space<vmem>>, %arg2: memref<1x2000x128xf32, #tpu.memory_space<vmem>>, %arg3: memref<1x2000x128xf32, #tpu.memory_space<vmem>>, %arg4: memref<128x128xf32, #tpu.memory_space<vmem>>, %arg5: memref<1x128xf32, #tpu.memory_space<vmem>>, %arg6: memref<128x128xf32, #tpu.memory_space<vmem>>, %arg7: memref<1x128xf32, #tpu.memory_space<vmem>>, %arg8: memref<2000x128xf32, #tpu.memory_space<vmem>>) attributes {dimension_semantics = [#tpu.dimension_semantics<arbitrary>], iteration_bounds = array<i64: 5>, scalar_prefetch = 0 : i64, scratch_operands = 0 : i64, tpu.core_type = #tpu.core_type<tc>, window_params = [{transform_indices = @transform_0, window_bounds = array<i64: 2000, 128>}, {transform_indices = @transform_1, window_bounds = array<i64: 1, 2000, 128>}, {transform_indices = @transform_2, window_bounds = array<i64: 1, 2000, 128>}, {pipeline_mode = #tpu.pipeline_mode<synchronous>, transform_indices = @transform_3, window_bounds = array<i64: 128, 128>}, {pipeline_mode = #tpu.pipeline_mode<synchronous>, transform_indices = @transform_4, window_bounds = array<i64: 1, 128>}, {pipeline_mode = #tpu.pipeline_mode<synchronous>, transform_indices = @transform_5, window_bounds = array<i64: 128, 128>}, {pipeline_mode = #tpu.pipeline_mode<synchronous>, transform_indices = @transform_6, window_bounds = array<i64: 1, 128>}, {transform_indices = @transform_7, window_bounds = array<i64: 2000, 128>}]} {
    %get3A = arith.constant 0 : index
    %get3A_0 = arith.constant 0 : index
    %get3A_1 = arith.constant 0 : index
    %get3A_2 = vector.load %arg2[%get3A, %get3A_0, %get3A_1] : memref<1x2000x128xf32, #tpu.memory_space<vmem>>, vector<1x2000x128xf32>
    %get3A_3 = vector.shape_cast %get3A_2 : vector<1x2000x128xf32> to vector<2000x128xf32>
    %get3A_4 = arith.constant 0 : index
    %get3A_5 = arith.constant 0 : index
    %get3A_6 = arith.constant 0 : index
    %get3A_7 = vector.load %arg3[%get3A_4, %get3A_5, %get3A_6] : memref<1x2000x128xf32, #tpu.memory_space<vmem>>, vector<1x2000x128xf32>
    %get3A_8 = vector.shape_cast %get3A_7 : vector<1x2000x128xf32> to vector<2000x128xf32>
    %add3A = arith.addf %get3A_3, %get3A_8 : vector<2000x128xf32>
    %get3A_9 = arith.constant 0 : index
    %get3A_10 = arith.constant 0 : index
    %get3A_11 = vector.load %arg4[%get3A_9, %get3A_10] : memref<128x128xf32, #tpu.memory_space<vmem>>, vector<128x128xf32>
    %dot_general3A = arith.constant dense<0.000000e+00> : vector<2000x128xf32>
    %dot_general3A_12 = tpu.matmul %add3A, %get3A_11, %dot_general3A {dimension_numbers = #tpu.dot_dimension_numbers<[1], [0], [0], [1], [0, 0, 1, 1], [], []>, transpose_lhs_hint = false} : vector<2000x128xf32>, vector<128x128xf32>, vector<2000x128xf32> -> vector<2000x128xf32>
    %get3A_13 = arith.constant 0 : index
    %get3A_14 = arith.constant 0 : index
    %get3A_15 = vector.load %arg5[%get3A_13, %get3A_14] : memref<1x128xf32, #tpu.memory_space<vmem>>, vector<1x128xf32>
    %add3A_16 = vector.broadcast %get3A_15 : vector<1x128xf32> to vector<2000x128xf32>
    %add3A_17 = arith.addf %dot_general3A_12, %add3A_16 : vector<2000x128xf32>
    %max3A = arith.constant 0.000000e+00 : f32
    %max3A_18 = vector.broadcast %max3A : f32 to vector<2000x128xf32>
    %max3A_19 = arith.maximumf %add3A_17, %max3A_18 : vector<2000x128xf32>
    %get3A_20 = arith.constant 0 : index
    %get3A_21 = arith.constant 0 : index
    %get3A_22 = vector.load %arg1[%get3A_20, %get3A_21] : memref<2000x128xf32, #tpu.memory_space<vmem>>, vector<2000x128xf32>
    %get3A_23 = arith.constant 0 : index
    %get3A_24 = arith.constant 0 : index
    %get3A_25 = vector.load %arg6[%get3A_23, %get3A_24] : memref<128x128xf32, #tpu.memory_space<vmem>>, vector<128x128xf32>
    %dot_general3A_26 = arith.constant dense<0.000000e+00> : vector<2000x128xf32>
    %dot_general3A_27 = tpu.matmul %max3A_19, %get3A_25, %dot_general3A_26 {dimension_numbers = #tpu.dot_dimension_numbers<[1], [0], [0], [1], [0, 0, 1, 1], [], []>, transpose_lhs_hint = false} : vector<2000x128xf32>, vector<128x128xf32>, vector<2000x128xf32> -> vector<2000x128xf32>
    %get3A_28 = arith.constant 0 : index
    %get3A_29 = arith.constant 0 : index
    %get3A_30 = vector.load %arg7[%get3A_28, %get3A_29] : memref<1x128xf32, #tpu.memory_space<vmem>>, vector<1x128xf32>
    %add3A_31 = vector.broadcast %get3A_30 : vector<1x128xf32> to vector<2000x128xf32>
    %add3A_32 = arith.addf %dot_general3A_27, %add3A_31 : vector<2000x128xf32>
    %add3A_33 = arith.addf %get3A_22, %add3A_32 : vector<2000x128xf32>
    %swap3A = arith.constant 0 : index
    %swap3A_34 = arith.constant 0 : index
    %swap3A_35 = vector.load %arg8[%swap3A, %swap3A_34] : memref<2000x128xf32, #tpu.memory_space<vmem>>, vector<2000x128xf32>
    tpu.vector_store %arg8[%swap3A, %swap3A_34], %add3A_33 {strides = array<i32>} : memref<2000x128xf32, #tpu.memory_space<vmem>>, vector<2000x128xf32>,
    return
  }
  func.func @transform_0(%arg0: i32) -> (i32, i32) {
    %c0_i32 = arith.constant 0 : i32
    %c0_i32_0 = arith.constant 0 : i32
    return %arg0, %c0_i32 : i32, i32
  }
  func.func @transform_1(%arg0: i32) -> (i32, i32, i32) {
    %c0_i32 = arith.constant 0 : i32
    %c0_i32_0 = arith.constant 0 : i32
    %c0_i32_1 = arith.constant 0 : i32
    return %c0_i32, %arg0, %c0_i32_0 : i32, i32, i32
  }
  func.func @transform_2(%arg0: i32) -> (i32, i32, i32) {
    %c1_i32 = arith.constant 1 : i32
    %c0_i32 = arith.constant 0 : i32
    %c0_i32_0 = arith.constant 0 : i32
    return %c1_i32, %arg0, %c0_i32 : i32, i32, i32
  }
  func.func @transform_3(%arg0: i32) -> (i32, i32) {
    %c0_i32 = arith.constant 0 : i32
    %c0_i32_0 = arith.constant 0 : i32
    %c0_i32_1 = arith.constant 0 : i32
    return %c0_i32, %c0_i32_0 : i32, i32
  }
  func.func @transform_4(%arg0: i32) -> (i32, i32) {
    %c0_i32 = arith.constant 0 : i32
    %c0_i32_0 = arith.constant 0 : i32
    %c0_i32_1 = arith.constant 0 : i32
    return %c0_i32, %c0_i32_0 : i32, i32
  }
  func.func @transform_5(%arg0: i32) -> (i32, i32) {
    %c0_i32 = arith.constant 0 : i32
    %c0_i32_0 = arith.constant 0 : i32
    %c0_i32_1 = arith.constant 0 : i32
    return %c0_i32, %c0_i32_0 : i32, i32
  }
  func.func @transform_6(%arg0: i32) -> (i32, i32) {
    %c0_i32 = arith.constant 0 : i32
    %c0_i32_0 = arith.constant 0 : i32
    %c0_i32_1 = arith.constant 0 : i32
    return %c0_i32, %c0_i32_0 : i32, i32
  }
  func.func @transform_7(%arg0: i32) -> (i32, i32) {
    %c0_i32 = arith.constant 0 : i32
    %c0_i32_0 = arith.constant 0 : i32
    return %arg0, %c0_i32 : i32, i32
  }
}

</mosaic_0001>

<sc_bundles>
// kernel: kernel.5.cloned.1.call-start
scs
__scs_entry_jumppad:
0x0: {  	(pc) =	sbr.rel $0x88, $3  }
0x1: {  	(tag) =	ssettag $0x0;
	lr =	simm.s32 $0x1  }
0x2: {  	[smem:$0x3F94] =	sst lr;
	_ =	strace $0xD0000000  }
0x3: {  	_ = 	snop  }
0x4: {  	_ = 	snop  }
0x5: {  	_ = 	snop  }
0x6: {  	_ = 	snop  }
0x7: {  	_ = 	snop  }
__scs_overlays_trampoline_lowered:
0x8: {  	[smem:$0x3FA3] =	sst s0  }
0x9: {  	[smem:$0x3FA4] =	sst s1  }
0xa: {  	[smem:$0x3FA5] =	sst s2  }
0xb: {  	[smem:$0x3FA6] =	sst s3  }
0xc: {  	[smem:$0x3FA7] =	sst s4  }
0xd: {  	[smem:$0x3FA8] =	sst s5  }
0xe: {  	[smem:$0x3FA9] =	sst s6  }
0xf: {  	[smem:$0x3FAA] =	sst s7  }
0x10: {  	[smem:$0x3FAB] =	sst s8  }
0x11: {  	[smem:$0x3FAC] =	sst s9;
	s0 =	simm.s32 @!p0 $0x0  }
0x12: {  	s1 =	sld [smem:$0x3F92];
	s0 =	simm.s32 @p0 $0x1  }
0x13: {  	[smem:$0x3FAD] =	sst s0;
	s0 =	simm.s32 @!p1 $0x0  }
0x14: {  	s2 =	sld [smem:$0x3F91];
	s0 =	simm.s32 @p1 $0x1  }
0x15: {  	[smem:$0x3FAE] =	sst s0;
	s0 =	simm.s32 @!p2 $0x0  }
0x16: {  	s3 =	sld [smem:$0x3FDB];
	s0 =	simm.s32 @p2 $0x1  }
0x17: {  	s4 =	simm.s32 $0x1BF5;
	[smem:$0x3FB0] =	sst s0  }
0x18: {  	s0 =	sld [smem:$0x3F93];
	_ =	swait.ge [sflag:s4], $0x0  }
0x19: {  	s7 =	sld [smem:$0x3F94]  }
0x1a: {  	s8 =	sadd.s32 $0xFFFFE003, lr  }
0x1b: {  	s9 =	sadd.s32 $0xFFFFFEF7, lr;
	s5 =	simm.s32 $0xFFFFFFFF;
	p2 =	slt.u32 s8, $0xFFFFF086  }
0x1c: {  	p1 =	slt.u32 s9, $0xF7A;
	s5 =	simm.s32 @!p2 $0x0  }
0x1d: {  	s5 =	simm.s32 @p1 $0x1;
	p0 =	seq.s32 s7, s2  }
0x1e: {  	s7 =	smul.u32 @!p0 $0xF7A, s2;
	p2 =	seq.s32 @!p0 s5, $0x0  }
0x1f: {  	s9 =	smul.u32 $0xF7A, s1;
	s8 =	simm.s32 @!p0 $0x1BF5;
	p2 =	por !p2, p0  }
0x20: {  	[sflag:s8] =	ssyncset.s32 @!p0 $0xFFFFF086;
	s6 =	sadd.s32 @!p0 s3, s7;
	s7 =	simm.s32 @!p0 $0x108  }
0x21: {  	s3 =	sadd.s32 s3, s9;
	s6 =	sadd.s32 @!p0 $0x88, s6;
	s7 =	simm.s32 @p2 $0x1082  }
0x22: {  	[simem:s7], [sflag:s8] =	dma.local @!p0 [hbm:s6], $0xF7A  }
0x23: {  	s9 =	sor.u32 $0xD0000000, s2;
	s6 =	simm.s32 $0x108;
	_ =	swait.ge @!p0 [sflag:s8], $0x0  }
0x24: {  	s3 =	sadd.s32 $0x88, s3;
	s6 =	simm.s32 @!p1 $0x1082;
	[sflag:s4] =	ssyncset.s32 $0xFFFFF086  }
0x25: {  	[simem:s6], [sflag:s4] =	dma.local [hbm:s3], $0xF7A  }
0x26: {  	[smem:$0x3F94] =	sst s1;
	(tag) =	ssettag s2;
	_ =	strace s9  }
0x27: {  	s1 =	sld [smem:$0x3FA4]  }
0x28: {  	s2 =	sld [smem:$0x3FA5]  }
0x29: {  	s4 =	sld [smem:$0x3FA7]  }
0x2a: {  	p0 =	seq.s32 s5, $0x0;
	s5 =	sld [smem:$0x3FA8]  }
0x2b: {  	s6 =	sld [smem:$0x3FA9]  }
0x2c: {  	s7 =	sld [smem:$0x3FAA]  }
0x2d: {  	s3 =	simm.s32 $0x108;
	s8 =	sld [smem:$0x3FAB]  }
0x2e: {  	s3 =	simm.s32 @!p0 $0x1082;
	s9 =	sld [smem:$0x3FAC]  }
0x2f: {  	lr =	sadd.s32 s0, s3;
	s0 =	sld [smem:$0x3FA3]  }
0x30: {  	s3 =	sld [smem:$0x3FA6]  }
0x31: {  	[smem:$0x3FAF] =	sst s10  }
0x32: {  	s10 =	sld [smem:$0x3FAD];
	_ =	sdelay $0x3  }
0x33: {  	p0 =	seq.s32 s10, $0x1;
	s10 =	sld [smem:$0x3FAF];
	_ =	sdelay $0x3  }
0x34: {  	[smem:$0x3FAF] =	sst s10  }
0x35: {  	s10 =	sld [smem:$0x3FAE];
	_ =	sdelay $0x3  }
0x36: {  	p1 =	seq.s32 s10, $0x1;
	s10 =	sld [smem:$0x3FAF];
	_ =	sdelay $0x3  }
0x37: {  	[smem:$0x3FAF] =	sst s10  }
0x38: {  	s10 =	sld [smem:$0x3FB0]  }
0x39: {  	_ = 	snop;
	(pc) =	sbr.ind lr, $3  }
0x3a: {  	_ = 	snop  }
0x3b: {  	_ = 	snop  }
0x3c: {  	p2 =	seq.s32 s10, $0x1;
	s10 =	sld [smem:$0x3FAF]  }
0x3d: {  	_ =	shalt  }
0x3e: {  	_ =	shalt  }
0x3f: {  	_ =	shalt  }
0x40: {  	_ =	shalt  }
0x41: {  	_ =	shalt  }
0x42: {  	_ =	shalt  }
0x43: {  	_ =	shalt  }
0x44: {  	_ =	shalt  }
0x45: {  	_ =	shalt  }
0x46: {  	_ =	shalt  }
0x47: {  	_ =	shalt  }
0x48: {  	_ =	shalt  }
0x49: {  	_ =	shalt  }
0x4a: {  	_ =	shalt  }
0x4b: {  	_ =	shalt  }
0x4c: {  	_ =	shalt  }
0x4d: {  	_ =	shalt  }
0x4e: {  	_ =	shalt  }
0x4f: {  	_ =	shalt  }
0x50: {  	_ =	shalt  }
0x51: {  	_ =	shalt  }
0x52: {  	_ =	shalt  }
0x53: {  	_ =	shalt  }
0x54: {  	_ =	shalt  }
0x55: {  	_ =	shalt  }
0x56: {  	_ =	shalt  }
0x57: {  	_ =	shalt  }
0x58: {  	_ =	shalt  }
0x59: {  	_ =	shalt  }
0x5a: {  	_ =	shalt  }
0x5b: {  	_ =	shalt  }
0x5c: {  	_ =	shalt  }
0x5d: {  	_ =	shalt  }
0x5e: {  	_ =	shalt  }
0x5f: {  	_ =	shalt  }
0x60: {  	_ =	shalt  }
0x61: {  	_ =	shalt  }
0x62: {  	_ =	shalt  }
0x63: {  	_ =	shalt  }
0x64: {  	_ =	shalt  }
0x65: {  	_ =	shalt  }
0x66: {  	_ =	shalt  }
0x67: {  	_ =	shalt  }
0x68: {  	_ =	shalt  }
0x69: {  	_ =	shalt  }
0x6a: {  	_ =	shalt  }
0x6b: {  	_ =	shalt  }
0x6c: {  	_ =	shalt  }
0x6d: {  	_ =	shalt  }
0x6e: {  	_ =	shalt  }
0x6f: {  	_ =	shalt  }
0x70: {  	_ =	shalt  }
0x71: {  	_ =	shalt  }
0x72: {  	_ =	shalt  }
0x73: {  	_ =	shalt  }
0x74: {  	_ =	shalt  }
0x75: {  	_ =	shalt  }
0x76: {  	_ =	shalt  }
0x77: {  	_ =	shalt  }
0x78: {  	_ =	shalt  }
0x79: {  	_ =	shalt  }
0x7a: {  	_ =	shalt  }
0x7b: {  	_ =	shalt  }
0x7c: {  	_ =	shalt  }
0x7d: {  	_ =	shalt  }
0x7e: {  	_ =	shalt  }
0x7f: {  	_ =	shalt  }
0x80: {  	_ =	shalt  }
0x81: {  	_ =	shalt  }
0x82: {  	_ =	shalt  }
0x83: {  	_ =	shalt  }
0x84: {  	_ =	shalt  }
0x85: {  	_ =	shalt  }
0x86: {  	_ =	shalt  }
0x87: {  	_ =	shalt  }
.Lfunc_end0:
.L_simem_size_0:
called_computation_lowered:
.L_overlay_start_0:
0x88: {  	s2 =	sld [smem:$0x3FD9]  }
0x89: {  	s3 =	sld [smem:$0x3FFE];
	_ =	sdelay $0x1  }
0x8a: {  	s1 =	srdreg.scid  }
0x8b: {  	s0 =	sand.u32 $0x1, s1  }
0x8c: {  	s17 =	sshll.u32 s0, $0xA;
	s2 =	sadd.s32 s3, s2  }
0x8d: {  	s2 =	sadd.s32 s2, s17  }
0x8e: {  	[smem:$0x3FBB] =	sst s2  }
0x8f: {  	_ = 	snop  }
0x90: {  	s2 =	sld [smem:$0x3FD0];
	(tm) =	ssettm $0x1  }
0x91: {  	s18 =	sld [smem:$0x3FFB];
	_ =	sdelay $0x3  }
0x92: {  	_ =	strace s18  }
0x93: {  	s3 =	sld [smem:$0x3FFC];
	_ =	sdelay $0x3  }
0x94: {  	_ =	strace s3  }
0x95: {  	s3 =	sld [smem:$0x3FFD];
	_ =	sdelay $0x3  }
0x96: {  	_ =	strace s3  }
0x97: {  	_ =	strace $0x8FFFFFFF  }
0x98: {  	s19 =	sld [smem:$0x3FDB];
	_ =	sdelay $0x1  }
0x99: {  	s4 =	simm.s32 $_scs_section_size  }
0x9a: {  	s5 =	simm.s32 $_size__tile_overlayer_lowered;
	s6 =	simm.s32 $_tile_overlayer_lowered  }
0x9b: {  	s22 =	simm.s32 $0x1BFF;
	s21 =	sshll.u32 s6, $0x1;
	s3 =	sadd.s32 s4, s19  }
0x9c: {  	s7 =	simm.s32 $0x0;
	s20 =	sshll.u32 s5, $0x1;
	s5 =	sadd.s32 s21, s3  }
0x9d: {  	[timem:s7], [sflag:s22] =	dma.local [hbm:s5], s20  }
0x9e: {  	_ =	swait.ge [sflag:s22], s20  }
0x9f: {  	s4 =	ssub.s32 $0x0, s20;
	[sflag:s22] =	ssyncset.done $0x0  }
0xa0: {  	[sflag:s22] =	ssyncadd.s32 s4;
	_ =	sdelay $0x1  }
0xa1: {  	s23 =	simm.s32 $0x1B8B  }
0xa2: {  	_ =	swait.ge [sflag:s23], $0x1  }
0xa3: {  	[sflag:s23] =	ssyncset.done $0x0  }
0xa4: {  	s25 =	simm.s32 $0x1B8E;
	s24 =	sld [smem:$0x3FFE];
	[sflag:s23] =	ssyncadd.s32 $0xFFFFFFFF  }
0xa5: {  	s26 =	simm.s32 $execute0_lowered;
	[smem:$0x3FD2] =	sst s25  }
0xa6: {  	s5 =	sshll.u32 s26, $0x1;
	_ =	strace $0x80000046;
	[dreg:$0x1] =	wrdreg $0xFFFFFFFF  }
0xa7: {  	s28 =	simm.s32 $_size_execute0_lowered;
	s3 =	sadd.s32 s3, s5;
	[dreg:$0x0] =	wrdreg $0x0  }
0xa8: {  	s5 =	sshll.u32 s28, $0x1;
	[dreg:$0x2] =	wrdreg s3  }
0xa9: {  	[dreg:$0x3] =	wrdreg s5  }
0xaa: {  	[dreg:$0x4] =	wrdreg $0xC0  }
0xab: {  	_ =	task [dreg:s7], $0x5FFFF  }
0xac: {  	[dreg:$0x1] =	wrdreg $0xFFFFFFFF  }
0xad: {  	[dreg:$0x0] =	wrdreg $0x60  }
0xae: {  	[dreg:$0x2] =	wrdreg s2  }
0xaf: {  	[dreg:$0x3] =	wrdreg s24  }
0xb0: {  	[dreg:$0x4] =	wrdreg $0xA2000  }
0xb1: {  	[dreg:$0x5] =	wrdreg $0x9  }
0xb2: {  	_ =	task.clear_ibuf [dreg:s7], $0x6FFFF;
	_ =	strace $0x90000046  }
0xb3: {  	s29 =	simm.s32 $0x9;
	_ =	strace $0x80000048  }
0xb4: {  	_ =	swait.ge [sflag:s29], $0x1  }
0xb5: {  	[sflag:s29] =	ssyncadd.s32 $0xFFFFFFFF  }
0xb6: {  	_ =	strace $0x90000048  }
0xb7: {  	_ =	sfence  }
0xb8: {  	s30 =	sld [smem:$0x0];
	_ =	sdelay $0x2  }
0xb9: {  	s31 =	sshll.u32 s1, $0xD;
	s1 =	sshrl.u32 s1, $0x2  }
0xba: {  	s3 =	sand.u32 $0x4000, s31;
	s1 =	sadd.s32 s1, s30  }
0xbb: {  	s0 =	sor.u32 s3, s0;
	s1 =	sshll.u32 s1, $0x11  }
0xbc: {  	s0 =	sor.u32 s1, s0  }
0xbd: {  	s0 =	sadd.s32 $0x8F2B, s0  }
0xbe: {  	[sflag:s0] =	ssyncadd.remote.s32 $0x1  }
0xbf: {  	_ =	sfence.sel $0xFFFF  }
0xc0: {  	[dreg:$0x0] =	wrdreg $0xFFFFFFFF;
	(pc) =	sbr.abs _section_cstart, $3  }
0xc1: {  	[dreg:$0x1] =	wrdreg $0xFFFFFFFF  }
0xc2: {  	_ =	task.clear_ibuf [dreg:s7], $0x2FFFF;
	_ =	strace $0x9FFFFFFF  }
0xc3: {  	(tm) =	ssettm $0x7FFFFFFF  }
tec
execute0_lowered:
.L_overlay_start_1:
0x0: {  	(tag) =	ssettag $0x1  }
0x1: {  	s1 =	rddreg [dreg:$0x0]  }
0x2: {  	s0 =	rddreg [dreg:$0x1]  }
0x3: {  	s3 =	rddreg [dreg:$0x2]  }
0x4: {  	s4 =	simm.s32 $0x0;
	s2 =	srdreg.scid;
	s11 =	stileid.u32  }
0x5: {  	s28 =	simm.s32 $0x5;
	s29 =	simm.s32 $0x100;
	s8 =	smul.u32 $0x2800, s11  }
0x6: {  	s30 =	simm.s32 $0x50;
	s2 =	sand.u32 $0x1, s2;
	s10 =	smul.u32 $0x50000, s11  }
0x7: {  	s31 =	simm.s32 $0x200;
	s13 =	simm.s32 $0x3;
	s9 =	smul.u32 $0x28000, s2  }
0x8: {  	[smem:$0x7FF] =	sst s4;
	s5 =	sadd.s32 $0x15800, s0;
	s6 =	sadd.s32 $0xBA00, s0  }
0x9: {  	s7 =	sadd.s32 $0x1C00, s0;
	s10 =	sshrl.u32 s10, $0x2;
	s8 =	sadd.s32 s8, s9  }
0xa: {  	s11 =	smul.u32 $0x2710, s11;
	s0 =	sadd.s32 s8, s0;
	s8 =	sadd.s32 s10, s3  }
0xb: {  	_ =	strace $0x80000047;
	s14 =	smul.u32 $0x27100, s2;
	s10 =	sadd.s32 $0x2800, s8  }
0xc: {  	s2 =	ssub.s32 $0x2, s2;
	s15 =	sadd.s32 $0x5000, s8;
	[dreg:$0x4] =	wrdreg s10  }
0xd: {  	s12 =	sshrl.u32 s2, $0x1;
	s16 =	sadd.s32 $0x7800, s8;
	[dreg:$0x5] =	wrdreg s15  }
0xe: {  	s2 =	ssub.s32 s2, s12;
	s17 =	sadd.s32 $0xA000, s8;
	[dreg:$0x6] =	wrdreg s16  }
0xf: {  	s9 =	sadd.s32 s11, s14;
	s18 =	sadd.s32 $0xC800, s8;
	[dreg:$0x7] =	wrdreg s17  }
0x10: {  	s12 =	simm.s32 $0x1;
	s19 =	sadd.s32 $0xF000, s8;
	[dreg:$0x8] =	wrdreg s18  }
0x11: {  	s20 =	sshrl.u32 s9, $0x3;
	s21 =	sadd.s32 $0x11800, s8;
	[dreg:$0x9] =	wrdreg s19  }
0x12: {  	s14 =	simm.s32 $0x2;
	s22 =	sadd.s32 s6, s20;
	[dreg:$0xa] =	wrdreg s21  }
0x13: {  	s23 =	sadd.s32 $0xA, s20;
	s24 =	sadd.s32 s7, s20;
	[dreg:$0xb] =	wrdreg s22  }
0x14: {  	[dreg:$0xc] =	wrdreg s24;
	s25 =	sadd.s32 s6, s23;
	s10 =	sadd.s32 $0x14, s20  }
0x15: {  	s11 =	sadd.s32 s7, s23;
	s22 =	sadd.s32 $0xF0, s9;
	s23 =	sadd.s32 $0x140, s9  }
0x16: {  	s24 =	sadd.s32 $0x3CA00, s0;
	s0 =	simm.s32 $0x80;
	[dreg:$0xd] =	wrdreg s25  }
0x17: {  	s9 =	simm.s32 $0x4;
	s15 =	simm.s32 $0x0;
	[dreg:$0xe] =	wrdreg s11  }
0x18: {  	s26 =	sadd.s32 s6, s10;
	s10 =	sadd.s32 s7, s10;
	s25 =	smax.u32 s2, $0x1  }
0x19: {  	s2 =	simm.s32 $0x180;
	s11 =	simm.s32 $0x7A00;
	[dreg:$0xf] =	wrdreg s26  }
0x1a: {  	v0 =	vimm.f32 $0.0e+00;
	[dreg:$0x10] =	wrdreg s10;
	s26 =	simm.s32 $0x5200;
	s10 =	simm.s32 $0x2A00  }
.LBB2_1:
0x1b: {  	s16 =	simm.s32 $0x0;
	s17 =	simm.s32 $0x200  }
.LBB2_2:
0x1c: {  	p0 =	sne.s32 s17, $0x9E00;
	[tilespmem:s16+$0x5270] =	vst v0  }
0x1d: {  	[tilespmem:s16+$0x5200] =	vst v0  }
0x1e: {  	[tilespmem:s16+$0x5210] =	vst v0  }
.Ltmp0:
0x1f: {  	[tilespmem:s16+$0x5220] =	vst v0;
	(pc) =	sbr.rel @p0 .LBB2_2-.Ltmp0, $4  }
0x20: {  	[tilespmem:s16+$0x5230] =	vst v0  }
0x21: {  	[tilespmem:s16+$0x5240] =	vst v0  }
0x22: {  	[tilespmem:s16+$0x5250] =	vst v0  }
0x23: {  	[tilespmem:s16+$0x5260] =	vst v0;
	s16 =	sshra.s32 s17, $0x2;
	s17 =	sadd.s32 $0x200, s17  }
0x24: {  	[tilespmem:s16+$0x5270] =	vst v0  }
0x25: {  	[tilespmem:s16+$0x5200] =	vst v0  }
0x26: {  	[tilespmem:s16+$0x5210] =	vst v0  }
0x27: {  	[tilespmem:s16+$0x5220] =	vst v0  }
0x28: {  	[tilespmem:s16+$0x5230] =	vst v0  }
0x29: {  	[tilespmem:s16+$0x5240] =	vst v0  }
0x2a: {  	[tilespmem:s16+$0x5250] =	vst v0  }
0x2b: {  	[tilespmem:s16+$0x5260] =	vst v0  }
0x2c: {  	[spmem:s8] =	stream.linear.scatter [tilespmem:s26], [sflag:$0x5], $0x2800, $0x38;
	[tilespmem:$0x1E200] =	vst v63  }
0x2d: {  	_ =	swait.ge [sflag:s28], $0x2800  }
0x2e: {  	[sflag:s28] =	ssyncset.done $0x0  }
0x2f: {  	s21 =	rddreg [dreg:$0x4];
	[sflag:s28] =	ssyncadd.s32 $0xFFFFD800  }
0x30: {  	[spmem:s21] =	stream.linear.scatter [tilespmem:s26], [sflag:$0x5], $0x2800, $0x38;
	[tilespmem:$0x1E200] =	vst v63  }
0x31: {  	_ =	swait.ge [sflag:s28], $0x2800  }
0x32: {  	[sflag:s28] =	ssyncset.done $0x0  }
0x33: {  	s17 =	rddreg [dreg:$0x5];
	[sflag:s28] =	ssyncadd.s32 $0xFFFFD800  }
0x34: {  	[spmem:s17] =	stream.linear.scatter [tilespmem:s26], [sflag:$0x5], $0x2800, $0x38;
	[tilespmem:$0x1E200] =	vst v63  }
0x35: {  	_ =	swait.ge [sflag:s28], $0x2800  }
0x36: {  	[sflag:s28] =	ssyncset.done $0x0  }
0x37: {  	s18 =	rddreg [dreg:$0x6];
	[sflag:s28] =	ssyncadd.s32 $0xFFFFD800  }
0x38: {  	[spmem:s18] =	stream.linear.scatter [tilespmem:s26], [sflag:$0x5], $0x2800, $0x38;
	[tilespmem:$0x1E200] =	vst v63  }
0x39: {  	_ =	swait.ge [sflag:s28], $0x2800  }
0x3a: {  	[sflag:s28] =	ssyncset.done $0x0  }
0x3b: {  	s19 =	rddreg [dreg:$0x7];
	[sflag:s28] =	ssyncadd.s32 $0xFFFFD800  }
0x3c: {  	[spmem:s19] =	stream.linear.scatter [tilespmem:s26], [sflag:$0x5], $0x2800, $0x38;
	[tilespmem:$0x1E200] =	vst v63  }
0x3d: {  	_ =	swait.ge [sflag:s28], $0x2800  }
0x3e: {  	[sflag:s28] =	ssyncset.done $0x0  }
0x3f: {  	s20 =	rddreg [dreg:$0x8];
	[sflag:s28] =	ssyncadd.s32 $0xFFFFD800  }
0x40: {  	[spmem:s20] =	stream.linear.scatter [tilespmem:s26], [sflag:$0x5], $0x2800, $0x38;
	[tilespmem:$0x1E200] =	vst v63  }
0x41: {  	_ =	swait.ge [sflag:s28], $0x2800  }
0x42: {  	[sflag:s28] =	ssyncset.done $0x0  }
0x43: {  	s21 =	rddreg [dreg:$0x9];
	[sflag:s28] =	ssyncadd.s32 $0xFFFFD800  }
0x44: {  	[spmem:s21] =	stream.linear.scatter [tilespmem:s26], [sflag:$0x5], $0x2800, $0x38;
	[tilespmem:$0x1E200] =	vst v63  }
0x45: {  	_ =	swait.ge [sflag:s28], $0x2800  }
0x46: {  	[sflag:s28] =	ssyncset.done $0x0  }
0x47: {  	s17 =	rddreg [dreg:$0xa];
	[sflag:s28] =	ssyncadd.s32 $0xFFFFD800  }
0x48: {  	[spmem:s17] =	stream.linear.scatter [tilespmem:s26], [sflag:$0x5], $0x2800, $0x38;
	[tilespmem:$0x1E200] =	vst v63  }
0x49: {  	_ =	swait.ge [sflag:s28], $0x2800  }
0x4a: {  	[sflag:s28] =	ssyncset.done $0x0  }
0x4b: {  	[sflag:s28] =	ssyncadd.s32 $0xFFFFD800  }
0x4c: {  	[bflag:$0x0] =	sbarrier.arrive $0xFFFF  }
0x4d: {  	s18 =	simm.s32 $0x0;
	s17 =	rddreg [dreg:$0xb]  }
0x4e: {  	[tilespmem:s18], [sflag:$0x5] =	stream.linear.gather [hbm4b:s17+s18], $0x50, $0x38;
	[tilespmem:$0x1E200] =	vst v63  }
0x4f: {  	_ =	swait.ge [sflag:s28], $0x50  }
0x50: {  	[sflag:s28] =	ssyncset.done $0x0  }
0x51: {  	s19 =	rddreg [dreg:$0xc];
	[sflag:s28] =	ssyncadd.s32 $0xFFFFFFB0  }
0x52: {  	[tilespmem:s29], [sflag:$0x5] =	stream.linear.gather [hbm4b:s19+s18], $0x50, $0x38;
	[tilespmem:$0x1E200] =	vst v63  }
0x53: {  	_ =	swait.ge [sflag:s28], $0x50  }
0x54: {  	[sflag:s28] =	ssyncset.done $0x0  }
0x55: {  	[sflag:s28] =	ssyncadd.s32 $0xFFFFFFB0  }
0x56: {  	[tilespmem:s31], [sflag:$0x1] =	stream.indirect.gather [hbm4b:s1+s30], $0x80, s18, s30, $0xb8;
	[tilespmem:$0x1E200] =	vst v63  }
0x57: {  	_ = 	snop  }
0x58: {  	[tilespmem:s26], [sflag:$0x1] =	stream.indirect.gather [hbm4b:s5+s30], $0x80, s29, s30, $0xb8;
	[tilespmem:$0x1E200] =	vst v63  }
0x59: {  	s20 =	rddreg [dreg:$0xd]  }
0x5a: {  	[tilespmem:s0], [sflag:$0x4] =	stream.linear.gather [hbm4b:s20+s18], $0x50, $0x38;
	[tilespmem:$0x1E200] =	vst v63  }
0x5b: {  	s21 =	rddreg [dreg:$0xe]  }
0x5c: {  	[tilespmem:s2], [sflag:$0x4] =	stream.linear.gather [hbm4b:s21+s18], $0x50, $0x38;
	[tilespmem:$0x1E200] =	vst v63  }
0x5d: {  	_ =	swait.ge [sflag:s9], $0x50  }
0x5e: {  	[sflag:s9] =	ssyncset.done $0x0  }
0x5f: {  	[sflag:s9] =	ssyncadd.s32 $0xFFFFFFB0  }
0x60: {  	_ =	swait.ge [sflag:s9], $0x50  }
0x61: {  	[sflag:s9] =	ssyncset.done $0x0  }
0x62: {  	[sflag:s9] =	ssyncadd.s32 $0xFFFFFFB0  }
0x63: {  	[tilespmem:s10], [sflag:$0x2] =	stream.indirect.gather [hbm4b:s1+s30], $0x80, s0, s30, $0xb8;
	[tilespmem:$0x1E200] =	vst v63  }
0x64: {  	_ = 	snop  }
0x65: {  	[tilespmem:s11], [sflag:$0x2] =	stream.indirect.gather [hbm4b:s5+s30], $0x80, s2, s30, $0xb8;
	[tilespmem:$0x1E200] =	vst v63  }
0x66: {  	_ =	swait.ge [sflag:s12], $0x2800  }
0x67: {  	[sflag:s12] =	ssyncset.done $0x0  }
0x68: {  	[sflag:s12] =	ssyncadd.s32 $0xFFFFD800  }
0x69: {  	_ =	swait.ge [sflag:s12], $0x2800  }
0x6a: {  	[sflag:s12] =	ssyncset.done $0x0  }
0x6b: {  	s16 =	simm.s32 $0x0;
	[sflag:s12] =	ssyncadd.s32 $0xFFFFD800  }
0x6c: {  	v7 =	vld [tilespmem:s16+$0x5200]  }
0x6d: {  	v12 =	vld [tilespmem:s16+$0x5210]  }
0x6e: {  	v6 =	vld [tilespmem:s16+$0x5220]  }
0x6f: {  	v5 =	vld [tilespmem:s16+$0x5230]  }
0x70: {  	v4 =	vld [tilespmem:s16+$0x5240]  }
0x71: {  	v3 =	vld [tilespmem:s16+$0x5250]  }
0x72: {  	v2 =	vld [tilespmem:s16+$0x5260]  }
0x73: {  	v1 =	vld [tilespmem:s16+$0x5270]  }
0x74: {  	v13 =	vld [tilespmem:s16+$0x200]  }
0x75: {  	v14 =	vld [tilespmem:s16+$0x210]  }
0x76: {  	v11 =	vld [tilespmem:s16+$0x220]  }
0x77: {  	v10 =	vld [tilespmem:s16+$0x230]  }
0x78: {  	v9 =	vld [tilespmem:s16+$0x240]  }
0x79: {  	v8 =	vld [tilespmem:s16+$0x250];
	v13 =	vadd.f32 v7, v13  }
0x7a: {  	s17 =	simm.s32 $0x200;
	v12 =	vadd.f32 v12, v14;
	v7 =	vld [tilespmem:s16+$0x260]  }
.LBB2_4:
0x7b: {  	s18 =	sshra.s32 s17, $0x2;
	p0 =	sne.s32 s17, $0x9E00;
	v13 =	vmax.f32 v13, $0.0e+00;
	v6 =	vadd.f32 v6, v11;
	v11 =	vld [tilespmem:s16+$0x270]  }
0x7c: {  	v14 =	vld [tilespmem:s18+$0x5200];
	[tilespmem:s16+$0x200] =	vst v13;
	v12 =	vmax.f32 v12, $0.0e+00;
	v5 =	vadd.f32 v5, v10  }
0x7d: {  	v15 =	vld [tilespmem:s18+$0x5210];
	[tilespmem:s16+$0x210] =	vst v12;
	v10 =	vmax.f32 v6, $0.0e+00;
	v4 =	vadd.f32 v4, v9  }
0x7e: {  	v6 =	vld [tilespmem:s18+$0x5220];
	[tilespmem:s16+$0x220] =	vst v10;
	v9 =	vmax.f32 v5, $0.0e+00;
	v3 =	vadd.f32 v3, v8  }
0x7f: {  	v5 =	vld [tilespmem:s18+$0x5230];
	[tilespmem:s16+$0x230] =	vst v9;
	v8 =	vmax.f32 v4, $0.0e+00;
	v2 =	vadd.f32 v2, v7  }
0x80: {  	v4 =	vld [tilespmem:s18+$0x5240];
	[tilespmem:s16+$0x240] =	vst v8;
	v7 =	vmax.f32 v3, $0.0e+00;
	v1 =	vadd.f32 v1, v11  }
0x81: {  	v3 =	vld [tilespmem:s18+$0x5250];
	[tilespmem:s16+$0x250] =	vst v7;
	v7 =	vmax.f32 v2, $0.0e+00  }
0x82: {  	v2 =	vld [tilespmem:s18+$0x5260];
	[tilespmem:s16+$0x260] =	vst v7;
	v7 =	vmax.f32 v1, $0.0e+00  }
0x83: {  	v1 =	vld [tilespmem:s18+$0x5270];
	[tilespmem:s16+$0x270] =	vst v7;
	s16 =	smov.u32 s18  }
0x84: {  	v7 =	vld [tilespmem:s16+$0x200]  }
0x85: {  	v12 =	vld [tilespmem:s16+$0x210]  }
.Ltmp1:
0x86: {  	v11 =	vld [tilespmem:s16+$0x220];
	(pc) =	sbr.rel @p0 .LBB2_4-.Ltmp1, $4  }
0x87: {  	v10 =	vld [tilespmem:s16+$0x230]  }
0x88: {  	v9 =	vld [tilespmem:s16+$0x240]  }
0x89: {  	v13 =	vadd.f32 v14, v7;
	v8 =	vld [tilespmem:s16+$0x250]  }
0x8a: {  	s17 =	sadd.s32 $0x200, s17;
	v12 =	vadd.f32 v15, v12;
	v7 =	vld [tilespmem:s16+$0x260]  }
0x8b: {  	v13 =	vmax.f32 v13, $0.0e+00;
	v6 =	vadd.f32 v6, v11;
	v63 =	vld [tilespmem:s16+$0x270]  }
0x8c: {  	[tilespmem:s16+$0x200] =	vst v13;
	v12 =	vmax.f32 v12, $0.0e+00;
	v5 =	vadd.f32 v5, v10  }
0x8d: {  	[tilespmem:s16+$0x210] =	vst v12;
	v6 =	vmax.f32 v6, $0.0e+00;
	v4 =	vadd.f32 v4, v9  }
0x8e: {  	[tilespmem:s16+$0x220] =	vst v6;
	v5 =	vmax.f32 v5, $0.0e+00;
	v3 =	vadd.f32 v3, v8  }
0x8f: {  	[tilespmem:s16+$0x230] =	vst v5;
	v4 =	vmax.f32 v4, $0.0e+00;
	v2 =	vadd.f32 v2, v7  }
0x90: {  	[tilespmem:s16+$0x240] =	vst v4;
	v3 =	vmax.f32 v3, $0.0e+00;
	v1 =	vadd.f32 v1, v63  }
0x91: {  	[tilespmem:s16+$0x250] =	vst v3;
	v2 =	vmax.f32 v2, $0.0e+00  }
0x92: {  	[tilespmem:s16+$0x260] =	vst v2;
	v1 =	vmax.f32 v1, $0.0e+00  }
0x93: {  	[tilespmem:s16+$0x270] =	vst v1  }
0x94: {  	[spmem:s3] =	stream.indirect.scatter.add.f32 [tilespmem:s31], [sflag:$0x5], $0x80, s29, s30, $0xb8;
	[tilespmem:$0x1E200] =	vst v63  }
0x95: {  	_ =	swait.ge [sflag:s28], $0x2800  }
0x96: {  	[sflag:s28] =	ssyncset.done $0x0  }
0x97: {  	s16 =	simm.s32 $0x0;
	s17 =	rddreg [dreg:$0xf];
	[sflag:s28] =	ssyncadd.s32 $0xFFFFD800  }
0x98: {  	[tilespmem:s16], [sflag:$0x3] =	stream.linear.gather [hbm4b:s17+s16], $0x50, $0x38;
	[tilespmem:$0x1E200] =	vst v63  }
0x99: {  	s21 =	rddreg [dreg:$0x10];
	s17 =	simm.s32 $0x0  }
0x9a: {  	[tilespmem:s29], [sflag:$0x3] =	stream.linear.gather [hbm4b:s21+s16], $0x50, $0x38;
	[tilespmem:$0x1E200] =	vst v63  }
.LBB2_6:
0x9b: {  	_ =	swait.ge [sflag:s13], $0x50  }
0x9c: {  	[sflag:s13] =	ssyncset.done $0x0  }
0x9d: {  	[sflag:s13] =	ssyncadd.s32 $0xFFFFFFB0  }
0x9e: {  	_ =	swait.ge [sflag:s13], $0x50  }
0x9f: {  	[sflag:s13] =	ssyncset.done $0x0  }
0xa0: {  	[sflag:s13] =	ssyncadd.s32 $0xFFFFFFB0  }
0xa1: {  	[tilespmem:s31], [sflag:$0x1] =	stream.indirect.gather [hbm4b:s1+s30], $0x80, s16, s30, $0xb8;
	[tilespmem:$0x1E200] =	vst v63  }
0xa2: {  	_ = 	snop  }
0xa3: {  	[tilespmem:s26], [sflag:$0x1] =	stream.indirect.gather [hbm4b:s5+s30], $0x80, s29, s30, $0xb8;
	[tilespmem:$0x1E200] =	vst v63  }
0xa4: {  	_ =	swait.ge [sflag:s14], $0x2800  }
0xa5: {  	[sflag:s14] =	ssyncset.done $0x0  }
0xa6: {  	[sflag:s14] =	ssyncadd.s32 $0xFFFFD800  }
0xa7: {  	_ =	swait.ge [sflag:s14], $0x2800  }
0xa8: {  	[sflag:s14] =	ssyncset.done $0x0  }
0xa9: {  	s18 =	simm.s32 $0x0;
	[sflag:s14] =	ssyncadd.s32 $0xFFFFD800  }
0xaa: {  	v7 =	vld [tilespmem:s18+$0x7A00]  }
0xab: {  	v12 =	vld [tilespmem:s18+$0x7A10]  }
0xac: {  	v6 =	vld [tilespmem:s18+$0x7A20]  }
0xad: {  	v5 =	vld [tilespmem:s18+$0x7A30]  }
0xae: {  	v4 =	vld [tilespmem:s18+$0x7A40]  }
0xaf: {  	v3 =	vld [tilespmem:s18+$0x7A50]  }
0xb0: {  	v2 =	vld [tilespmem:s18+$0x7A60]  }
0xb1: {  	v1 =	vld [tilespmem:s18+$0x7A70]  }
0xb2: {  	v13 =	vld [tilespmem:s18+$0x2A00]  }
0xb3: {  	v14 =	vld [tilespmem:s18+$0x2A10]  }
0xb4: {  	v11 =	vld [tilespmem:s18+$0x2A20]  }
0xb5: {  	v10 =	vld [tilespmem:s18+$0x2A30]  }
0xb6: {  	v9 =	vld [tilespmem:s18+$0x2A40]  }
0xb7: {  	v8 =	vld [tilespmem:s18+$0x2A50];
	v13 =	vadd.f32 v7, v13  }
0xb8: {  	s19 =	simm.s32 $0x200;
	v12 =	vadd.f32 v12, v14;
	v7 =	vld [tilespmem:s18+$0x2A60]  }
.LBB2_7:
0xb9: {  	s20 =	sshra.s32 s19, $0x2;
	p0 =	sne.s32 s19, $0x9E00;
	v13 =	vmax.f32 v13, $0.0e+00;
	v6 =	vadd.f32 v6, v11;
	v11 =	vld [tilespmem:s18+$0x2A70]  }
0xba: {  	v14 =	vld [tilespmem:s20+$0x7A00];
	[tilespmem:s18+$0x2A00] =	vst v13;
	v12 =	vmax.f32 v12, $0.0e+00;
	v5 =	vadd.f32 v5, v10  }
0xbb: {  	v15 =	vld [tilespmem:s20+$0x7A10];
	[tilespmem:s18+$0x2A10] =	vst v12;
	v10 =	vmax.f32 v6, $0.0e+00;
	v4 =	vadd.f32 v4, v9  }
0xbc: {  	v6 =	vld [tilespmem:s20+$0x7A20];
	[tilespmem:s18+$0x2A20] =	vst v10;
	v9 =	vmax.f32 v5, $0.0e+00;
	v3 =	vadd.f32 v3, v8  }
0xbd: {  	v5 =	vld [tilespmem:s20+$0x7A30];
	[tilespmem:s18+$0x2A30] =	vst v9;
	v8 =	vmax.f32 v4, $0.0e+00;
	v2 =	vadd.f32 v2, v7  }
0xbe: {  	v4 =	vld [tilespmem:s20+$0x7A40];
	[tilespmem:s18+$0x2A40] =	vst v8;
	v7 =	vmax.f32 v3, $0.0e+00;
	v1 =	vadd.f32 v1, v11  }
0xbf: {  	v3 =	vld [tilespmem:s20+$0x7A50];
	[tilespmem:s18+$0x2A50] =	vst v7;
	v7 =	vmax.f32 v2, $0.0e+00  }
0xc0: {  	v2 =	vld [tilespmem:s20+$0x7A60];
	[tilespmem:s18+$0x2A60] =	vst v7;
	v7 =	vmax.f32 v1, $0.0e+00  }
0xc1: {  	v1 =	vld [tilespmem:s20+$0x7A70];
	[tilespmem:s18+$0x2A70] =	vst v7;
	s18 =	smov.u32 s20  }
0xc2: {  	v7 =	vld [tilespmem:s18+$0x2A00]  }
0xc3: {  	v12 =	vld [tilespmem:s18+$0x2A10]  }
.Ltmp2:
0xc4: {  	v11 =	vld [tilespmem:s18+$0x2A20];
	(pc) =	sbr.rel @p0 .LBB2_7-.Ltmp2, $4  }
0xc5: {  	v10 =	vld [tilespmem:s18+$0x2A30]  }
0xc6: {  	v9 =	vld [tilespmem:s18+$0x2A40]  }
0xc7: {  	v13 =	vadd.f32 v14, v7;
	v8 =	vld [tilespmem:s18+$0x2A50]  }
0xc8: {  	s19 =	sadd.s32 $0x200, s19;
	v12 =	vadd.f32 v15, v12;
	v7 =	vld [tilespmem:s18+$0x2A60]  }
0xc9: {  	v13 =	vmax.f32 v13, $0.0e+00;
	v6 =	vadd.f32 v6, v11;
	v11 =	vld [tilespmem:s18+$0x2A70]  }
0xca: {  	[tilespmem:s18+$0x2A00] =	vst v13;
	v12 =	vmax.f32 v12, $0.0e+00;
	v5 =	vadd.f32 v5, v10  }
0xcb: {  	[tilespmem:s18+$0x2A10] =	vst v12;
	v6 =	vmax.f32 v6, $0.0e+00;
	v4 =	vadd.f32 v4, v9  }
0xcc: {  	[tilespmem:s18+$0x2A20] =	vst v6;
	v5 =	vmax.f32 v5, $0.0e+00;
	v3 =	vadd.f32 v3, v8  }
0xcd: {  	[tilespmem:s18+$0x2A30] =	vst v5;
	v4 =	vmax.f32 v4, $0.0e+00;
	v2 =	vadd.f32 v2, v7  }
0xce: {  	[tilespmem:s18+$0x2A40] =	vst v4;
	v3 =	vmax.f32 v3, $0.0e+00;
	v1 =	vadd.f32 v1, v11  }
0xcf: {  	[tilespmem:s18+$0x2A50] =	vst v3;
	v2 =	vmax.f32 v2, $0.0e+00  }
0xd0: {  	[tilespmem:s18+$0x2A60] =	vst v2;
	v1 =	vmax.f32 v1, $0.0e+00  }
0xd1: {  	[tilespmem:s18+$0x2A70] =	vst v1;
	s18 =	smul.u32 $0xA0, s17  }
0xd2: {  	[spmem:s3] =	stream.indirect.scatter.add.f32 [tilespmem:s10], [sflag:$0x5], $0x80, s2, s30, $0xb8;
	[tilespmem:$0x1E200] =	vst v63  }
0xd3: {  	_ =	swait.ge [sflag:s28], $0x2800;
	s19 =	sadd.s32 s18, s22  }
0xd4: {  	[sflag:s28] =	ssyncset.done $0x0;
	s19 =	sshrl.u32 s19, $0x3  }
0xd5: {  	s21 =	simm.s32 $0x0;
	[sflag:s28] =	ssyncadd.s32 $0xFFFFD800;
	s20 =	sadd.s32 s6, s19  }
0xd6: {  	[tilespmem:s0], [sflag:$0x4] =	stream.linear.gather [hbm4b:s20+s21], $0x50, $0x38;
	[tilespmem:$0x1E200] =	vst v63  }
0xd7: {  	s19 =	sadd.s32 s7, s19  }
0xd8: {  	[tilespmem:s2], [sflag:$0x4] =	stream.linear.gather [hbm4b:s19+s21], $0x50, $0x38;
	[tilespmem:$0x1E200] =	vst v63  }
0xd9: {  	_ =	swait.ge [sflag:s9], $0x50  }
0xda: {  	[sflag:s9] =	ssyncset.done $0x0  }
0xdb: {  	[sflag:s9] =	ssyncadd.s32 $0xFFFFFFB0  }
0xdc: {  	_ =	swait.ge [sflag:s9], $0x50  }
0xdd: {  	[sflag:s9] =	ssyncset.done $0x0  }
0xde: {  	[sflag:s9] =	ssyncadd.s32 $0xFFFFFFB0  }
0xdf: {  	[tilespmem:s10], [sflag:$0x2] =	stream.indirect.gather [hbm4b:s1+s30], $0x80, s0, s30, $0xb8;
	[tilespmem:$0x1E200] =	vst v63  }
0xe0: {  	_ = 	snop  }
0xe1: {  	[tilespmem:s11], [sflag:$0x2] =	stream.indirect.gather [hbm4b:s5+s30], $0x80, s2, s30, $0xb8;
	[tilespmem:$0x1E200] =	vst v63  }
0xe2: {  	_ =	swait.ge [sflag:s12], $0x2800  }
0xe3: {  	[sflag:s12] =	ssyncset.done $0x0  }
0xe4: {  	[sflag:s12] =	ssyncadd.s32 $0xFFFFD800  }
0xe5: {  	_ =	swait.ge [sflag:s12], $0x2800  }
0xe6: {  	[sflag:s12] =	ssyncset.done $0x0  }
0xe7: {  	s19 =	simm.s32 $0x0;
	[sflag:s12] =	ssyncadd.s32 $0xFFFFD800  }
0xe8: {  	v7 =	vld [tilespmem:s19+$0x5200]  }
0xe9: {  	v12 =	vld [tilespmem:s19+$0x5210]  }
0xea: {  	v6 =	vld [tilespmem:s19+$0x5220]  }
0xeb: {  	v5 =	vld [tilespmem:s19+$0x5230]  }
0xec: {  	v4 =	vld [tilespmem:s19+$0x5240]  }
0xed: {  	v3 =	vld [tilespmem:s19+$0x5250]  }
0xee: {  	v2 =	vld [tilespmem:s19+$0x5260]  }
0xef: {  	v1 =	vld [tilespmem:s19+$0x5270]  }
0xf0: {  	v13 =	vld [tilespmem:s19+$0x200]  }
0xf1: {  	v14 =	vld [tilespmem:s19+$0x210]  }
0xf2: {  	v11 =	vld [tilespmem:s19+$0x220]  }
0xf3: {  	v10 =	vld [tilespmem:s19+$0x230]  }
0xf4: {  	v9 =	vld [tilespmem:s19+$0x240]  }
0xf5: {  	v8 =	vld [tilespmem:s19+$0x250];
	v13 =	vadd.f32 v7, v13  }
0xf6: {  	s20 =	simm.s32 $0x200;
	v12 =	vadd.f32 v12, v14;
	v7 =	vld [tilespmem:s19+$0x260]  }
.LBB2_9:
0xf7: {  	s21 =	sshra.s32 s20, $0x2;
	p0 =	sne.s32 s20, $0x9E00;
	v13 =	vmax.f32 v13, $0.0e+00;
	v6 =	vadd.f32 v6, v11;
	v11 =	vld [tilespmem:s19+$0x270]  }
0xf8: {  	v14 =	vld [tilespmem:s21+$0x5200];
	[tilespmem:s19+$0x200] =	vst v13;
	v12 =	vmax.f32 v12, $0.0e+00;
	v5 =	vadd.f32 v5, v10  }
0xf9: {  	v15 =	vld [tilespmem:s21+$0x5210];
	[tilespmem:s19+$0x210] =	vst v12;
	v10 =	vmax.f32 v6, $0.0e+00;
	v4 =	vadd.f32 v4, v9  }
0xfa: {  	v6 =	vld [tilespmem:s21+$0x5220];
	[tilespmem:s19+$0x220] =	vst v10;
	v9 =	vmax.f32 v5, $0.0e+00;
	v3 =	vadd.f32 v3, v8  }
0xfb: {  	v5 =	vld [tilespmem:s21+$0x5230];
	[tilespmem:s19+$0x230] =	vst v9;
	v8 =	vmax.f32 v4, $0.0e+00;
	v2 =	vadd.f32 v2, v7  }
0xfc: {  	v4 =	vld [tilespmem:s21+$0x5240];
	[tilespmem:s19+$0x240] =	vst v8;
	v7 =	vmax.f32 v3, $0.0e+00;
	v1 =	vadd.f32 v1, v11  }
0xfd: {  	v3 =	vld [tilespmem:s21+$0x5250];
	[tilespmem:s19+$0x250] =	vst v7;
	v7 =	vmax.f32 v2, $0.0e+00  }
0xfe: {  	v2 =	vld [tilespmem:s21+$0x5260];
	[tilespmem:s19+$0x260] =	vst v7;
	v7 =	vmax.f32 v1, $0.0e+00  }
0xff: {  	v1 =	vld [tilespmem:s21+$0x5270];
	[tilespmem:s19+$0x270] =	vst v7;
	s19 =	smov.u32 s21  }
0x100: {  	v7 =	vld [tilespmem:s19+$0x200]  }
0x101: {  	v12 =	vld [tilespmem:s19+$0x210]  }
.Ltmp3:
0x102: {  	v11 =	vld [tilespmem:s19+$0x220];
	(pc) =	sbr.rel @p0 .LBB2_9-.Ltmp3, $4  }
0x103: {  	v10 =	vld [tilespmem:s19+$0x230]  }
0x104: {  	v9 =	vld [tilespmem:s19+$0x240]  }
0x105: {  	v13 =	vadd.f32 v14, v7;
	v8 =	vld [tilespmem:s19+$0x250]  }
0x106: {  	s20 =	sadd.s32 $0x200, s20;
	v12 =	vadd.f32 v15, v12;
	v7 =	vld [tilespmem:s19+$0x260]  }
0x107: {  	v13 =	vmax.f32 v13, $0.0e+00;
	v6 =	vadd.f32 v6, v11;
	v63 =	vld [tilespmem:s19+$0x270]  }
0x108: {  	[tilespmem:s19+$0x200] =	vst v13;
	v12 =	vmax.f32 v12, $0.0e+00;
	v5 =	vadd.f32 v5, v10  }
0x109: {  	[tilespmem:s19+$0x210] =	vst v12;
	v6 =	vmax.f32 v6, $0.0e+00;
	v4 =	vadd.f32 v4, v9  }
0x10a: {  	[tilespmem:s19+$0x220] =	vst v6;
	v5 =	vmax.f32 v5, $0.0e+00;
	v3 =	vadd.f32 v3, v8  }
0x10b: {  	[tilespmem:s19+$0x230] =	vst v5;
	v4 =	vmax.f32 v4, $0.0e+00;
	v2 =	vadd.f32 v2, v7  }
0x10c: {  	[tilespmem:s19+$0x240] =	vst v4;
	v3 =	vmax.f32 v3, $0.0e+00;
	v1 =	vadd.f32 v1, v63  }
0x10d: {  	[tilespmem:s19+$0x250] =	vst v3;
	v2 =	vmax.f32 v2, $0.0e+00  }
0x10e: {  	[tilespmem:s19+$0x260] =	vst v2;
	v1 =	vmax.f32 v1, $0.0e+00  }
0x10f: {  	s17 =	sadd.s32 $0x1, s17;
	[tilespmem:s19+$0x270] =	vst v1  }
0x110: {  	[spmem:s3] =	stream.indirect.scatter.add.f32 [tilespmem:s31], [sflag:$0x5], $0x80, s29, s30, $0xb8;
	[tilespmem:$0x1E200] =	vst v63  }
0x111: {  	s18 =	sadd.s32 s18, s23;
	p0 =	sne.s32 s17, $0x3D;
	_ =	swait.ge [sflag:s28], $0x2800  }
.Ltmp4:
0x112: {  	s18 =	sshrl.u32 s18, $0x3;
	[sflag:s28] =	ssyncset.done $0x0;
	(pc) =	sbr.rel @p0 .LBB2_6-.Ltmp4, $4  }
0x113: {  	s21 =	sadd.s32 s6, s18;
	[sflag:s28] =	ssyncadd.s32 $0xFFFFD800  }
0x114: {  	[tilespmem:s4], [sflag:$0x3] =	stream.linear.gather [hbm4b:s21+s4], $0x50, $0x38;
	[tilespmem:$0x1E200] =	vst v63  }
0x115: {  	s18 =	sadd.s32 s7, s18  }
0x116: {  	[tilespmem:s29], [sflag:$0x3] =	stream.linear.gather [hbm4b:s18+s4], $0x50, $0x38;
	[tilespmem:$0x1E200] =	vst v63  }
0x117: {  	_ =	swait.ge [sflag:s13], $0x50  }
0x118: {  	[sflag:s13] =	ssyncset.done $0x0  }
0x119: {  	[sflag:s13] =	ssyncadd.s32 $0xFFFFFFB0  }
0x11a: {  	_ =	swait.ge [sflag:s13], $0x50  }
0x11b: {  	[sflag:s13] =	ssyncset.done $0x0  }
0x11c: {  	s16 =	simm.s32 $0x0;
	[sflag:s13] =	ssyncadd.s32 $0xFFFFFFB0  }
0x11d: {  	[tilespmem:s31], [sflag:$0x1] =	stream.indirect.gather [hbm4b:s1+s30], $0x80, s16, s30, $0xb8;
	[tilespmem:$0x1E200] =	vst v63  }
0x11e: {  	_ = 	snop  }
0x11f: {  	[tilespmem:s26], [sflag:$0x1] =	stream.indirect.gather [hbm4b:s5+s30], $0x80, s29, s30, $0xb8;
	[tilespmem:$0x1E200] =	vst v63  }
0x120: {  	_ =	swait.ge [sflag:s14], $0x2800  }
0x121: {  	[sflag:s14] =	ssyncset.done $0x0  }
0x122: {  	[sflag:s14] =	ssyncadd.s32 $0xFFFFD800  }
0x123: {  	_ =	swait.ge [sflag:s14], $0x2800  }
0x124: {  	[sflag:s14] =	ssyncset.done $0x0  }
0x125: {  	s16 =	simm.s32 $0x0;
	[sflag:s14] =	ssyncadd.s32 $0xFFFFD800  }
0x126: {  	v7 =	vld [tilespmem:s16+$0x7A00]  }
0x127: {  	v12 =	vld [tilespmem:s16+$0x7A10]  }
0x128: {  	v6 =	vld [tilespmem:s16+$0x7A20]  }
0x129: {  	v5 =	vld [tilespmem:s16+$0x7A30]  }
0x12a: {  	v4 =	vld [tilespmem:s16+$0x7A40]  }
0x12b: {  	v3 =	vld [tilespmem:s16+$0x7A50]  }
0x12c: {  	v2 =	vld [tilespmem:s16+$0x7A60]  }
0x12d: {  	v1 =	vld [tilespmem:s16+$0x7A70]  }
0x12e: {  	v13 =	vld [tilespmem:s16+$0x2A00]  }
0x12f: {  	v14 =	vld [tilespmem:s16+$0x2A10]  }
0x130: {  	v11 =	vld [tilespmem:s16+$0x2A20]  }
0x131: {  	v10 =	vld [tilespmem:s16+$0x2A30]  }
0x132: {  	v9 =	vld [tilespmem:s16+$0x2A40]  }
0x133: {  	v8 =	vld [tilespmem:s16+$0x2A50];
	v13 =	vadd.f32 v7, v13  }
0x134: {  	s17 =	simm.s32 $0x200;
	v12 =	vadd.f32 v12, v14;
	v7 =	vld [tilespmem:s16+$0x2A60]  }
.LBB2_12:
0x135: {  	s18 =	sshra.s32 s17, $0x2;
	p0 =	sne.s32 s17, $0x9E00;
	v13 =	vmax.f32 v13, $0.0e+00;
	v6 =	vadd.f32 v6, v11;
	v11 =	vld [tilespmem:s16+$0x2A70]  }
0x136: {  	v14 =	vld [tilespmem:s18+$0x7A00];
	[tilespmem:s16+$0x2A00] =	vst v13;
	v12 =	vmax.f32 v12, $0.0e+00;
	v5 =	vadd.f32 v5, v10  }
0x137: {  	v15 =	vld [tilespmem:s18+$0x7A10];
	[tilespmem:s16+$0x2A10] =	vst v12;
	v10 =	vmax.f32 v6, $0.0e+00;
	v4 =	vadd.f32 v4, v9  }
0x138: {  	v6 =	vld [tilespmem:s18+$0x7A20];
	[tilespmem:s16+$0x2A20] =	vst v10;
	v9 =	vmax.f32 v5, $0.0e+00;
	v3 =	vadd.f32 v3, v8  }
0x139: {  	v5 =	vld [tilespmem:s18+$0x7A30];
	[tilespmem:s16+$0x2A30] =	vst v9;
	v8 =	vmax.f32 v4, $0.0e+00;
	v2 =	vadd.f32 v2, v7  }
0x13a: {  	v4 =	vld [tilespmem:s18+$0x7A40];
	[tilespmem:s16+$0x2A40] =	vst v8;
	v7 =	vmax.f32 v3, $0.0e+00;
	v1 =	vadd.f32 v1, v11  }
0x13b: {  	v3 =	vld [tilespmem:s18+$0x7A50];
	[tilespmem:s16+$0x2A50] =	vst v7;
	v7 =	vmax.f32 v2, $0.0e+00  }
0x13c: {  	v2 =	vld [tilespmem:s18+$0x7A60];
	[tilespmem:s16+$0x2A60] =	vst v7;
	v7 =	vmax.f32 v1, $0.0e+00  }
0x13d: {  	v1 =	vld [tilespmem:s18+$0x7A70];
	[tilespmem:s16+$0x2A70] =	vst v7;
	s16 =	smov.u32 s18  }
0x13e: {  	v7 =	vld [tilespmem:s16+$0x2A00]  }
0x13f: {  	v12 =	vld [tilespmem:s16+$0x2A10]  }
.Ltmp5:
0x140: {  	v11 =	vld [tilespmem:s16+$0x2A20];
	(pc) =	sbr.rel @p0 .LBB2_12-.Ltmp5, $4  }
0x141: {  	v10 =	vld [tilespmem:s16+$0x2A30]  }
0x142: {  	v9 =	vld [tilespmem:s16+$0x2A40]  }
0x143: {  	v13 =	vadd.f32 v14, v7;
	v8 =	vld [tilespmem:s16+$0x2A50]  }
0x144: {  	s17 =	sadd.s32 $0x200, s17;
	v12 =	vadd.f32 v15, v12;
	v7 =	vld [tilespmem:s16+$0x2A60]  }
0x145: {  	v13 =	vmax.f32 v13, $0.0e+00;
	v6 =	vadd.f32 v6, v11;
	v11 =	vld [tilespmem:s16+$0x2A70]  }
0x146: {  	[tilespmem:s16+$0x2A00] =	vst v13;
	v12 =	vmax.f32 v12, $0.0e+00;
	v5 =	vadd.f32 v5, v10  }
0x147: {  	[tilespmem:s16+$0x2A10] =	vst v12;
	v6 =	vmax.f32 v6, $0.0e+00;
	v4 =	vadd.f32 v4, v9  }
0x148: {  	[tilespmem:s16+$0x2A20] =	vst v6;
	v5 =	vmax.f32 v5, $0.0e+00;
	v3 =	vadd.f32 v3, v8  }
0x149: {  	[tilespmem:s16+$0x2A30] =	vst v5;
	v4 =	vmax.f32 v4, $0.0e+00;
	v2 =	vadd.f32 v2, v7  }
0x14a: {  	[tilespmem:s16+$0x2A40] =	vst v4;
	v3 =	vmax.f32 v3, $0.0e+00;
	v1 =	vadd.f32 v1, v11  }
0x14b: {  	[tilespmem:s16+$0x2A50] =	vst v3;
	v2 =	vmax.f32 v2, $0.0e+00  }
0x14c: {  	[tilespmem:s16+$0x2A60] =	vst v2;
	v1 =	vmax.f32 v1, $0.0e+00  }
0x14d: {  	[tilespmem:s16+$0x2A70] =	vst v1  }
0x14e: {  	[spmem:s3] =	stream.indirect.scatter.add.f32 [tilespmem:s10], [sflag:$0x5], $0x80, s2, s30, $0xb8;
	[tilespmem:$0x1E200] =	vst v63  }
0x14f: {  	_ =	swait.ge [sflag:s28], $0x2800  }
0x150: {  	[sflag:s28] =	ssyncset.done $0x0  }
0x151: {  	[sflag:s28] =	ssyncadd.s32 $0xFFFFD800  }
0x152: {  	_ =	swait.ge [sflag:s12], $0x2800  }
0x153: {  	[sflag:s12] =	ssyncset.done $0x0  }
0x154: {  	[sflag:s12] =	ssyncadd.s32 $0xFFFFD800  }
0x155: {  	_ =	swait.ge [sflag:s12], $0x2800  }
0x156: {  	[sflag:s12] =	ssyncset.done $0x0  }
0x157: {  	s16 =	simm.s32 $0x0;
	[sflag:s12] =	ssyncadd.s32 $0xFFFFD800  }
0x158: {  	v7 =	vld [tilespmem:s16+$0x5200]  }
0x159: {  	v12 =	vld [tilespmem:s16+$0x5210]  }
0x15a: {  	v6 =	vld [tilespmem:s16+$0x5220]  }
0x15b: {  	v5 =	vld [tilespmem:s16+$0x5230]  }
0x15c: {  	v4 =	vld [tilespmem:s16+$0x5240]  }
0x15d: {  	v3 =	vld [tilespmem:s16+$0x5250]  }
0x15e: {  	v2 =	vld [tilespmem:s16+$0x5260]  }
0x15f: {  	v1 =	vld [tilespmem:s16+$0x5270]  }
0x160: {  	v13 =	vld [tilespmem:s16+$0x200]  }
0x161: {  	v14 =	vld [tilespmem:s16+$0x210]  }
0x162: {  	v11 =	vld [tilespmem:s16+$0x220]  }
0x163: {  	v10 =	vld [tilespmem:s16+$0x230]  }
0x164: {  	v9 =	vld [tilespmem:s16+$0x240]  }
0x165: {  	v8 =	vld [tilespmem:s16+$0x250];
	v13 =	vadd.f32 v7, v13  }
0x166: {  	s17 =	simm.s32 $0x200;
	v12 =	vadd.f32 v12, v14;
	v7 =	vld [tilespmem:s16+$0x260]  }
.LBB2_14:
0x167: {  	s18 =	sshra.s32 s17, $0x2;
	p0 =	sne.s32 s17, $0x9E00;
	v13 =	vmax.f32 v13, $0.0e+00;
	v6 =	vadd.f32 v6, v11;
	v11 =	vld [tilespmem:s16+$0x270]  }
0x168: {  	v14 =	vld [tilespmem:s18+$0x5200];
	[tilespmem:s16+$0x200] =	vst v13;
	v12 =	vmax.f32 v12, $0.0e+00;
	v5 =	vadd.f32 v5, v10  }
0x169: {  	v15 =	vld [tilespmem:s18+$0x5210];
	[tilespmem:s16+$0x210] =	vst v12;
	v10 =	vmax.f32 v6, $0.0e+00;
	v4 =	vadd.f32 v4, v9  }
0x16a: {  	v6 =	vld [tilespmem:s18+$0x5220];
	[tilespmem:s16+$0x220] =	vst v10;
	v9 =	vmax.f32 v5, $0.0e+00;
	v3 =	vadd.f32 v3, v8  }
0x16b: {  	v5 =	vld [tilespmem:s18+$0x5230];
	[tilespmem:s16+$0x230] =	vst v9;
	v8 =	vmax.f32 v4, $0.0e+00;
	v2 =	vadd.f32 v2, v7  }
0x16c: {  	v4 =	vld [tilespmem:s18+$0x5240];
	[tilespmem:s16+$0x240] =	vst v8;
	v7 =	vmax.f32 v3, $0.0e+00;
	v1 =	vadd.f32 v1, v11  }
0x16d: {  	v3 =	vld [tilespmem:s18+$0x5250];
	[tilespmem:s16+$0x250] =	vst v7;
	v7 =	vmax.f32 v2, $0.0e+00  }
0x16e: {  	v2 =	vld [tilespmem:s18+$0x5260];
	[tilespmem:s16+$0x260] =	vst v7;
	v7 =	vmax.f32 v1, $0.0e+00  }
0x16f: {  	v1 =	vld [tilespmem:s18+$0x5270];
	[tilespmem:s16+$0x270] =	vst v7;
	s16 =	smov.u32 s18  }
0x170: {  	v7 =	vld [tilespmem:s16+$0x200]  }
0x171: {  	v12 =	vld [tilespmem:s16+$0x210]  }
.Ltmp6:
0x172: {  	v11 =	vld [tilespmem:s16+$0x220];
	(pc) =	sbr.rel @p0 .LBB2_14-.Ltmp6, $4  }
0x173: {  	v10 =	vld [tilespmem:s16+$0x230]  }
0x174: {  	v9 =	vld [tilespmem:s16+$0x240]  }
0x175: {  	v13 =	vadd.f32 v14, v7;
	v8 =	vld [tilespmem:s16+$0x250]  }
0x176: {  	s17 =	sadd.s32 $0x200, s17;
	v12 =	vadd.f32 v15, v12;
	v7 =	vld [tilespmem:s16+$0x260]  }
0x177: {  	v13 =	vmax.f32 v13, $0.0e+00;
	v6 =	vadd.f32 v6, v11;
	v63 =	vld [tilespmem:s16+$0x270]  }
0x178: {  	[tilespmem:s16+$0x200] =	vst v13;
	v12 =	vmax.f32 v12, $0.0e+00;
	v5 =	vadd.f32 v5, v10  }
0x179: {  	[tilespmem:s16+$0x210] =	vst v12;
	v6 =	vmax.f32 v6, $0.0e+00;
	v4 =	vadd.f32 v4, v9  }
0x17a: {  	[tilespmem:s16+$0x220] =	vst v6;
	v5 =	vmax.f32 v5, $0.0e+00;
	v3 =	vadd.f32 v3, v8  }
0x17b: {  	[tilespmem:s16+$0x230] =	vst v5;
	v4 =	vmax.f32 v4, $0.0e+00;
	v2 =	vadd.f32 v2, v7  }
0x17c: {  	[tilespmem:s16+$0x240] =	vst v4;
	v3 =	vmax.f32 v3, $0.0e+00;
	v1 =	vadd.f32 v1, v63  }
0x17d: {  	[tilespmem:s16+$0x250] =	vst v3;
	v2 =	vmax.f32 v2, $0.0e+00  }
0x17e: {  	[tilespmem:s16+$0x260] =	vst v2;
	v1 =	vmax.f32 v1, $0.0e+00  }
0x17f: {  	[tilespmem:s16+$0x270] =	vst v1  }
0x180: {  	[spmem:s3] =	stream.indirect.scatter.add.f32 [tilespmem:s31], [sflag:$0x5], $0x80, s29, s30, $0xb8;
	[tilespmem:$0x1E200] =	vst v63  }
0x181: {  	s21 =	stileid.u32;
	_ =	swait.ge [sflag:s28], $0x2800  }
0x182: {  	s17 =	sshrl.u32 s8, $0x3;
	s15 =	sadd.s32 $0x1, s15;
	[sflag:s28] =	ssyncset.done $0x0  }
0x183: {  	p0 =	sne.s32 s15, s25;
	s16 =	sshll.u32 s21, $0x6;
	[sflag:s28] =	ssyncadd.s32 $0xFFFFD800  }
.Ltmp7:
0x184: {  	s16 =	sor.u32 $0x1C05, s16;
	[bflag:$0x0] =	sbarrier.arrive $0xFFFF;
	(pc) =	sbr.rel @p0 .LBB2_1-.Ltmp7, $4  }
0x185: {  	[hbm:s24], [sflag:s16] =	dma.local [spmem:s17], $0x2800  }
0x186: {  	_ =	swait.ge [sflag:s28], $0x2800  }
0x187: {  	[sflag:s28] =	ssyncset.done $0x0  }
0x188: {  	[sflag:s28] =	ssyncadd.s32 $0xFFFFD800  }
0x189: {  	_ =	sfence.sel $0x180000  }
0x18a: {  	[bflag:$0x0] =	sbarrier.arrive $0xFFFF  }
0x18b: {  	_ =	strace $0x90000047  }
0x18c: {  	s0 =	stileid.u32;
	[bflag:$0x2] =	sbarrier.arrive $0xFFFF  }
0x18d: {  	p0 =	sne.s32 s0, $0x0;
	s0 =	rddreg [dreg:$0x3]  }
0x18e: {  	s0 =	sadd.s32 @!p0 $0x100000, s0  }
0x18f: {  	[sflag:s0] =	ssyncadd.tile.s32 @!p0 $0x1;
	_ =	shalt  }
.Lfunc_end2:
_tile_overlayer_lowered:
.L_overlay_start_2:
0x190: {  	(tag) =	ssettag $0x2  }
0x191: {  	s0 =	rddreg [dreg:$0x0];
	s2 =	stileid.u32  }
0x192: {  	s1 =	rddreg [dreg:$0x1];
	p0 =	sne.s32 s2, $0x0  }
0x193: {  	s3 =	rddreg [dreg:$0x2];
	[bflag:$0x3] =	sbarrier.arrive $0xFFFF;
	s2 =	simm.s32 @!p0 $0x1C05  }
0x194: {  	[timem:s3], [sflag:s2] =	dma.local @!p0 [hbm:s0], s1  }
0x195: {  	s0 =	simm.s32 @!p0 $0x5  }
0x196: {  	_ =	swait.ge @!p0 [sflag:s0], s1  }
0x197: {  	s1 =	ssub.s32 @!p0 $0x0, s1;
	[sflag:s0] =	ssyncset.done @!p0 $0x0  }
0x198: {  	[sflag:s0] =	ssyncadd.s32 @!p0 s1  }
0x199: {  	[bflag:$0x3] =	sbarrier.arrive $0xFFFF  }
0x19a: {  	_ =	shalt  }

</sc_bundles>
